<compile_context>
chip_gen: v7x
topology: tpu7x:2x2x1
jax: 0.10.2.dev20260603
libtpu: 0.0.44.dev20260713+nightly
codegen_flags: <defaults>
</compile_context>

<pallas_src>
import jax
import jax.numpy as jnp
from jax import lax
from jax.experimental import pallas as pl
from jax.experimental.pallas import tpu as pltpu
from jax.experimental.pallas import tpu_sc as plsc

_VOCAB = 32000
_EXTRA = 512
_ROW = _VOCAB + _EXTRA
_N = 4096
_EPS = 1e-20
_LN2 = 0.6931471805599453
_SQRT2 = 1.4142135623730951

_NC, _NS, _L = 1, 16, 16
_TILES_PER_ROW = _ROW // 128
_NW = _NC * _NS
_RPW = _N // _NW
_CH = _RPW // _L
_G = 128


def _neg_log(p):
    bits = lax.bitcast_convert_type(p, jnp.int32)
    e = (bits >> 23) - 127
    m = lax.bitcast_convert_type((bits & 0x007FFFFF) | 0x3F800000, jnp.float32)
    ef = e.astype(jnp.float32)
    big = m >= _SQRT2
    m = jnp.where(big, m * 0.5, m)
    ef = jnp.where(big, ef + 1.0, ef)
    t = m - 1.0
    s = t / (2.0 + t)
    z = s * s
    poly = (1.0 / 3.0) + z * (0.2 + z * ((1.0 / 7.0) + z * (1.0 / 9.0)))
    return -(ef * _LN2 + (2.0 * s) * (1.0 + z * poly))


def _body(scores_hbm, align_hbm, target_hbm, out_hbm,
          al_v, tg_v, ti_v, ci_v, vg_v, cg_v, ls_v, sem_t, sem_c):
    wid = lax.axis_index("s") * _NC + lax.axis_index("c")
    base = wid * _RPW
    ca = pltpu.async_copy(align_hbm.at[pl.ds(base, _RPW)], al_v, sem_t)
    cg = pltpu.async_copy(target_hbm.at[pl.ds(base, _RPW)], tg_v, sem_c)
    ca.wait()
    cg.wait()
    lane = lax.iota(jnp.int32, _L)
    waits = []
    for k in range(_RPW // _G):
        for jj in range(_G // _L):
            o = k * _G + jj * _L
            rows = base + o + lane
            rbase = (rows >> 3) * (_TILES_PER_ROW * 1024) + ((rows & 7) << 7)
            t = jnp.maximum(tg_v[pl.ds(o, _L)], 0)
            ti_v[k, pl.ds(jj * _L, _L)] = rbase + ((t >> 7) << 10) + (t & 127)
            c = _VOCAB + al_v[pl.ds(o, _L)]
            ci_v[k, pl.ds(jj * _L, _L)] = rbase + ((c >> 7) << 10) + (c & 127)
        waits.append(pltpu.async_copy(scores_hbm.at[ti_v.at[k]],
                                      vg_v.at[k], sem_t))
        waits.append(pltpu.async_copy(scores_hbm.at[ci_v.at[k]],
                                      cg_v.at[k], sem_c))
    for w in waits:
        w.wait()
    for j in range(_CH):
        o = j * _L
        k, oo = j // (_G // _L), (j % (_G // _L)) * _L
        t = tg_v[pl.ds(o, _L)]
        a = al_v[pl.ds(o, _L)]
        vp = vg_v[k, pl.ds(oo, _L)]
        cp = cg_v[k, pl.ds(oo, _L)]
        a_unk = a == 0
        cp = jnp.where(a_unk, 0.0, cp) + _EPS
        non_copy = a_unk | (t != 0)
        p = jnp.where(non_copy, cp + vp, cp)
        loss = _neg_log(p)
        ls_v[pl.ds(o, _L)] = jnp.where(t == -100, 0.0, loss)
    pltpu.sync_copy(ls_v, out_hbm.at[pl.ds(base, _RPW)])


_sc_loss = pl.kernel(
    _body,
    mesh=plsc.VectorSubcoreMesh(core_axis_name="c", subcore_axis_name="s",
                                num_cores=1),
    out_type=jax.ShapeDtypeStruct((_N,), jnp.float32),
    scratch_types=[
        pltpu.VMEM((_RPW,), jnp.int32),
        pltpu.VMEM((_RPW,), jnp.int32),
        pltpu.VMEM((_RPW // _G, _G), jnp.int32),
        pltpu.VMEM((_RPW // _G, _G), jnp.int32),
        pltpu.VMEM((_RPW // _G, _G), jnp.float32),
        pltpu.VMEM((_RPW // _G, _G), jnp.float32),
        pltpu.VMEM((_RPW,), jnp.float32),
        pltpu.SemaphoreType.DMA,
        pltpu.SemaphoreType.DMA,
    ],
)


def kernel(scores, align, target):
    flat = (scores.reshape(_N // 8, 8, _TILES_PER_ROW, 128)
            .transpose(0, 2, 1, 3).reshape(-1))
    return _sc_loss(flat, align.astype(jnp.int32), target.astype(jnp.int32))

# --- scband reference (transcript-rebuilt; emitter-appended) ---
"""Pipeline reference for scband-multi-source-copy-generator-loss-17102559772959 (READ-ONLY COPY).

The authoritative reference and input builder live on the scoring server;
editing this copy changes nothing except your own understanding.
"""

import jax, jax.numpy as jnp
import numpy as np

VOCAB_SIZE = 32000
EXTRA_VOCAB = 512
UNK_INDEX = 0
IGNORE_INDEX = -100
EPS = 1e-20
FORCE_COPY = False
N_TOK = 4096


def setup_inputs(seed: int = 0) -> dict:
    key = jax.random.key(seed)
    k1, k2, k3 = jax.random.split(key, 3)
    scores = jax.random.uniform(k1, (N_TOK, VOCAB_SIZE + EXTRA_VOCAB), dtype=jnp.float32)
    align = jax.random.randint(k2, (N_TOK,), 0, EXTRA_VOCAB)
    target = jax.random.randint(k3, (N_TOK,), 0, VOCAB_SIZE)
    return {"scores": scores, "align": align, "target": target}


def reference(scores, align, target):
    # vocab_probs = scores.gather(1, target.unsqueeze(1)).squeeze(1)
    vocab_probs = jnp.take_along_axis(scores, target[:, None], axis=1)[:, 0]
    # copy_ix = align + vocab_size; copy_tok_probs = scores.gather(1, copy_ix)
    copy_ix = align + VOCAB_SIZE
    copy_tok_probs = jnp.take_along_axis(scores, copy_ix[:, None], axis=1)[:, 0]
    # copy_tok_probs[align == unk_index] = 0
    copy_tok_probs = jnp.where(align == UNK_INDEX, 0.0, copy_tok_probs)
    # copy_tok_probs += eps
    copy_tok_probs = copy_tok_probs + EPS
    non_copy = (align == UNK_INDEX)
    if not FORCE_COPY:
        non_copy = non_copy | (target != UNK_INDEX)
    probs = jnp.where(non_copy, copy_tok_probs + vocab_probs, copy_tok_probs)
    loss = -jnp.log(probs)
    loss = jnp.where(target == IGNORE_INDEX, 0.0, loss)
    return loss

if __name__ == "__main__":
    import jax
    _d = setup_inputs()
    print(jax.jit(kernel)(*tuple(_d.values())))

</pallas_src>

<mosaic_0001>
#map = affine_map<(d0, d1) -> (0)>
module attributes {stable_mosaic.version = 14 : i64} {
  func.func @_body(%arg0: i32, %arg1: i32, %arg2: memref<133169152xf32, #tpu.memory_space<hbm>>, %arg3: memref<4096xi32, #tpu.memory_space<hbm>>, %arg4: memref<4096xi32, #tpu.memory_space<hbm>>, %arg5: memref<4096xf32, #tpu.memory_space<hbm>>, %arg6: memref<256xi32, #tpu.memory_space<vmem>>, %arg7: memref<256xi32, #tpu.memory_space<vmem>>, %arg8: memref<2x128xi32, #tpu.memory_space<vmem>>, %arg9: memref<2x128xi32, #tpu.memory_space<vmem>>, %arg10: memref<2x128xf32, #tpu.memory_space<vmem>>, %arg11: memref<2x128xf32, #tpu.memory_space<vmem>>, %arg12: memref<256xf32, #tpu.memory_space<vmem>>, %arg13: memref<!tpu.dma_semaphore, #tpu.memory_space<semaphore_mem>>, %arg14: memref<!tpu.dma_semaphore, #tpu.memory_space<semaphore_mem>>) attributes {dimension_semantics = [#tpu.dimension_semantics<core_parallel>, #tpu.dimension_semantics<subcore_parallel>], iteration_bounds = array<i64: 1, 16>, scalar_prefetch = 0 : i64, scratch_operands = 9 : i64, tpu.core_type = #tpu.core_type<sc_vector_subcore>, window_params = [{transform_indices = #map}, {transform_indices = #map}, {transform_indices = #map}, {transform_indices = #map}]} {
    %mul3A = arith.constant 1 : i32
    %mul3A_0 = arith.muli %arg1, %mul3A : i32
    %add3A = arith.addi %mul3A_0, %arg0 : i32
    %mul3A_1 = arith.constant 256 : i32
    %mul3A_2 = arith.muli %add3A, %mul3A_1 : i32
    %dma_start3A = tpu.memref_slice %arg3[%mul3A_2] : memref<4096xi32, #tpu.memory_space<hbm>> -> memref<256xi32, #tpu.memory_space<hbm>>
    %dma_start3A_3 = tpu.memref_slice %arg3[%mul3A_2] : memref<4096xi32, #tpu.memory_space<hbm>> -> memref<256xi32, #tpu.memory_space<hbm>>
    tpu.enqueue_dma source(%dma_start3A_3 : memref<256xi32, #tpu.memory_space<hbm>>) target(%arg6 : memref<256xi32, #tpu.memory_space<vmem>>) target_semaphore(%arg13 : memref<!tpu.dma_semaphore, #tpu.memory_space<semaphore_mem>>)
    %dma_start3A_4 = tpu.memref_slice %arg4[%mul3A_2] : memref<4096xi32, #tpu.memory_space<hbm>> -> memref<256xi32, #tpu.memory_space<hbm>>
    %dma_start3A_5 = tpu.memref_slice %arg4[%mul3A_2] : memref<4096xi32, #tpu.memory_space<hbm>> -> memref<256xi32, #tpu.memory_space<hbm>>
    tpu.enqueue_dma source(%dma_start3A_5 : memref<256xi32, #tpu.memory_space<hbm>>) target(%arg7 : memref<256xi32, #tpu.memory_space<vmem>>) target_semaphore(%arg14 : memref<!tpu.dma_semaphore, #tpu.memory_space<semaphore_mem>>)
    %dma_wait3A = tpu.memref_slice %arg3[%mul3A_2] : memref<4096xi32, #tpu.memory_space<hbm>> -> memref<256xi32, #tpu.memory_space<hbm>>
    %dma_wait3A_6 = tpu.memref_slice %arg3[%mul3A_2] : memref<4096xi32, #tpu.memory_space<hbm>> -> memref<256xi32, #tpu.memory_space<hbm>>
    tpu.wait_dma2 semaphore(%arg13 : memref<!tpu.dma_semaphore, #tpu.memory_space<semaphore_mem>>) src(%dma_wait3A_6 : memref<256xi32, #tpu.memory_space<hbm>>) dst(%arg6 : memref<256xi32, #tpu.memory_space<vmem>>)
    %dma_wait3A_7 = tpu.memref_slice %arg4[%mul3A_2] : memref<4096xi32, #tpu.memory_space<hbm>> -> memref<256xi32, #tpu.memory_space<hbm>>
    %dma_wait3A_8 = tpu.memref_slice %arg4[%mul3A_2] : memref<4096xi32, #tpu.memory_space<hbm>> -> memref<256xi32, #tpu.memory_space<hbm>>
    tpu.wait_dma2 semaphore(%arg14 : memref<!tpu.dma_semaphore, #tpu.memory_space<semaphore_mem>>) src(%dma_wait3A_8 : memref<256xi32, #tpu.memory_space<hbm>>) dst(%arg7 : memref<256xi32, #tpu.memory_space<vmem>>)
    %iota3A = tpu.iota {dimensions = array<i32: 0>} : vector<16xi32>
    %add3A_9 = arith.constant 0 : i32
    %add3A_10 = arith.addi %mul3A_2, %add3A_9 : i32
    %add3A_11 = vector.broadcast %add3A_10 : i32 to vector<16xi32>
    %add3A_12 = arith.addi %add3A_11, %iota3A : vector<16xi32>
    %shift_right_arithmetic3A = arith.constant 3 : i32
    %shift_right_arithmetic3A_13 = vector.broadcast %shift_right_arithmetic3A : i32 to vector<16xi32>
    %shift_right_arithmetic3A_14 = arith.shrsi %add3A_12, %shift_right_arithmetic3A_13 : vector<16xi32>
    %mul3A_15 = arith.constant 260096 : i32
    %mul3A_16 = vector.broadcast %mul3A_15 : i32 to vector<16xi32>
    %mul3A_17 = arith.muli %shift_right_arithmetic3A_14, %mul3A_16 : vector<16xi32>
    %and3A = arith.constant 7 : i32
    %and3A_18 = vector.broadcast %and3A : i32 to vector<16xi32>
    %and3A_19 = arith.andi %add3A_12, %and3A_18 : vector<16xi32>
    %shift_left3A = arith.constant 7 : i32
    %shift_left3A_20 = vector.broadcast %shift_left3A : i32 to vector<16xi32>
    %shift_left3A_21 = arith.shli %and3A_19, %shift_left3A_20 : vector<16xi32>
    %add3A_22 = arith.addi %mul3A_17, %shift_left3A_21 : vector<16xi32>
    %get3A = arith.constant 0 : index
    %get3A_23 = tpu.vector_load %arg7[%get3A] {strides = array<i32>} : memref<256xi32, #tpu.memory_space<vmem>>, vector<16xi32>,
    %get3A_24 = vector.shape_cast %get3A_23 : vector<16xi32> to vector<16xi32>
    %max3A = arith.constant 0 : i32
    %max3A_25 = vector.broadcast %max3A : i32 to vector<16xi32>
    %max3A_26 = arith.maxsi %get3A_24, %max3A_25 : vector<16xi32>
    %shift_right_arithmetic3A_27 = arith.constant 7 : i32
    %shift_right_arithmetic3A_28 = vector.broadcast %shift_right_arithmetic3A_27 : i32 to vector<16xi32>
    %shift_right_arithmetic3A_29 = arith.shrsi %max3A_26, %shift_right_arithmetic3A_28 : vector<16xi32>
    %shift_left3A_30 = arith.constant 10 : i32
    %shift_left3A_31 = vector.broadcast %shift_left3A_30 : i32 to vector<16xi32>
    %shift_left3A_32 = arith.shli %shift_right_arithmetic3A_29, %shift_left3A_31 : vector<16xi32>
    %add3A_33 = arith.addi %add3A_22, %shift_left3A_32 : vector<16xi32>
    %and3A_34 = arith.constant 127 : i32
    %and3A_35 = vector.broadcast %and3A_34 : i32 to vector<16xi32>
    %and3A_36 = arith.andi %max3A_26, %and3A_35 : vector<16xi32>
    %add3A_37 = arith.addi %add3A_33, %and3A_36 : vector<16xi32>
    %swap3A = arith.constant 0 : i32
    %swap3A_38 = arith.index_cast %swap3A : i32 to index
    %swap3A_39 = arith.constant 0 : index
    %swap3A_40 = tpu.vector_load %arg8[%swap3A_38, %swap3A_39] {strides = array<i32>} : memref<2x128xi32, #tpu.memory_space<vmem>>, vector<1x16xi32>,
    %swap3A_41 = vector.shape_cast %swap3A_40 : vector<1x16xi32> to vector<16xi32>
    %swap3A_42 = vector.shape_cast %add3A_37 : vector<16xi32> to vector<1x16xi32>
    tpu.vector_store %arg8[%swap3A_38, %swap3A_39], %swap3A_42 {strides = array<i32>} : memref<2x128xi32, #tpu.memory_space<vmem>>, vector<1x16xi32>,
    %get3A_43 = arith.constant 0 : index
    %get3A_44 = tpu.vector_load %arg6[%get3A_43] {strides = array<i32>} : memref<256xi32, #tpu.memory_space<vmem>>, vector<16xi32>,
    %get3A_45 = vector.shape_cast %get3A_44 : vector<16xi32> to vector<16xi32>
    %add3A_46 = arith.constant 32000 : i32
    %add3A_47 = vector.broadcast %add3A_46 : i32 to vector<16xi32>
    %add3A_48 = arith.addi %add3A_47, %get3A_45 : vector<16xi32>
    %shift_right_arithmetic3A_49 = arith.constant 7 : i32
    %shift_right_arithmetic3A_50 = vector.broadcast %shift_right_arithmetic3A_49 : i32 to vector<16xi32>
    %shift_right_arithmetic3A_51 = arith.shrsi %add3A_48, %shift_right_arithmetic3A_50 : vector<16xi32>
    %shift_left3A_52 = arith.constant 10 : i32
    %shift_left3A_53 = vector.broadcast %shift_left3A_52 : i32 to vector<16xi32>
    %shift_left3A_54 = arith.shli %shift_right_arithmetic3A_51, %shift_left3A_53 : vector<16xi32>
    %add3A_55 = arith.addi %add3A_22, %shift_left3A_54 : vector<16xi32>
    %and3A_56 = arith.constant 127 : i32
    %and3A_57 = vector.broadcast %and3A_56 : i32 to vector<16xi32>
    %and3A_58 = arith.andi %add3A_48, %and3A_57 : vector<16xi32>
    %add3A_59 = arith.addi %add3A_55, %and3A_58 : vector<16xi32>
    %swap3A_60 = arith.constant 0 : i32
    %swap3A_61 = arith.index_cast %swap3A_60 : i32 to index
    %swap3A_62 = arith.constant 0 : index
    %swap3A_63 = tpu.vector_load %arg9[%swap3A_61, %swap3A_62] {strides = array<i32>} : memref<2x128xi32, #tpu.memory_space<vmem>>, vector<1x16xi32>,
    %swap3A_64 = vector.shape_cast %swap3A_63 : vector<1x16xi32> to vector<16xi32>
    %swap3A_65 = vector.shape_cast %add3A_59 : vector<16xi32> to vector<1x16xi32>
    tpu.vector_store %arg9[%swap3A_61, %swap3A_62], %swap3A_65 {strides = array<i32>} : memref<2x128xi32, #tpu.memory_space<vmem>>, vector<1x16xi32>,
    %add3A_66 = arith.constant 16 : i32
    %add3A_67 = arith.addi %mul3A_2, %add3A_66 : i32
    %add3A_68 = vector.broadcast %add3A_67 : i32 to vector<16xi32>
    %add3A_69 = arith.addi %add3A_68, %iota3A : vector<16xi32>
    %shift_right_arithmetic3A_70 = arith.constant 3 : i32
    %shift_right_arithmetic3A_71 = vector.broadcast %shift_right_arithmetic3A_70 : i32 to vector<16xi32>
    %shift_right_arithmetic3A_72 = arith.shrsi %add3A_69, %shift_right_arithmetic3A_71 : vector<16xi32>
    %mul3A_73 = arith.constant 260096 : i32
    %mul3A_74 = vector.broadcast %mul3A_73 : i32 to vector<16xi32>
    %mul3A_75 = arith.muli %shift_right_arithmetic3A_72, %mul3A_74 : vector<16xi32>
    %and3A_76 = arith.constant 7 : i32
    %and3A_77 = vector.broadcast %and3A_76 : i32 to vector<16xi32>
    %and3A_78 = arith.andi %add3A_69, %and3A_77 : vector<16xi32>
    %shift_left3A_79 = arith.constant 7 : i32
    %shift_left3A_80 = vector.broadcast %shift_left3A_79 : i32 to vector<16xi32>
    %shift_left3A_81 = arith.shli %and3A_78, %shift_left3A_80 : vector<16xi32>
    %add3A_82 = arith.addi %mul3A_75, %shift_left3A_81 : vector<16xi32>
    %get3A_83 = arith.constant 16 : index
    %get3A_84 = tpu.vector_load %arg7[%get3A_83] {strides = array<i32>} : memref<256xi32, #tpu.memory_space<vmem>>, vector<16xi32>,
    %get3A_85 = vector.shape_cast %get3A_84 : vector<16xi32> to vector<16xi32>
    %max3A_86 = arith.constant 0 : i32
    %max3A_87 = vector.broadcast %max3A_86 : i32 to vector<16xi32>
    %max3A_88 = arith.maxsi %get3A_85, %max3A_87 : vector<16xi32>
    %shift_right_arithmetic3A_89 = arith.constant 7 : i32
    %shift_right_arithmetic3A_90 = vector.broadcast %shift_right_arithmetic3A_89 : i32 to vector<16xi32>
    %shift_right_arithmetic3A_91 = arith.shrsi %max3A_88, %shift_right_arithmetic3A_90 : vector<16xi32>
    %shift_left3A_92 = arith.constant 10 : i32
    %shift_left3A_93 = vector.broadcast %shift_left3A_92 : i32 to vector<16xi32>
    %shift_left3A_94 = arith.shli %shift_right_arithmetic3A_91, %shift_left3A_93 : vector<16xi32>
    %add3A_95 = arith.addi %add3A_82, %shift_left3A_94 : vector<16xi32>
    %and3A_96 = arith.constant 127 : i32
    %and3A_97 = vector.broadcast %and3A_96 : i32 to vector<16xi32>
    %and3A_98 = arith.andi %max3A_88, %and3A_97 : vector<16xi32>
    %add3A_99 = arith.addi %add3A_95, %and3A_98 : vector<16xi32>
    %swap3A_100 = arith.constant 0 : i32
    %swap3A_101 = arith.index_cast %swap3A_100 : i32 to index
    %swap3A_102 = arith.constant 16 : index
    %swap3A_103 = tpu.vector_load %arg8[%swap3A_101, %swap3A_102] {strides = array<i32>} : memref<2x128xi32, #tpu.memory_space<vmem>>, vector<1x16xi32>,
    %swap3A_104 = vector.shape_cast %swap3A_103 : vector<1x16xi32> to vector<16xi32>
    %swap3A_105 = vector.shape_cast %add3A_99 : vector<16xi32> to vector<1x16xi32>
    tpu.vector_store %arg8[%swap3A_101, %swap3A_102], %swap3A_105 {strides = array<i32>} : memref<2x128xi32, #tpu.memory_space<vmem>>, vector<1x16xi32>,
    %get3A_106 = arith.constant 16 : index
    %get3A_107 = tpu.vector_load %arg6[%get3A_106] {strides = array<i32>} : memref<256xi32, #tpu.memory_space<vmem>>, vector<16xi32>,
    %get3A_108 = vector.shape_cast %get3A_107 : vector<16xi32> to vector<16xi32>
    %add3A_109 = arith.constant 32000 : i32
    %add3A_110 = vector.broadcast %add3A_109 : i32 to vector<16xi32>
    %add3A_111 = arith.addi %add3A_110, %get3A_108 : vector<16xi32>
    %shift_right_arithmetic3A_112 = arith.constant 7 : i32
    %shift_right_arithmetic3A_113 = vector.broadcast %shift_right_arithmetic3A_112 : i32 to vector<16xi32>
    %shift_right_arithmetic3A_114 = arith.shrsi %add3A_111, %shift_right_arithmetic3A_113 : vector<16xi32>
    %shift_left3A_115 = arith.constant 10 : i32
    %shift_left3A_116 = vector.broadcast %shift_left3A_115 : i32 to vector<16xi32>
    %shift_left3A_117 = arith.shli %shift_right_arithmetic3A_114, %shift_left3A_116 : vector<16xi32>
    %add3A_118 = arith.addi %add3A_82, %shift_left3A_117 : vector<16xi32>
    %and3A_119 = arith.constant 127 : i32
    %and3A_120 = vector.broadcast %and3A_119 : i32 to vector<16xi32>
    %and3A_121 = arith.andi %add3A_111, %and3A_120 : vector<16xi32>
    %add3A_122 = arith.addi %add3A_118, %and3A_121 : vector<16xi32>
    %swap3A_123 = arith.constant 0 : i32
    %swap3A_124 = arith.index_cast %swap3A_123 : i32 to index
    %swap3A_125 = arith.constant 16 : index
    %swap3A_126 = tpu.vector_load %arg9[%swap3A_124, %swap3A_125] {strides = array<i32>} : memref<2x128xi32, #tpu.memory_space<vmem>>, vector<1x16xi32>,
    %swap3A_127 = vector.shape_cast %swap3A_126 : vector<1x16xi32> to vector<16xi32>
    %swap3A_128 = vector.shape_cast %add3A_122 : vector<16xi32> to vector<1x16xi32>
    tpu.vector_store %arg9[%swap3A_124, %swap3A_125], %swap3A_128 {strides = array<i32>} : memref<2x128xi32, #tpu.memory_space<vmem>>, vector<1x16xi32>,
    %add3A_129 = arith.constant 32 : i32
    %add3A_130 = arith.addi %mul3A_2, %add3A_129 : i32
    %add3A_131 = vector.broadcast %add3A_130 : i32 to vector<16xi32>
    %add3A_132 = arith.addi %add3A_131, %iota3A : vector<16xi32>
    %shift_right_arithmetic3A_133 = arith.constant 3 : i32
    %shift_right_arithmetic3A_134 = vector.broadcast %shift_right_arithmetic3A_133 : i32 to vector<16xi32>
    %shift_right_arithmetic3A_135 = arith.shrsi %add3A_132, %shift_right_arithmetic3A_134 : vector<16xi32>
    %mul3A_136 = arith.constant 260096 : i32
    %mul3A_137 = vector.broadcast %mul3A_136 : i32 to vector<16xi32>
    %mul3A_138 = arith.muli %shift_right_arithmetic3A_135, %mul3A_137 : vector<16xi32>
    %and3A_139 = arith.constant 7 : i32
    %and3A_140 = vector.broadcast %and3A_139 : i32 to vector<16xi32>
    %and3A_141 = arith.andi %add3A_132, %and3A_140 : vector<16xi32>
    %shift_left3A_142 = arith.constant 7 : i32
    %shift_left3A_143 = vector.broadcast %shift_left3A_142 : i32 to vector<16xi32>
    %shift_left3A_144 = arith.shli %and3A_141, %shift_left3A_143 : vector<16xi32>
    %add3A_145 = arith.addi %mul3A_138, %shift_left3A_144 : vector<16xi32>
    %get3A_146 = arith.constant 32 : index
    %get3A_147 = tpu.vector_load %arg7[%get3A_146] {strides = array<i32>} : memref<256xi32, #tpu.memory_space<vmem>>, vector<16xi32>,
    %get3A_148 = vector.shape_cast %get3A_147 : vector<16xi32> to vector<16xi32>
    %max3A_149 = arith.constant 0 : i32
    %max3A_150 = vector.broadcast %max3A_149 : i32 to vector<16xi32>
    %max3A_151 = arith.maxsi %get3A_148, %max3A_150 : vector<16xi32>
    %shift_right_arithmetic3A_152 = arith.constant 7 : i32
    %shift_right_arithmetic3A_153 = vector.broadcast %shift_right_arithmetic3A_152 : i32 to vector<16xi32>
    %shift_right_arithmetic3A_154 = arith.shrsi %max3A_151, %shift_right_arithmetic3A_153 : vector<16xi32>
    %shift_left3A_155 = arith.constant 10 : i32
    %shift_left3A_156 = vector.broadcast %shift_left3A_155 : i32 to vector<16xi32>
    %shift_left3A_157 = arith.shli %shift_right_arithmetic3A_154, %shift_left3A_156 : vector<16xi32>
    %add3A_158 = arith.addi %add3A_145, %shift_left3A_157 : vector<16xi32>
    %and3A_159 = arith.constant 127 : i32
    %and3A_160 = vector.broadcast %and3A_159 : i32 to vector<16xi32>
    %and3A_161 = arith.andi %max3A_151, %and3A_160 : vector<16xi32>
    %add3A_162 = arith.addi %add3A_158, %and3A_161 : vector<16xi32>
    %swap3A_163 = arith.constant 0 : i32
    %swap3A_164 = arith.index_cast %swap3A_163 : i32 to index
    %swap3A_165 = arith.constant 32 : index
    %swap3A_166 = tpu.vector_load %arg8[%swap3A_164, %swap3A_165] {strides = array<i32>} : memref<2x128xi32, #tpu.memory_space<vmem>>, vector<1x16xi32>,
    %swap3A_167 = vector.shape_cast %swap3A_166 : vector<1x16xi32> to vector<16xi32>
    %swap3A_168 = vector.shape_cast %add3A_162 : vector<16xi32> to vector<1x16xi32>
    tpu.vector_store %arg8[%swap3A_164, %swap3A_165], %swap3A_168 {strides = array<i32>} : memref<2x128xi32, #tpu.memory_space<vmem>>, vector<1x16xi32>,
    %get3A_169 = arith.constant 32 : index
    %get3A_170 = tpu.vector_load %arg6[%get3A_169] {strides = array<i32>} : memref<256xi32, #tpu.memory_space<vmem>>, vector<16xi32>,
    %get3A_171 = vector.shape_cast %get3A_170 : vector<16xi32> to vector<16xi32>
    %add3A_172 = arith.constant 32000 : i32
    %add3A_173 = vector.broadcast %add3A_172 : i32 to vector<16xi32>
    %add3A_174 = arith.addi %add3A_173, %get3A_171 : vector<16xi32>
    %shift_right_arithmetic3A_175 = arith.constant 7 : i32
    %shift_right_arithmetic3A_176 = vector.broadcast %shift_right_arithmetic3A_175 : i32 to vector<16xi32>
    %shift_right_arithmetic3A_177 = arith.shrsi %add3A_174, %shift_right_arithmetic3A_176 : vector<16xi32>
    %shift_left3A_178 = arith.constant 10 : i32
    %shift_left3A_179 = vector.broadcast %shift_left3A_178 : i32 to vector<16xi32>
    %shift_left3A_180 = arith.shli %shift_right_arithmetic3A_177, %shift_left3A_179 : vector<16xi32>
    %add3A_181 = arith.addi %add3A_145, %shift_left3A_180 : vector<16xi32>
    %and3A_182 = arith.constant 127 : i32
    %and3A_183 = vector.broadcast %and3A_182 : i32 to vector<16xi32>
    %and3A_184 = arith.andi %add3A_174, %and3A_183 : vector<16xi32>
    %add3A_185 = arith.addi %add3A_181, %and3A_184 : vector<16xi32>
    %swap3A_186 = arith.constant 0 : i32
    %swap3A_187 = arith.index_cast %swap3A_186 : i32 to index
    %swap3A_188 = arith.constant 32 : index
    %swap3A_189 = tpu.vector_load %arg9[%swap3A_187, %swap3A_188] {strides = array<i32>} : memref<2x128xi32, #tpu.memory_space<vmem>>, vector<1x16xi32>,
    %swap3A_190 = vector.shape_cast %swap3A_189 : vector<1x16xi32> to vector<16xi32>
    %swap3A_191 = vector.shape_cast %add3A_185 : vector<16xi32> to vector<1x16xi32>
    tpu.vector_store %arg9[%swap3A_187, %swap3A_188], %swap3A_191 {strides = array<i32>} : memref<2x128xi32, #tpu.memory_space<vmem>>, vector<1x16xi32>,
    %add3A_192 = arith.constant 48 : i32
    %add3A_193 = arith.addi %mul3A_2, %add3A_192 : i32
    %add3A_194 = vector.broadcast %add3A_193 : i32 to vector<16xi32>
    %add3A_195 = arith.addi %add3A_194, %iota3A : vector<16xi32>
    %shift_right_arithmetic3A_196 = arith.constant 3 : i32
    %shift_right_arithmetic3A_197 = vector.broadcast %shift_right_arithmetic3A_196 : i32 to vector<16xi32>
    %shift_right_arithmetic3A_198 = arith.shrsi %add3A_195, %shift_right_arithmetic3A_197 : vector<16xi32>
    %mul3A_199 = arith.constant 260096 : i32
    %mul3A_200 = vector.broadcast %mul3A_199 : i32 to vector<16xi32>
    %mul3A_201 = arith.muli %shift_right_arithmetic3A_198, %mul3A_200 : vector<16xi32>
    %and3A_202 = arith.constant 7 : i32
    %and3A_203 = vector.broadcast %and3A_202 : i32 to vector<16xi32>
    %and3A_204 = arith.andi %add3A_195, %and3A_203 : vector<16xi32>
    %shift_left3A_205 = arith.constant 7 : i32
    %shift_left3A_206 = vector.broadcast %shift_left3A_205 : i32 to vector<16xi32>
    %shift_left3A_207 = arith.shli %and3A_204, %shift_left3A_206 : vector<16xi32>
    %add3A_208 = arith.addi %mul3A_201, %shift_left3A_207 : vector<16xi32>
    %get3A_209 = arith.constant 48 : index
    %get3A_210 = tpu.vector_load %arg7[%get3A_209] {strides = array<i32>} : memref<256xi32, #tpu.memory_space<vmem>>, vector<16xi32>,
    %get3A_211 = vector.shape_cast %get3A_210 : vector<16xi32> to vector<16xi32>
    %max3A_212 = arith.constant 0 : i32
    %max3A_213 = vector.broadcast %max3A_212 : i32 to vector<16xi32>
    %max3A_214 = arith.maxsi %get3A_211, %max3A_213 : vector<16xi32>
    %shift_right_arithmetic3A_215 = arith.constant 7 : i32
    %shift_right_arithmetic3A_216 = vector.broadcast %shift_right_arithmetic3A_215 : i32 to vector<16xi32>
    %shift_right_arithmetic3A_217 = arith.shrsi %max3A_214, %shift_right_arithmetic3A_216 : vector<16xi32>
    %shift_left3A_218 = arith.constant 10 : i32
    %shift_left3A_219 = vector.broadcast %shift_left3A_218 : i32 to vector<16xi32>
    %shift_left3A_220 = arith.shli %shift_right_arithmetic3A_217, %shift_left3A_219 : vector<16xi32>
    %add3A_221 = arith.addi %add3A_208, %shift_left3A_220 : vector<16xi32>
    %and3A_222 = arith.constant 127 : i32
    %and3A_223 = vector.broadcast %and3A_222 : i32 to vector<16xi32>
    %and3A_224 = arith.andi %max3A_214, %and3A_223 : vector<16xi32>
    %add3A_225 = arith.addi %add3A_221, %and3A_224 : vector<16xi32>
    %swap3A_226 = arith.constant 0 : i32
    %swap3A_227 = arith.index_cast %swap3A_226 : i32 to index
    %swap3A_228 = arith.constant 48 : index
    %swap3A_229 = tpu.vector_load %arg8[%swap3A_227, %swap3A_228] {strides = array<i32>} : memref<2x128xi32, #tpu.memory_space<vmem>>, vector<1x16xi32>,
    %swap3A_230 = vector.shape_cast %swap3A_229 : vector<1x16xi32> to vector<16xi32>
    %swap3A_231 = vector.shape_cast %add3A_225 : vector<16xi32> to vector<1x16xi32>
    tpu.vector_store %arg8[%swap3A_227, %swap3A_228], %swap3A_231 {strides = array<i32>} : memref<2x128xi32, #tpu.memory_space<vmem>>, vector<1x16xi32>,
    %get3A_232 = arith.constant 48 : index
    %get3A_233 = tpu.vector_load %arg6[%get3A_232] {strides = array<i32>} : memref<256xi32, #tpu.memory_space<vmem>>, vector<16xi32>,
    %get3A_234 = vector.shape_cast %get3A_233 : vector<16xi32> to vector<16xi32>
    %add3A_235 = arith.constant 32000 : i32
    %add3A_236 = vector.broadcast %add3A_235 : i32 to vector<16xi32>
    %add3A_237 = arith.addi %add3A_236, %get3A_234 : vector<16xi32>
    %shift_right_arithmetic3A_238 = arith.constant 7 : i32
    %shift_right_arithmetic3A_239 = vector.broadcast %shift_right_arithmetic3A_238 : i32 to vector<16xi32>
    %shift_right_arithmetic3A_240 = arith.shrsi %add3A_237, %shift_right_arithmetic3A_239 : vector<16xi32>
    %shift_left3A_241 = arith.constant 10 : i32
    %shift_left3A_242 = vector.broadcast %shift_left3A_241 : i32 to vector<16xi32>
    %shift_left3A_243 = arith.shli %shift_right_arithmetic3A_240, %shift_left3A_242 : vector<16xi32>
    %add3A_244 = arith.addi %add3A_208, %shift_left3A_243 : vector<16xi32>
    %and3A_245 = arith.constant 127 : i32
    %and3A_246 = vector.broadcast %and3A_245 : i32 to vector<16xi32>
    %and3A_247 = arith.andi %add3A_237, %and3A_246 : vector<16xi32>
    %add3A_248 = arith.addi %add3A_244, %and3A_247 : vector<16xi32>
    %swap3A_249 = arith.constant 0 : i32
    %swap3A_250 = arith.index_cast %swap3A_249 : i32 to index
    %swap3A_251 = arith.constant 48 : index
    %swap3A_252 = tpu.vector_load %arg9[%swap3A_250, %swap3A_251] {strides = array<i32>} : memref<2x128xi32, #tpu.memory_space<vmem>>, vector<1x16xi32>,
    %swap3A_253 = vector.shape_cast %swap3A_252 : vector<1x16xi32> to vector<16xi32>
    %swap3A_254 = vector.shape_cast %add3A_248 : vector<16xi32> to vector<1x16xi32>
    tpu.vector_store %arg9[%swap3A_250, %swap3A_251], %swap3A_254 {strides = array<i32>} : memref<2x128xi32, #tpu.memory_space<vmem>>, vector<1x16xi32>,
    %add3A_255 = arith.constant 64 : i32
    %add3A_256 = arith.addi %mul3A_2, %add3A_255 : i32
    %add3A_257 = vector.broadcast %add3A_256 : i32 to vector<16xi32>
    %add3A_258 = arith.addi %add3A_257, %iota3A : vector<16xi32>
    %shift_right_arithmetic3A_259 = arith.constant 3 : i32
    %shift_right_arithmetic3A_260 = vector.broadcast %shift_right_arithmetic3A_259 : i32 to vector<16xi32>
    %shift_right_arithmetic3A_261 = arith.shrsi %add3A_258, %shift_right_arithmetic3A_260 : vector<16xi32>
    %mul3A_262 = arith.constant 260096 : i32
    %mul3A_263 = vector.broadcast %mul3A_262 : i32 to vector<16xi32>
    %mul3A_264 = arith.muli %shift_right_arithmetic3A_261, %mul3A_263 : vector<16xi32>
    %and3A_265 = arith.constant 7 : i32
    %and3A_266 = vector.broadcast %and3A_265 : i32 to vector<16xi32>
    %and3A_267 = arith.andi %add3A_258, %and3A_266 : vector<16xi32>
    %shift_left3A_268 = arith.constant 7 : i32
    %shift_left3A_269 = vector.broadcast %shift_left3A_268 : i32 to vector<16xi32>
    %shift_left3A_270 = arith.shli %and3A_267, %shift_left3A_269 : vector<16xi32>
    %add3A_271 = arith.addi %mul3A_264, %shift_left3A_270 : vector<16xi32>
    %get3A_272 = arith.constant 64 : index
    %get3A_273 = tpu.vector_load %arg7[%get3A_272] {strides = array<i32>} : memref<256xi32, #tpu.memory_space<vmem>>, vector<16xi32>,
    %get3A_274 = vector.shape_cast %get3A_273 : vector<16xi32> to vector<16xi32>
    %max3A_275 = arith.constant 0 : i32
    %max3A_276 = vector.broadcast %max3A_275 : i32 to vector<16xi32>
    %max3A_277 = arith.maxsi %get3A_274, %max3A_276 : vector<16xi32>
    %shift_right_arithmetic3A_278 = arith.constant 7 : i32
    %shift_right_arithmetic3A_279 = vector.broadcast %shift_right_arithmetic3A_278 : i32 to vector<16xi32>
    %shift_right_arithmetic3A_280 = arith.shrsi %max3A_277, %shift_right_arithmetic3A_279 : vector<16xi32>
    %shift_left3A_281 = arith.constant 10 : i32
    %shift_left3A_282 = vector.broadcast %shift_left3A_281 : i32 to vector<16xi32>
    %shift_left3A_283 = arith.shli %shift_right_arithmetic3A_280, %shift_left3A_282 : vector<16xi32>
    %add3A_284 = arith.addi %add3A_271, %shift_left3A_283 : vector<16xi32>
    %and3A_285 = arith.constant 127 : i32
    %and3A_286 = vector.broadcast %and3A_285 : i32 to vector<16xi32>
    %and3A_287 = arith.andi %max3A_277, %and3A_286 : vector<16xi32>
    %add3A_288 = arith.addi %add3A_284, %and3A_287 : vector<16xi32>
    %swap3A_289 = arith.constant 0 : i32
    %swap3A_290 = arith.index_cast %swap3A_289 : i32 to index
    %swap3A_291 = arith.constant 64 : index
    %swap3A_292 = tpu.vector_load %arg8[%swap3A_290, %swap3A_291] {strides = array<i32>} : memref<2x128xi32, #tpu.memory_space<vmem>>, vector<1x16xi32>,
    %swap3A_293 = vector.shape_cast %swap3A_292 : vector<1x16xi32> to vector<16xi32>
    %swap3A_294 = vector.shape_cast %add3A_288 : vector<16xi32> to vector<1x16xi32>
    tpu.vector_store %arg8[%swap3A_290, %swap3A_291], %swap3A_294 {strides = array<i32>} : memref<2x128xi32, #tpu.memory_space<vmem>>, vector<1x16xi32>,
    %get3A_295 = arith.constant 64 : index
    %get3A_296 = tpu.vector_load %arg6[%get3A_295] {strides = array<i32>} : memref<256xi32, #tpu.memory_space<vmem>>, vector<16xi32>,
    %get3A_297 = vector.shape_cast %get3A_296 : vector<16xi32> to vector<16xi32>
    %add3A_298 = arith.constant 32000 : i32
    %add3A_299 = vector.broadcast %add3A_298 : i32 to vector<16xi32>
    %add3A_300 = arith.addi %add3A_299, %get3A_297 : vector<16xi32>
    %shift_right_arithmetic3A_301 = arith.constant 7 : i32
    %shift_right_arithmetic3A_302 = vector.broadcast %shift_right_arithmetic3A_301 : i32 to vector<16xi32>
    %shift_right_arithmetic3A_303 = arith.shrsi %add3A_300, %shift_right_arithmetic3A_302 : vector<16xi32>
    %shift_left3A_304 = arith.constant 10 : i32
    %shift_left3A_305 = vector.broadcast %shift_left3A_304 : i32 to vector<16xi32>
    %shift_left3A_306 = arith.shli %shift_right_arithmetic3A_303, %shift_left3A_305 : vector<16xi32>
    %add3A_307 = arith.addi %add3A_271, %shift_left3A_306 : vector<16xi32>
    %and3A_308 = arith.constant 127 : i32
    %and3A_309 = vector.broadcast %and3A_308 : i32 to vector<16xi32>
    %and3A_310 = arith.andi %add3A_300, %and3A_309 : vector<16xi32>
    %add3A_311 = arith.addi %add3A_307, %and3A_310 : vector<16xi32>
    %swap3A_312 = arith.constant 0 : i32
    %swap3A_313 = arith.index_cast %swap3A_312 : i32 to index
    %swap3A_314 = arith.constant 64 : index
    %swap3A_315 = tpu.vector_load %arg9[%swap3A_313, %swap3A_314] {strides = array<i32>} : memref<2x128xi32, #tpu.memory_space<vmem>>, vector<1x16xi32>,
    %swap3A_316 = vector.shape_cast %swap3A_315 : vector<1x16xi32> to vector<16xi32>
    %swap3A_317 = vector.shape_cast %add3A_311 : vector<16xi32> to vector<1x16xi32>
    tpu.vector_store %arg9[%swap3A_313, %swap3A_314], %swap3A_317 {strides = array<i32>} : memref<2x128xi32, #tpu.memory_space<vmem>>, vector<1x16xi32>,
    %add3A_318 = arith.constant 80 : i32
    %add3A_319 = arith.addi %mul3A_2, %add3A_318 : i32
    %add3A_320 = vector.broadcast %add3A_319 : i32 to vector<16xi32>
    %add3A_321 = arith.addi %add3A_320, %iota3A : vector<16xi32>
    %shift_right_arithmetic3A_322 = arith.constant 3 : i32
    %shift_right_arithmetic3A_323 = vector.broadcast %shift_right_arithmetic3A_322 : i32 to vector<16xi32>
    %shift_right_arithmetic3A_324 = arith.shrsi %add3A_321, %shift_right_arithmetic3A_323 : vector<16xi32>
    %mul3A_325 = arith.constant 260096 : i32
    %mul3A_326 = vector.broadcast %mul3A_325 : i32 to vector<16xi32>
    %mul3A_327 = arith.muli %shift_right_arithmetic3A_324, %mul3A_326 : vector<16xi32>
    %and3A_328 = arith.constant 7 : i32
    %and3A_329 = vector.broadcast %and3A_328 : i32 to vector<16xi32>
    %and3A_330 = arith.andi %add3A_321, %and3A_329 : vector<16xi32>
    %shift_left3A_331 = arith.constant 7 : i32
    %shift_left3A_332 = vector.broadcast %shift_left3A_331 : i32 to vector<16xi32>
    %shift_left3A_333 = arith.shli %and3A_330, %shift_left3A_332 : vector<16xi32>
    %add3A_334 = arith.addi %mul3A_327, %shift_left3A_333 : vector<16xi32>
    %get3A_335 = arith.constant 80 : index
    %get3A_336 = tpu.vector_load %arg7[%get3A_335] {strides = array<i32>} : memref<256xi32, #tpu.memory_space<vmem>>, vector<16xi32>,
    %get3A_337 = vector.shape_cast %get3A_336 : vector<16xi32> to vector<16xi32>
    %max3A_338 = arith.constant 0 : i32
    %max3A_339 = vector.broadcast %max3A_338 : i32 to vector<16xi32>
    %max3A_340 = arith.maxsi %get3A_337, %max3A_339 : vector<16xi32>
    %shift_right_arithmetic3A_341 = arith.constant 7 : i32
    %shift_right_arithmetic3A_342 = vector.broadcast %shift_right_arithmetic3A_341 : i32 to vector<16xi32>
    %shift_right_arithmetic3A_343 = arith.shrsi %max3A_340, %shift_right_arithmetic3A_342 : vector<16xi32>
    %shift_left3A_344 = arith.constant 10 : i32
    %shift_left3A_345 = vector.broadcast %shift_left3A_344 : i32 to vector<16xi32>
    %shift_left3A_346 = arith.shli %shift_right_arithmetic3A_343, %shift_left3A_345 : vector<16xi32>
    %add3A_347 = arith.addi %add3A_334, %shift_left3A_346 : vector<16xi32>
    %and3A_348 = arith.constant 127 : i32
    %and3A_349 = vector.broadcast %and3A_348 : i32 to vector<16xi32>
    %and3A_350 = arith.andi %max3A_340, %and3A_349 : vector<16xi32>
    %add3A_351 = arith.addi %add3A_347, %and3A_350 : vector<16xi32>
    %swap3A_352 = arith.constant 0 : i32
    %swap3A_353 = arith.index_cast %swap3A_352 : i32 to index
    %swap3A_354 = arith.constant 80 : index
    %swap3A_355 = tpu.vector_load %arg8[%swap3A_353, %swap3A_354] {strides = array<i32>} : memref<2x128xi32, #tpu.memory_space<vmem>>, vector<1x16xi32>,
    %swap3A_356 = vector.shape_cast %swap3A_355 : vector<1x16xi32> to vector<16xi32>
    %swap3A_357 = vector.shape_cast %add3A_351 : vector<16xi32> to vector<1x16xi32>
    tpu.vector_store %arg8[%swap3A_353, %swap3A_354], %swap3A_357 {strides = array<i32>} : memref<2x128xi32, #tpu.memory_space<vmem>>, vector<1x16xi32>,
    %get3A_358 = arith.constant 80 : index
    %get3A_359 = tpu.vector_load %arg6[%get3A_358] {strides = array<i32>} : memref<256xi32, #tpu.memory_space<vmem>>, vector<16xi32>,
    %get3A_360 = vector.shape_cast %get3A_359 : vector<16xi32> to vector<16xi32>
    %add3A_361 = arith.constant 32000 : i32
    %add3A_362 = vector.broadcast %add3A_361 : i32 to vector<16xi32>
    %add3A_363 = arith.addi %add3A_362, %get3A_360 : vector<16xi32>
    %shift_right_arithmetic3A_364 = arith.constant 7 : i32
    %shift_right_arithmetic3A_365 = vector.broadcast %shift_right_arithmetic3A_364 : i32 to vector<16xi32>
    %shift_right_arithmetic3A_366 = arith.shrsi %add3A_363, %shift_right_arithmetic3A_365 : vector<16xi32>
    %shift_left3A_367 = arith.constant 10 : i32
    %shift_left3A_368 = vector.broadcast %shift_left3A_367 : i32 to vector<16xi32>
    %shift_left3A_369 = arith.shli %shift_right_arithmetic3A_366, %shift_left3A_368 : vector<16xi32>
    %add3A_370 = arith.addi %add3A_334, %shift_left3A_369 : vector<16xi32>
    %and3A_371 = arith.constant 127 : i32
    %and3A_372 = vector.broadcast %and3A_371 : i32 to vector<16xi32>
    %and3A_373 = arith.andi %add3A_363, %and3A_372 : vector<16xi32>
    %add3A_374 = arith.addi %add3A_370, %and3A_373 : vector<16xi32>
    %swap3A_375 = arith.constant 0 : i32
    %swap3A_376 = arith.index_cast %swap3A_375 : i32 to index
    %swap3A_377 = arith.constant 80 : index
    %swap3A_378 = tpu.vector_load %arg9[%swap3A_376, %swap3A_377] {strides = array<i32>} : memref<2x128xi32, #tpu.memory_space<vmem>>, vector<1x16xi32>,
    %swap3A_379 = vector.shape_cast %swap3A_378 : vector<1x16xi32> to vector<16xi32>
    %swap3A_380 = vector.shape_cast %add3A_374 : vector<16xi32> to vector<1x16xi32>
    tpu.vector_store %arg9[%swap3A_376, %swap3A_377], %swap3A_380 {strides = array<i32>} : memref<2x128xi32, #tpu.memory_space<vmem>>, vector<1x16xi32>,
    %add3A_381 = arith.constant 96 : i32
    %add3A_382 = arith.addi %mul3A_2, %add3A_381 : i32
    %add3A_383 = vector.broadcast %add3A_382 : i32 to vector<16xi32>
    %add3A_384 = arith.addi %add3A_383, %iota3A : vector<16xi32>
    %shift_right_arithmetic3A_385 = arith.constant 3 : i32
    %shift_right_arithmetic3A_386 = vector.broadcast %shift_right_arithmetic3A_385 : i32 to vector<16xi32>
    %shift_right_arithmetic3A_387 = arith.shrsi %add3A_384, %shift_right_arithmetic3A_386 : vector<16xi32>
    %mul3A_388 = arith.constant 260096 : i32
    %mul3A_389 = vector.broadcast %mul3A_388 : i32 to vector<16xi32>
    %mul3A_390 = arith.muli %shift_right_arithmetic3A_387, %mul3A_389 : vector<16xi32>
    %and3A_391 = arith.constant 7 : i32
    %and3A_392 = vector.broadcast %and3A_391 : i32 to vector<16xi32>
    %and3A_393 = arith.andi %add3A_384, %and3A_392 : vector<16xi32>
    %shift_left3A_394 = arith.constant 7 : i32
    %shift_left3A_395 = vector.broadcast %shift_left3A_394 : i32 to vector<16xi32>
    %shift_left3A_396 = arith.shli %and3A_393, %shift_left3A_395 : vector<16xi32>
    %add3A_397 = arith.addi %mul3A_390, %shift_left3A_396 : vector<16xi32>
    %get3A_398 = arith.constant 96 : index
    %get3A_399 = tpu.vector_load %arg7[%get3A_398] {strides = array<i32>} : memref<256xi32, #tpu.memory_space<vmem>>, vector<16xi32>,
    %get3A_400 = vector.shape_cast %get3A_399 : vector<16xi32> to vector<16xi32>
    %max3A_401 = arith.constant 0 : i32
    %max3A_402 = vector.broadcast %max3A_401 : i32 to vector<16xi32>
    %max3A_403 = arith.maxsi %get3A_400, %max3A_402 : vector<16xi32>
    %shift_right_arithmetic3A_404 = arith.constant 7 : i32
    %shift_right_arithmetic3A_405 = vector.broadcast %shift_right_arithmetic3A_404 : i32 to vector<16xi32>
    %shift_right_arithmetic3A_406 = arith.shrsi %max3A_403, %shift_right_arithmetic3A_405 : vector<16xi32>
    %shift_left3A_407 = arith.constant 10 : i32
    %shift_left3A_408 = vector.broadcast %shift_left3A_407 : i32 to vector<16xi32>
    %shift_left3A_409 = arith.shli %shift_right_arithmetic3A_406, %shift_left3A_408 : vector<16xi32>
    %add3A_410 = arith.addi %add3A_397, %shift_left3A_409 : vector<16xi32>
    %and3A_411 = arith.constant 127 : i32
    %and3A_412 = vector.broadcast %and3A_411 : i32 to vector<16xi32>
    %and3A_413 = arith.andi %max3A_403, %and3A_412 : vector<16xi32>
    %add3A_414 = arith.addi %add3A_410, %and3A_413 : vector<16xi32>
    %swap3A_415 = arith.constant 0 : i32
    %swap3A_416 = arith.index_cast %swap3A_415 : i32 to index
    %swap3A_417 = arith.constant 96 : index
    %swap3A_418 = tpu.vector_load %arg8[%swap3A_416, %swap3A_417] {strides = array<i32>} : memref<2x128xi32, #tpu.memory_space<vmem>>, vector<1x16xi32>,
    %swap3A_419 = vector.shape_cast %swap3A_418 : vector<1x16xi32> to vector<16xi32>
    %swap3A_420 = vector.shape_cast %add3A_414 : vector<16xi32> to vector<1x16xi32>
    tpu.vector_store %arg8[%swap3A_416, %swap3A_417], %swap3A_420 {strides = array<i32>} : memref<2x128xi32, #tpu.memory_space<vmem>>, vector<1x16xi32>,
    %get3A_421 = arith.constant 96 : index
    %get3A_422 = tpu.vector_load %arg6[%get3A_421] {strides = array<i32>} : memref<256xi32, #tpu.memory_space<vmem>>, vector<16xi32>,
    %get3A_423 = vector.shape_cast %get3A_422 : vector<16xi32> to vector<16xi32>
    %add3A_424 = arith.constant 32000 : i32
    %add3A_425 = vector.broadcast %add3A_424 : i32 to vector<16xi32>
    %add3A_426 = arith.addi %add3A_425, %get3A_423 : vector<16xi32>
    %shift_right_arithmetic3A_427 = arith.constant 7 : i32
    %shift_right_arithmetic3A_428 = vector.broadcast %shift_right_arithmetic3A_427 : i32 to vector<16xi32>
    %shift_right_arithmetic3A_429 = arith.shrsi %add3A_426, %shift_right_arithmetic3A_428 : vector<16xi32>
    %shift_left3A_430 = arith.constant 10 : i32
    %shift_left3A_431 = vector.broadcast %shift_left3A_430 : i32 to vector<16xi32>
    %shift_left3A_432 = arith.shli %shift_right_arithmetic3A_429, %shift_left3A_431 : vector<16xi32>
    %add3A_433 = arith.addi %add3A_397, %shift_left3A_432 : vector<16xi32>
    %and3A_434 = arith.constant 127 : i32
    %and3A_435 = vector.broadcast %and3A_434 : i32 to vector<16xi32>
    %and3A_436 = arith.andi %add3A_426, %and3A_435 : vector<16xi32>
    %add3A_437 = arith.addi %add3A_433, %and3A_436 : vector<16xi32>
    %swap3A_438 = arith.constant 0 : i32
    %swap3A_439 = arith.index_cast %swap3A_438 : i32 to index
    %swap3A_440 = arith.constant 96 : index
    %swap3A_441 = tpu.vector_load %arg9[%swap3A_439, %swap3A_440] {strides = array<i32>} : memref<2x128xi32, #tpu.memory_space<vmem>>, vector<1x16xi32>,
    %swap3A_442 = vector.shape_cast %swap3A_441 : vector<1x16xi32> to vector<16xi32>
    %swap3A_443 = vector.shape_cast %add3A_437 : vector<16xi32> to vector<1x16xi32>
    tpu.vector_store %arg9[%swap3A_439, %swap3A_440], %swap3A_443 {strides = array<i32>} : memref<2x128xi32, #tpu.memory_space<vmem>>, vector<1x16xi32>,
    %add3A_444 = arith.constant 112 : i32
    %add3A_445 = arith.addi %mul3A_2, %add3A_444 : i32
    %add3A_446 = vector.broadcast %add3A_445 : i32 to vector<16xi32>
    %add3A_447 = arith.addi %add3A_446, %iota3A : vector<16xi32>
    %shift_right_arithmetic3A_448 = arith.constant 3 : i32
    %shift_right_arithmetic3A_449 = vector.broadcast %shift_right_arithmetic3A_448 : i32 to vector<16xi32>
    %shift_right_arithmetic3A_450 = arith.shrsi %add3A_447, %shift_right_arithmetic3A_449 : vector<16xi32>
    %mul3A_451 = arith.constant 260096 : i32
    %mul3A_452 = vector.broadcast %mul3A_451 : i32 to vector<16xi32>
    %mul3A_453 = arith.muli %shift_right_arithmetic3A_450, %mul3A_452 : vector<16xi32>
    %and3A_454 = arith.constant 7 : i32
    %and3A_455 = vector.broadcast %and3A_454 : i32 to vector<16xi32>
    %and3A_456 = arith.andi %add3A_447, %and3A_455 : vector<16xi32>
    %shift_left3A_457 = arith.constant 7 : i32
    %shift_left3A_458 = vector.broadcast %shift_left3A_457 : i32 to vector<16xi32>
    %shift_left3A_459 = arith.shli %and3A_456, %shift_left3A_458 : vector<16xi32>
    %add3A_460 = arith.addi %mul3A_453, %shift_left3A_459 : vector<16xi32>
    %get3A_461 = arith.constant 112 : index
    %get3A_462 = tpu.vector_load %arg7[%get3A_461] {strides = array<i32>} : memref<256xi32, #tpu.memory_space<vmem>>, vector<16xi32>,
    %get3A_463 = vector.shape_cast %get3A_462 : vector<16xi32> to vector<16xi32>
    %max3A_464 = arith.constant 0 : i32
    %max3A_465 = vector.broadcast %max3A_464 : i32 to vector<16xi32>
    %max3A_466 = arith.maxsi %get3A_463, %max3A_465 : vector<16xi32>
    %shift_right_arithmetic3A_467 = arith.constant 7 : i32
    %shift_right_arithmetic3A_468 = vector.broadcast %shift_right_arithmetic3A_467 : i32 to vector<16xi32>
    %shift_right_arithmetic3A_469 = arith.shrsi %max3A_466, %shift_right_arithmetic3A_468 : vector<16xi32>
    %shift_left3A_470 = arith.constant 10 : i32
    %shift_left3A_471 = vector.broadcast %shift_left3A_470 : i32 to vector<16xi32>
    %shift_left3A_472 = arith.shli %shift_right_arithmetic3A_469, %shift_left3A_471 : vector<16xi32>
    %add3A_473 = arith.addi %add3A_460, %shift_left3A_472 : vector<16xi32>
    %and3A_474 = arith.constant 127 : i32
    %and3A_475 = vector.broadcast %and3A_474 : i32 to vector<16xi32>
    %and3A_476 = arith.andi %max3A_466, %and3A_475 : vector<16xi32>
    %add3A_477 = arith.addi %add3A_473, %and3A_476 : vector<16xi32>
    %swap3A_478 = arith.constant 0 : i32
    %swap3A_479 = arith.index_cast %swap3A_478 : i32 to index
    %swap3A_480 = arith.constant 112 : index
    %swap3A_481 = tpu.vector_load %arg8[%swap3A_479, %swap3A_480] {strides = array<i32>} : memref<2x128xi32, #tpu.memory_space<vmem>>, vector<1x16xi32>,
    %swap3A_482 = vector.shape_cast %swap3A_481 : vector<1x16xi32> to vector<16xi32>
    %swap3A_483 = vector.shape_cast %add3A_477 : vector<16xi32> to vector<1x16xi32>
    tpu.vector_store %arg8[%swap3A_479, %swap3A_480], %swap3A_483 {strides = array<i32>} : memref<2x128xi32, #tpu.memory_space<vmem>>, vector<1x16xi32>,
    %get3A_484 = arith.constant 112 : index
    %get3A_485 = tpu.vector_load %arg6[%get3A_484] {strides = array<i32>} : memref<256xi32, #tpu.memory_space<vmem>>, vector<16xi32>,
    %get3A_486 = vector.shape_cast %get3A_485 : vector<16xi32> to vector<16xi32>
    %add3A_487 = arith.constant 32000 : i32
    %add3A_488 = vector.broadcast %add3A_487 : i32 to vector<16xi32>
    %add3A_489 = arith.addi %add3A_488, %get3A_486 : vector<16xi32>
    %shift_right_arithmetic3A_490 = arith.constant 7 : i32
    %shift_right_arithmetic3A_491 = vector.broadcast %shift_right_arithmetic3A_490 : i32 to vector<16xi32>
    %shift_right_arithmetic3A_492 = arith.shrsi %add3A_489, %shift_right_arithmetic3A_491 : vector<16xi32>
    %shift_left3A_493 = arith.constant 10 : i32
    %shift_left3A_494 = vector.broadcast %shift_left3A_493 : i32 to vector<16xi32>
    %shift_left3A_495 = arith.shli %shift_right_arithmetic3A_492, %shift_left3A_494 : vector<16xi32>
    %add3A_496 = arith.addi %add3A_460, %shift_left3A_495 : vector<16xi32>
    %and3A_497 = arith.constant 127 : i32
    %and3A_498 = vector.broadcast %and3A_497 : i32 to vector<16xi32>
    %and3A_499 = arith.andi %add3A_489, %and3A_498 : vector<16xi32>
    %add3A_500 = arith.addi %add3A_496, %and3A_499 : vector<16xi32>
    %swap3A_501 = arith.constant 0 : i32
    %swap3A_502 = arith.index_cast %swap3A_501 : i32 to index
    %swap3A_503 = arith.constant 112 : index
    %swap3A_504 = tpu.vector_load %arg9[%swap3A_502, %swap3A_503] {strides = array<i32>} : memref<2x128xi32, #tpu.memory_space<vmem>>, vector<1x16xi32>,
    %swap3A_505 = vector.shape_cast %swap3A_504 : vector<1x16xi32> to vector<16xi32>
    %swap3A_506 = vector.shape_cast %add3A_500 : vector<16xi32> to vector<1x16xi32>
    tpu.vector_store %arg9[%swap3A_502, %swap3A_503], %swap3A_506 {strides = array<i32>} : memref<2x128xi32, #tpu.memory_space<vmem>>, vector<1x16xi32>,
    %dma_start3A_507 = arith.constant 0 : i32
    %dma_start3A_508 = arith.constant 0 : i32
    %dma_start3A_509 = arith.constant 0 : i32
    %dma_start3A_510 = tpu.memref_slice %arg10[%dma_start3A_508, %dma_start3A_509] : memref<2x128xf32, #tpu.memory_space<vmem>> -> memref<1x128xf32, #tpu.memory_space<vmem>>
    %dma_start3A_511 = tpu.memref_squeeze %dma_start3A_510 : memref<1x128xf32, #tpu.memory_space<vmem>> -> memref<128xf32, #tpu.memory_space<vmem>>
    %dma_start3A_512 = arith.constant 0 : i32
    %dma_start3A_513 = tpu.memref_slice %arg8[%dma_start3A_507, %dma_start3A_512] : memref<2x128xi32, #tpu.memory_space<vmem>> -> memref<1x128xi32, #tpu.memory_space<vmem>>
    %dma_start3A_514 = tpu.memref_squeeze %dma_start3A_513 : memref<1x128xi32, #tpu.memory_space<vmem>> -> memref<128xi32, #tpu.memory_space<vmem>>
    %dma_start3A_515 = arith.constant 0 : i32
    %dma_start3A_516 = tpu.memref_slice %arg2[%dma_start3A_515] : memref<133169152xf32, #tpu.memory_space<hbm>> -> memref<133169152xf32, #tpu.memory_space<hbm>>
    tpu.enqueue_indirect_dma source(%dma_start3A_516 : memref<133169152xf32, #tpu.memory_space<hbm>>) target(%dma_start3A_511 : memref<128xf32, #tpu.memory_space<vmem>>) offsets(%dma_start3A_514 : memref<128xi32, #tpu.memory_space<vmem>>) semaphore(%arg13 : memref<!tpu.dma_semaphore, #tpu.memory_space<semaphore_mem>>)
    %dma_start3A_517 = arith.constant 0 : i32
    %dma_start3A_518 = arith.constant 0 : i32
    %dma_start3A_519 = arith.constant 0 : i32
    %dma_start3A_520 = tpu.memref_slice %arg11[%dma_start3A_518, %dma_start3A_519] : memref<2x128xf32, #tpu.memory_space<vmem>> -> memref<1x128xf32, #tpu.memory_space<vmem>>
    %dma_start3A_521 = tpu.memref_squeeze %dma_start3A_520 : memref<1x128xf32, #tpu.memory_space<vmem>> -> memref<128xf32, #tpu.memory_space<vmem>>
    %dma_start3A_522 = arith.constant 0 : i32
    %dma_start3A_523 = tpu.memref_slice %arg9[%dma_start3A_517, %dma_start3A_522] : memref<2x128xi32, #tpu.memory_space<vmem>> -> memref<1x128xi32, #tpu.memory_space<vmem>>
    %dma_start3A_524 = tpu.memref_squeeze %dma_start3A_523 : memref<1x128xi32, #tpu.memory_space<vmem>> -> memref<128xi32, #tpu.memory_space<vmem>>
    %dma_start3A_525 = arith.constant 0 : i32
    %dma_start3A_526 = tpu.memref_slice %arg2[%dma_start3A_525] : memref<133169152xf32, #tpu.memory_space<hbm>> -> memref<133169152xf32, #tpu.memory_space<hbm>>
    tpu.enqueue_indirect_dma source(%dma_start3A_526 : memref<133169152xf32, #tpu.memory_space<hbm>>) target(%dma_start3A_521 : memref<128xf32, #tpu.memory_space<vmem>>) offsets(%dma_start3A_524 : memref<128xi32, #tpu.memory_space<vmem>>) semaphore(%arg14 : memref<!tpu.dma_semaphore, #tpu.memory_space<semaphore_mem>>)
    %add3A_527 = arith.constant 128 : i32
    %add3A_528 = arith.addi %mul3A_2, %add3A_527 : i32
    %add3A_529 = vector.broadcast %add3A_528 : i32 to vector<16xi32>
    %add3A_530 = arith.addi %add3A_529, %iota3A : vector<16xi32>
    %shift_right_arithmetic3A_531 = arith.constant 3 : i32
    %shift_right_arithmetic3A_532 = vector.broadcast %shift_right_arithmetic3A_531 : i32 to vector<16xi32>
    %shift_right_arithmetic3A_533 = arith.shrsi %add3A_530, %shift_right_arithmetic3A_532 : vector<16xi32>
    %mul3A_534 = arith.constant 260096 : i32
    %mul3A_535 = vector.broadcast %mul3A_534 : i32 to vector<16xi32>
    %mul3A_536 = arith.muli %shift_right_arithmetic3A_533, %mul3A_535 : vector<16xi32>
    %and3A_537 = arith.constant 7 : i32
    %and3A_538 = vector.broadcast %and3A_537 : i32 to vector<16xi32>
    %and3A_539 = arith.andi %add3A_530, %and3A_538 : vector<16xi32>
    %shift_left3A_540 = arith.constant 7 : i32
    %shift_left3A_541 = vector.broadcast %shift_left3A_540 : i32 to vector<16xi32>
    %shift_left3A_542 = arith.shli %and3A_539, %shift_left3A_541 : vector<16xi32>
    %add3A_543 = arith.addi %mul3A_536, %shift_left3A_542 : vector<16xi32>
    %get3A_544 = arith.constant 128 : index
    %get3A_545 = tpu.vector_load %arg7[%get3A_544] {strides = array<i32>} : memref<256xi32, #tpu.memory_space<vmem>>, vector<16xi32>,
    %get3A_546 = vector.shape_cast %get3A_545 : vector<16xi32> to vector<16xi32>
    %max3A_547 = arith.constant 0 : i32
    %max3A_548 = vector.broadcast %max3A_547 : i32 to vector<16xi32>
    %max3A_549 = arith.maxsi %get3A_546, %max3A_548 : vector<16xi32>
    %shift_right_arithmetic3A_550 = arith.constant 7 : i32
    %shift_right_arithmetic3A_551 = vector.broadcast %shift_right_arithmetic3A_550 : i32 to vector<16xi32>
    %shift_right_arithmetic3A_552 = arith.shrsi %max3A_549, %shift_right_arithmetic3A_551 : vector<16xi32>
    %shift_left3A_553 = arith.constant 10 : i32
    %shift_left3A_554 = vector.broadcast %shift_left3A_553 : i32 to vector<16xi32>
    %shift_left3A_555 = arith.shli %shift_right_arithmetic3A_552, %shift_left3A_554 : vector<16xi32>
    %add3A_556 = arith.addi %add3A_543, %shift_left3A_555 : vector<16xi32>
    %and3A_557 = arith.constant 127 : i32
    %and3A_558 = vector.broadcast %and3A_557 : i32 to vector<16xi32>
    %and3A_559 = arith.andi %max3A_549, %and3A_558 : vector<16xi32>
    %add3A_560 = arith.addi %add3A_556, %and3A_559 : vector<16xi32>
    %swap3A_561 = arith.constant 1 : i32
    %swap3A_562 = arith.index_cast %swap3A_561 : i32 to index
    %swap3A_563 = arith.constant 0 : index
    %swap3A_564 = tpu.vector_load %arg8[%swap3A_562, %swap3A_563] {strides = array<i32>} : memref<2x128xi32, #tpu.memory_space<vmem>>, vector<1x16xi32>,
    %swap3A_565 = vector.shape_cast %swap3A_564 : vector<1x16xi32> to vector<16xi32>
    %swap3A_566 = vector.shape_cast %add3A_560 : vector<16xi32> to vector<1x16xi32>
    tpu.vector_store %arg8[%swap3A_562, %swap3A_563], %swap3A_566 {strides = array<i32>} : memref<2x128xi32, #tpu.memory_space<vmem>>, vector<1x16xi32>,
    %get3A_567 = arith.constant 128 : index
    %get3A_568 = tpu.vector_load %arg6[%get3A_567] {strides = array<i32>} : memref<256xi32, #tpu.memory_space<vmem>>, vector<16xi32>,
    %get3A_569 = vector.shape_cast %get3A_568 : vector<16xi32> to vector<16xi32>
    %add3A_570 = arith.constant 32000 : i32
    %add3A_571 = vector.broadcast %add3A_570 : i32 to vector<16xi32>
    %add3A_572 = arith.addi %add3A_571, %get3A_569 : vector<16xi32>
    %shift_right_arithmetic3A_573 = arith.constant 7 : i32
    %shift_right_arithmetic3A_574 = vector.broadcast %shift_right_arithmetic3A_573 : i32 to vector<16xi32>
    %shift_right_arithmetic3A_575 = arith.shrsi %add3A_572, %shift_right_arithmetic3A_574 : vector<16xi32>
    %shift_left3A_576 = arith.constant 10 : i32
    %shift_left3A_577 = vector.broadcast %shift_left3A_576 : i32 to vector<16xi32>
    %shift_left3A_578 = arith.shli %shift_right_arithmetic3A_575, %shift_left3A_577 : vector<16xi32>
    %add3A_579 = arith.addi %add3A_543, %shift_left3A_578 : vector<16xi32>
    %and3A_580 = arith.constant 127 : i32
    %and3A_581 = vector.broadcast %and3A_580 : i32 to vector<16xi32>
    %and3A_582 = arith.andi %add3A_572, %and3A_581 : vector<16xi32>
    %add3A_583 = arith.addi %add3A_579, %and3A_582 : vector<16xi32>
    %swap3A_584 = arith.constant 1 : i32
    %swap3A_585 = arith.index_cast %swap3A_584 : i32 to index
    %swap3A_586 = arith.constant 0 : index
    %swap3A_587 = tpu.vector_load %arg9[%swap3A_585, %swap3A_586] {strides = array<i32>} : memref<2x128xi32, #tpu.memory_space<vmem>>, vector<1x16xi32>,
    %swap3A_588 = vector.shape_cast %swap3A_587 : vector<1x16xi32> to vector<16xi32>
    %swap3A_589 = vector.shape_cast %add3A_583 : vector<16xi32> to vector<1x16xi32>
    tpu.vector_store %arg9[%swap3A_585, %swap3A_586], %swap3A_589 {strides = array<i32>} : memref<2x128xi32, #tpu.memory_space<vmem>>, vector<1x16xi32>,
    %add3A_590 = arith.constant 144 : i32
    %add3A_591 = arith.addi %mul3A_2, %add3A_590 : i32
    %add3A_592 = vector.broadcast %add3A_591 : i32 to vector<16xi32>
    %add3A_593 = arith.addi %add3A_592, %iota3A : vector<16xi32>
    %shift_right_arithmetic3A_594 = arith.constant 3 : i32
    %shift_right_arithmetic3A_595 = vector.broadcast %shift_right_arithmetic3A_594 : i32 to vector<16xi32>
    %shift_right_arithmetic3A_596 = arith.shrsi %add3A_593, %shift_right_arithmetic3A_595 : vector<16xi32>
    %mul3A_597 = arith.constant 260096 : i32
    %mul3A_598 = vector.broadcast %mul3A_597 : i32 to vector<16xi32>
    %mul3A_599 = arith.muli %shift_right_arithmetic3A_596, %mul3A_598 : vector<16xi32>
    %and3A_600 = arith.constant 7 : i32
    %and3A_601 = vector.broadcast %and3A_600 : i32 to vector<16xi32>
    %and3A_602 = arith.andi %add3A_593, %and3A_601 : vector<16xi32>
    %shift_left3A_603 = arith.constant 7 : i32
    %shift_left3A_604 = vector.broadcast %shift_left3A_603 : i32 to vector<16xi32>
    %shift_left3A_605 = arith.shli %and3A_602, %shift_left3A_604 : vector<16xi32>
    %add3A_606 = arith.addi %mul3A_599, %shift_left3A_605 : vector<16xi32>
    %get3A_607 = arith.constant 144 : index
    %get3A_608 = tpu.vector_load %arg7[%get3A_607] {strides = array<i32>} : memref<256xi32, #tpu.memory_space<vmem>>, vector<16xi32>,
    %get3A_609 = vector.shape_cast %get3A_608 : vector<16xi32> to vector<16xi32>
    %max3A_610 = arith.constant 0 : i32
    %max3A_611 = vector.broadcast %max3A_610 : i32 to vector<16xi32>
    %max3A_612 = arith.maxsi %get3A_609, %max3A_611 : vector<16xi32>
    %shift_right_arithmetic3A_613 = arith.constant 7 : i32
    %shift_right_arithmetic3A_614 = vector.broadcast %shift_right_arithmetic3A_613 : i32 to vector<16xi32>
    %shift_right_arithmetic3A_615 = arith.shrsi %max3A_612, %shift_right_arithmetic3A_614 : vector<16xi32>
    %shift_left3A_616 = arith.constant 10 : i32
    %shift_left3A_617 = vector.broadcast %shift_left3A_616 : i32 to vector<16xi32>
    %shift_left3A_618 = arith.shli %shift_right_arithmetic3A_615, %shift_left3A_617 : vector<16xi32>
    %add3A_619 = arith.addi %add3A_606, %shift_left3A_618 : vector<16xi32>
    %and3A_620 = arith.constant 127 : i32
    %and3A_621 = vector.broadcast %and3A_620 : i32 to vector<16xi32>
    %and3A_622 = arith.andi %max3A_612, %and3A_621 : vector<16xi32>
    %add3A_623 = arith.addi %add3A_619, %and3A_622 : vector<16xi32>
    %swap3A_624 = arith.constant 1 : i32
    %swap3A_625 = arith.index_cast %swap3A_624 : i32 to index
    %swap3A_626 = arith.constant 16 : index
    %swap3A_627 = tpu.vector_load %arg8[%swap3A_625, %swap3A_626] {strides = array<i32>} : memref<2x128xi32, #tpu.memory_space<vmem>>, vector<1x16xi32>,
    %swap3A_628 = vector.shape_cast %swap3A_627 : vector<1x16xi32> to vector<16xi32>
    %swap3A_629 = vector.shape_cast %add3A_623 : vector<16xi32> to vector<1x16xi32>
    tpu.vector_store %arg8[%swap3A_625, %swap3A_626], %swap3A_629 {strides = array<i32>} : memref<2x128xi32, #tpu.memory_space<vmem>>, vector<1x16xi32>,
    %get3A_630 = arith.constant 144 : index
    %get3A_631 = tpu.vector_load %arg6[%get3A_630] {strides = array<i32>} : memref<256xi32, #tpu.memory_space<vmem>>, vector<16xi32>,
    %get3A_632 = vector.shape_cast %get3A_631 : vector<16xi32> to vector<16xi32>
    %add3A_633 = arith.constant 32000 : i32
    %add3A_634 = vector.broadcast %add3A_633 : i32 to vector<16xi32>
    %add3A_635 = arith.addi %add3A_634, %get3A_632 : vector<16xi32>
    %shift_right_arithmetic3A_636 = arith.constant 7 : i32
    %shift_right_arithmetic3A_637 = vector.broadcast %shift_right_arithmetic3A_636 : i32 to vector<16xi32>
    %shift_right_arithmetic3A_638 = arith.shrsi %add3A_635, %shift_right_arithmetic3A_637 : vector<16xi32>
    %shift_left3A_639 = arith.constant 10 : i32
    %shift_left3A_640 = vector.broadcast %shift_left3A_639 : i32 to vector<16xi32>
    %shift_left3A_641 = arith.shli %shift_right_arithmetic3A_638, %shift_left3A_640 : vector<16xi32>
    %add3A_642 = arith.addi %add3A_606, %shift_left3A_641 : vector<16xi32>
    %and3A_643 = arith.constant 127 : i32
    %and3A_644 = vector.broadcast %and3A_643 : i32 to vector<16xi32>
    %and3A_645 = arith.andi %add3A_635, %and3A_644 : vector<16xi32>
    %add3A_646 = arith.addi %add3A_642, %and3A_645 : vector<16xi32>
    %swap3A_647 = arith.constant 1 : i32
    %swap3A_648 = arith.index_cast %swap3A_647 : i32 to index
    %swap3A_649 = arith.constant 16 : index
    %swap3A_650 = tpu.vector_load %arg9[%swap3A_648, %swap3A_649] {strides = array<i32>} : memref<2x128xi32, #tpu.memory_space<vmem>>, vector<1x16xi32>,
    %swap3A_651 = vector.shape_cast %swap3A_650 : vector<1x16xi32> to vector<16xi32>
    %swap3A_652 = vector.shape_cast %add3A_646 : vector<16xi32> to vector<1x16xi32>
    tpu.vector_store %arg9[%swap3A_648, %swap3A_649], %swap3A_652 {strides = array<i32>} : memref<2x128xi32, #tpu.memory_space<vmem>>, vector<1x16xi32>,
    %add3A_653 = arith.constant 160 : i32
    %add3A_654 = arith.addi %mul3A_2, %add3A_653 : i32
    %add3A_655 = vector.broadcast %add3A_654 : i32 to vector<16xi32>
    %add3A_656 = arith.addi %add3A_655, %iota3A : vector<16xi32>
    %shift_right_arithmetic3A_657 = arith.constant 3 : i32
    %shift_right_arithmetic3A_658 = vector.broadcast %shift_right_arithmetic3A_657 : i32 to vector<16xi32>
    %shift_right_arithmetic3A_659 = arith.shrsi %add3A_656, %shift_right_arithmetic3A_658 : vector<16xi32>
    %mul3A_660 = arith.constant 260096 : i32
    %mul3A_661 = vector.broadcast %mul3A_660 : i32 to vector<16xi32>
    %mul3A_662 = arith.muli %shift_right_arithmetic3A_659, %mul3A_661 : vector<16xi32>
    %and3A_663 = arith.constant 7 : i32
    %and3A_664 = vector.broadcast %and3A_663 : i32 to vector<16xi32>
    %and3A_665 = arith.andi %add3A_656, %and3A_664 : vector<16xi32>
    %shift_left3A_666 = arith.constant 7 : i32
    %shift_left3A_667 = vector.broadcast %shift_left3A_666 : i32 to vector<16xi32>
    %shift_left3A_668 = arith.shli %and3A_665, %shift_left3A_667 : vector<16xi32>
    %add3A_669 = arith.addi %mul3A_662, %shift_left3A_668 : vector<16xi32>
    %get3A_670 = arith.constant 160 : index
    %get3A_671 = tpu.vector_load %arg7[%get3A_670] {strides = array<i32>} : memref<256xi32, #tpu.memory_space<vmem>>, vector<16xi32>,
    %get3A_672 = vector.shape_cast %get3A_671 : vector<16xi32> to vector<16xi32>
    %max3A_673 = arith.constant 0 : i32
    %max3A_674 = vector.broadcast %max3A_673 : i32 to vector<16xi32>
    %max3A_675 = arith.maxsi %get3A_672, %max3A_674 : vector<16xi32>
    %shift_right_arithmetic3A_676 = arith.constant 7 : i32
    %shift_right_arithmetic3A_677 = vector.broadcast %shift_right_arithmetic3A_676 : i32 to vector<16xi32>
    %shift_right_arithmetic3A_678 = arith.shrsi %max3A_675, %shift_right_arithmetic3A_677 : vector<16xi32>
    %shift_left3A_679 = arith.constant 10 : i32
    %shift_left3A_680 = vector.broadcast %shift_left3A_679 : i32 to vector<16xi32>
    %shift_left3A_681 = arith.shli %shift_right_arithmetic3A_678, %shift_left3A_680 : vector<16xi32>
    %add3A_682 = arith.addi %add3A_669, %shift_left3A_681 : vector<16xi32>
    %and3A_683 = arith.constant 127 : i32
    %and3A_684 = vector.broadcast %and3A_683 : i32 to vector<16xi32>
    %and3A_685 = arith.andi %max3A_675, %and3A_684 : vector<16xi32>
    %add3A_686 = arith.addi %add3A_682, %and3A_685 : vector<16xi32>
    %swap3A_687 = arith.constant 1 : i32
    %swap3A_688 = arith.index_cast %swap3A_687 : i32 to index
    %swap3A_689 = arith.constant 32 : index
    %swap3A_690 = tpu.vector_load %arg8[%swap3A_688, %swap3A_689] {strides = array<i32>} : memref<2x128xi32, #tpu.memory_space<vmem>>, vector<1x16xi32>,
    %swap3A_691 = vector.shape_cast %swap3A_690 : vector<1x16xi32> to vector<16xi32>
    %swap3A_692 = vector.shape_cast %add3A_686 : vector<16xi32> to vector<1x16xi32>
    tpu.vector_store %arg8[%swap3A_688, %swap3A_689], %swap3A_692 {strides = array<i32>} : memref<2x128xi32, #tpu.memory_space<vmem>>, vector<1x16xi32>,
    %get3A_693 = arith.constant 160 : index
    %get3A_694 = tpu.vector_load %arg6[%get3A_693] {strides = array<i32>} : memref<256xi32, #tpu.memory_space<vmem>>, vector<16xi32>,
    %get3A_695 = vector.shape_cast %get3A_694 : vector<16xi32> to vector<16xi32>
    %add3A_696 = arith.constant 32000 : i32
    %add3A_697 = vector.broadcast %add3A_696 : i32 to vector<16xi32>
    %add3A_698 = arith.addi %add3A_697, %get3A_695 : vector<16xi32>
    %shift_right_arithmetic3A_699 = arith.constant 7 : i32
    %shift_right_arithmetic3A_700 = vector.broadcast %shift_right_arithmetic3A_699 : i32 to vector<16xi32>
    %shift_right_arithmetic3A_701 = arith.shrsi %add3A_698, %shift_right_arithmetic3A_700 : vector<16xi32>
    %shift_left3A_702 = arith.constant 10 : i32
    %shift_left3A_703 = vector.broadcast %shift_left3A_702 : i32 to vector<16xi32>
    %shift_left3A_704 = arith.shli %shift_right_arithmetic3A_701, %shift_left3A_703 : vector<16xi32>
    %add3A_705 = arith.addi %add3A_669, %shift_left3A_704 : vector<16xi32>
    %and3A_706 = arith.constant 127 : i32
    %and3A_707 = vector.broadcast %and3A_706 : i32 to vector<16xi32>
    %and3A_708 = arith.andi %add3A_698, %and3A_707 : vector<16xi32>
    %add3A_709 = arith.addi %add3A_705, %and3A_708 : vector<16xi32>
    %swap3A_710 = arith.constant 1 : i32
    %swap3A_711 = arith.index_cast %swap3A_710 : i32 to index
    %swap3A_712 = arith.constant 32 : index
    %swap3A_713 = tpu.vector_load %arg9[%swap3A_711, %swap3A_712] {strides = array<i32>} : memref<2x128xi32, #tpu.memory_space<vmem>>, vector<1x16xi32>,
    %swap3A_714 = vector.shape_cast %swap3A_713 : vector<1x16xi32> to vector<16xi32>
    %swap3A_715 = vector.shape_cast %add3A_709 : vector<16xi32> to vector<1x16xi32>
    tpu.vector_store %arg9[%swap3A_711, %swap3A_712], %swap3A_715 {strides = array<i32>} : memref<2x128xi32, #tpu.memory_space<vmem>>, vector<1x16xi32>,
    %add3A_716 = arith.constant 176 : i32
    %add3A_717 = arith.addi %mul3A_2, %add3A_716 : i32
    %add3A_718 = vector.broadcast %add3A_717 : i32 to vector<16xi32>
    %add3A_719 = arith.addi %add3A_718, %iota3A : vector<16xi32>
    %shift_right_arithmetic3A_720 = arith.constant 3 : i32
    %shift_right_arithmetic3A_721 = vector.broadcast %shift_right_arithmetic3A_720 : i32 to vector<16xi32>
    %shift_right_arithmetic3A_722 = arith.shrsi %add3A_719, %shift_right_arithmetic3A_721 : vector<16xi32>
    %mul3A_723 = arith.constant 260096 : i32
    %mul3A_724 = vector.broadcast %mul3A_723 : i32 to vector<16xi32>
    %mul3A_725 = arith.muli %shift_right_arithmetic3A_722, %mul3A_724 : vector<16xi32>
    %and3A_726 = arith.constant 7 : i32
    %and3A_727 = vector.broadcast %and3A_726 : i32 to vector<16xi32>
    %and3A_728 = arith.andi %add3A_719, %and3A_727 : vector<16xi32>
    %shift_left3A_729 = arith.constant 7 : i32
    %shift_left3A_730 = vector.broadcast %shift_left3A_729 : i32 to vector<16xi32>
    %shift_left3A_731 = arith.shli %and3A_728, %shift_left3A_730 : vector<16xi32>
    %add3A_732 = arith.addi %mul3A_725, %shift_left3A_731 : vector<16xi32>
    %get3A_733 = arith.constant 176 : index
    %get3A_734 = tpu.vector_load %arg7[%get3A_733] {strides = array<i32>} : memref<256xi32, #tpu.memory_space<vmem>>, vector<16xi32>,
    %get3A_735 = vector.shape_cast %get3A_734 : vector<16xi32> to vector<16xi32>
    %max3A_736 = arith.constant 0 : i32
    %max3A_737 = vector.broadcast %max3A_736 : i32 to vector<16xi32>
    %max3A_738 = arith.maxsi %get3A_735, %max3A_737 : vector<16xi32>
    %shift_right_arithmetic3A_739 = arith.constant 7 : i32
    %shift_right_arithmetic3A_740 = vector.broadcast %shift_right_arithmetic3A_739 : i32 to vector<16xi32>
    %shift_right_arithmetic3A_741 = arith.shrsi %max3A_738, %shift_right_arithmetic3A_740 : vector<16xi32>
    %shift_left3A_742 = arith.constant 10 : i32
    %shift_left3A_743 = vector.broadcast %shift_left3A_742 : i32 to vector<16xi32>
    %shift_left3A_744 = arith.shli %shift_right_arithmetic3A_741, %shift_left3A_743 : vector<16xi32>
    %add3A_745 = arith.addi %add3A_732, %shift_left3A_744 : vector<16xi32>
    %and3A_746 = arith.constant 127 : i32
    %and3A_747 = vector.broadcast %and3A_746 : i32 to vector<16xi32>
    %and3A_748 = arith.andi %max3A_738, %and3A_747 : vector<16xi32>
    %add3A_749 = arith.addi %add3A_745, %and3A_748 : vector<16xi32>
    %swap3A_750 = arith.constant 1 : i32
    %swap3A_751 = arith.index_cast %swap3A_750 : i32 to index
    %swap3A_752 = arith.constant 48 : index
    %swap3A_753 = tpu.vector_load %arg8[%swap3A_751, %swap3A_752] {strides = array<i32>} : memref<2x128xi32, #tpu.memory_space<vmem>>, vector<1x16xi32>,
    %swap3A_754 = vector.shape_cast %swap3A_753 : vector<1x16xi32> to vector<16xi32>
    %swap3A_755 = vector.shape_cast %add3A_749 : vector<16xi32> to vector<1x16xi32>
    tpu.vector_store %arg8[%swap3A_751, %swap3A_752], %swap3A_755 {strides = array<i32>} : memref<2x128xi32, #tpu.memory_space<vmem>>, vector<1x16xi32>,
    %get3A_756 = arith.constant 176 : index
    %get3A_757 = tpu.vector_load %arg6[%get3A_756] {strides = array<i32>} : memref<256xi32, #tpu.memory_space<vmem>>, vector<16xi32>,
    %get3A_758 = vector.shape_cast %get3A_757 : vector<16xi32> to vector<16xi32>
    %add3A_759 = arith.constant 32000 : i32
    %add3A_760 = vector.broadcast %add3A_759 : i32 to vector<16xi32>
    %add3A_761 = arith.addi %add3A_760, %get3A_758 : vector<16xi32>
    %shift_right_arithmetic3A_762 = arith.constant 7 : i32
    %shift_right_arithmetic3A_763 = vector.broadcast %shift_right_arithmetic3A_762 : i32 to vector<16xi32>
    %shift_right_arithmetic3A_764 = arith.shrsi %add3A_761, %shift_right_arithmetic3A_763 : vector<16xi32>
    %shift_left3A_765 = arith.constant 10 : i32
    %shift_left3A_766 = vector.broadcast %shift_left3A_765 : i32 to vector<16xi32>
    %shift_left3A_767 = arith.shli %shift_right_arithmetic3A_764, %shift_left3A_766 : vector<16xi32>
    %add3A_768 = arith.addi %add3A_732, %shift_left3A_767 : vector<16xi32>
    %and3A_769 = arith.constant 127 : i32
    %and3A_770 = vector.broadcast %and3A_769 : i32 to vector<16xi32>
    %and3A_771 = arith.andi %add3A_761, %and3A_770 : vector<16xi32>
    %add3A_772 = arith.addi %add3A_768, %and3A_771 : vector<16xi32>
    %swap3A_773 = arith.constant 1 : i32
    %swap3A_774 = arith.index_cast %swap3A_773 : i32 to index
    %swap3A_775 = arith.constant 48 : index
    %swap3A_776 = tpu.vector_load %arg9[%swap3A_774, %swap3A_775] {strides = array<i32>} : memref<2x128xi32, #tpu.memory_space<vmem>>, vector<1x16xi32>,
    %swap3A_777 = vector.shape_cast %swap3A_776 : vector<1x16xi32> to vector<16xi32>
    %swap3A_778 = vector.shape_cast %add3A_772 : vector<16xi32> to vector<1x16xi32>
    tpu.vector_store %arg9[%swap3A_774, %swap3A_775], %swap3A_778 {strides = array<i32>} : memref<2x128xi32, #tpu.memory_space<vmem>>, vector<1x16xi32>,
    %add3A_779 = arith.constant 192 : i32
    %add3A_780 = arith.addi %mul3A_2, %add3A_779 : i32
    %add3A_781 = vector.broadcast %add3A_780 : i32 to vector<16xi32>
    %add3A_782 = arith.addi %add3A_781, %iota3A : vector<16xi32>
    %shift_right_arithmetic3A_783 = arith.constant 3 : i32
    %shift_right_arithmetic3A_784 = vector.broadcast %shift_right_arithmetic3A_783 : i32 to vector<16xi32>
    %shift_right_arithmetic3A_785 = arith.shrsi %add3A_782, %shift_right_arithmetic3A_784 : vector<16xi32>
    %mul3A_786 = arith.constant 260096 : i32
    %mul3A_787 = vector.broadcast %mul3A_786 : i32 to vector<16xi32>
    %mul3A_788 = arith.muli %shift_right_arithmetic3A_785, %mul3A_787 : vector<16xi32>
    %and3A_789 = arith.constant 7 : i32
    %and3A_790 = vector.broadcast %and3A_789 : i32 to vector<16xi32>
    %and3A_791 = arith.andi %add3A_782, %and3A_790 : vector<16xi32>
    %shift_left3A_792 = arith.constant 7 : i32
    %shift_left3A_793 = vector.broadcast %shift_left3A_792 : i32 to vector<16xi32>
    %shift_left3A_794 = arith.shli %and3A_791, %shift_left3A_793 : vector<16xi32>
    %add3A_795 = arith.addi %mul3A_788, %shift_left3A_794 : vector<16xi32>
    %get3A_796 = arith.constant 192 : index
    %get3A_797 = tpu.vector_load %arg7[%get3A_796] {strides = array<i32>} : memref<256xi32, #tpu.memory_space<vmem>>, vector<16xi32>,
    %get3A_798 = vector.shape_cast %get3A_797 : vector<16xi32> to vector<16xi32>
    %max3A_799 = arith.constant 0 : i32
    %max3A_800 = vector.broadcast %max3A_799 : i32 to vector<16xi32>
    %max3A_801 = arith.maxsi %get3A_798, %max3A_800 : vector<16xi32>
    %shift_right_arithmetic3A_802 = arith.constant 7 : i32
    %shift_right_arithmetic3A_803 = vector.broadcast %shift_right_arithmetic3A_802 : i32 to vector<16xi32>
    %shift_right_arithmetic3A_804 = arith.shrsi %max3A_801, %shift_right_arithmetic3A_803 : vector<16xi32>
    %shift_left3A_805 = arith.constant 10 : i32
    %shift_left3A_806 = vector.broadcast %shift_left3A_805 : i32 to vector<16xi32>
    %shift_left3A_807 = arith.shli %shift_right_arithmetic3A_804, %shift_left3A_806 : vector<16xi32>
    %add3A_808 = arith.addi %add3A_795, %shift_left3A_807 : vector<16xi32>
    %and3A_809 = arith.constant 127 : i32
    %and3A_810 = vector.broadcast %and3A_809 : i32 to vector<16xi32>
    %and3A_811 = arith.andi %max3A_801, %and3A_810 : vector<16xi32>
    %add3A_812 = arith.addi %add3A_808, %and3A_811 : vector<16xi32>
    %swap3A_813 = arith.constant 1 : i32
    %swap3A_814 = arith.index_cast %swap3A_813 : i32 to index
    %swap3A_815 = arith.constant 64 : index
    %swap3A_816 = tpu.vector_load %arg8[%swap3A_814, %swap3A_815] {strides = array<i32>} : memref<2x128xi32, #tpu.memory_space<vmem>>, vector<1x16xi32>,
    %swap3A_817 = vector.shape_cast %swap3A_816 : vector<1x16xi32> to vector<16xi32>
    %swap3A_818 = vector.shape_cast %add3A_812 : vector<16xi32> to vector<1x16xi32>
    tpu.vector_store %arg8[%swap3A_814, %swap3A_815], %swap3A_818 {strides = array<i32>} : memref<2x128xi32, #tpu.memory_space<vmem>>, vector<1x16xi32>,
    %get3A_819 = arith.constant 192 : index
    %get3A_820 = tpu.vector_load %arg6[%get3A_819] {strides = array<i32>} : memref<256xi32, #tpu.memory_space<vmem>>, vector<16xi32>,
    %get3A_821 = vector.shape_cast %get3A_820 : vector<16xi32> to vector<16xi32>
    %add3A_822 = arith.constant 32000 : i32
    %add3A_823 = vector.broadcast %add3A_822 : i32 to vector<16xi32>
    %add3A_824 = arith.addi %add3A_823, %get3A_821 : vector<16xi32>
    %shift_right_arithmetic3A_825 = arith.constant 7 : i32
    %shift_right_arithmetic3A_826 = vector.broadcast %shift_right_arithmetic3A_825 : i32 to vector<16xi32>
    %shift_right_arithmetic3A_827 = arith.shrsi %add3A_824, %shift_right_arithmetic3A_826 : vector<16xi32>
    %shift_left3A_828 = arith.constant 10 : i32
    %shift_left3A_829 = vector.broadcast %shift_left3A_828 : i32 to vector<16xi32>
    %shift_left3A_830 = arith.shli %shift_right_arithmetic3A_827, %shift_left3A_829 : vector<16xi32>
    %add3A_831 = arith.addi %add3A_795, %shift_left3A_830 : vector<16xi32>
    %and3A_832 = arith.constant 127 : i32
    %and3A_833 = vector.broadcast %and3A_832 : i32 to vector<16xi32>
    %and3A_834 = arith.andi %add3A_824, %and3A_833 : vector<16xi32>
    %add3A_835 = arith.addi %add3A_831, %and3A_834 : vector<16xi32>
    %swap3A_836 = arith.constant 1 : i32
    %swap3A_837 = arith.index_cast %swap3A_836 : i32 to index
    %swap3A_838 = arith.constant 64 : index
    %swap3A_839 = tpu.vector_load %arg9[%swap3A_837, %swap3A_838] {strides = array<i32>} : memref<2x128xi32, #tpu.memory_space<vmem>>, vector<1x16xi32>,
    %swap3A_840 = vector.shape_cast %swap3A_839 : vector<1x16xi32> to vector<16xi32>
    %swap3A_841 = vector.shape_cast %add3A_835 : vector<16xi32> to vector<1x16xi32>
    tpu.vector_store %arg9[%swap3A_837, %swap3A_838], %swap3A_841 {strides = array<i32>} : memref<2x128xi32, #tpu.memory_space<vmem>>, vector<1x16xi32>,
    %add3A_842 = arith.constant 208 : i32
    %add3A_843 = arith.addi %mul3A_2, %add3A_842 : i32
    %add3A_844 = vector.broadcast %add3A_843 : i32 to vector<16xi32>
    %add3A_845 = arith.addi %add3A_844, %iota3A : vector<16xi32>
    %shift_right_arithmetic3A_846 = arith.constant 3 : i32
    %shift_right_arithmetic3A_847 = vector.broadcast %shift_right_arithmetic3A_846 : i32 to vector<16xi32>
    %shift_right_arithmetic3A_848 = arith.shrsi %add3A_845, %shift_right_arithmetic3A_847 : vector<16xi32>
    %mul3A_849 = arith.constant 260096 : i32
    %mul3A_850 = vector.broadcast %mul3A_849 : i32 to vector<16xi32>
    %mul3A_851 = arith.muli %shift_right_arithmetic3A_848, %mul3A_850 : vector<16xi32>
    %and3A_852 = arith.constant 7 : i32
    %and3A_853 = vector.broadcast %and3A_852 : i32 to vector<16xi32>
    %and3A_854 = arith.andi %add3A_845, %and3A_853 : vector<16xi32>
    %shift_left3A_855 = arith.constant 7 : i32
    %shift_left3A_856 = vector.broadcast %shift_left3A_855 : i32 to vector<16xi32>
    %shift_left3A_857 = arith.shli %and3A_854, %shift_left3A_856 : vector<16xi32>
    %add3A_858 = arith.addi %mul3A_851, %shift_left3A_857 : vector<16xi32>
    %get3A_859 = arith.constant 208 : index
    %get3A_860 = tpu.vector_load %arg7[%get3A_859] {strides = array<i32>} : memref<256xi32, #tpu.memory_space<vmem>>, vector<16xi32>,
    %get3A_861 = vector.shape_cast %get3A_860 : vector<16xi32> to vector<16xi32>
    %max3A_862 = arith.constant 0 : i32
    %max3A_863 = vector.broadcast %max3A_862 : i32 to vector<16xi32>
    %max3A_864 = arith.maxsi %get3A_861, %max3A_863 : vector<16xi32>
    %shift_right_arithmetic3A_865 = arith.constant 7 : i32
    %shift_right_arithmetic3A_866 = vector.broadcast %shift_right_arithmetic3A_865 : i32 to vector<16xi32>
    %shift_right_arithmetic3A_867 = arith.shrsi %max3A_864, %shift_right_arithmetic3A_866 : vector<16xi32>
    %shift_left3A_868 = arith.constant 10 : i32
    %shift_left3A_869 = vector.broadcast %shift_left3A_868 : i32 to vector<16xi32>
    %shift_left3A_870 = arith.shli %shift_right_arithmetic3A_867, %shift_left3A_869 : vector<16xi32>
    %add3A_871 = arith.addi %add3A_858, %shift_left3A_870 : vector<16xi32>
    %and3A_872 = arith.constant 127 : i32
    %and3A_873 = vector.broadcast %and3A_872 : i32 to vector<16xi32>
    %and3A_874 = arith.andi %max3A_864, %and3A_873 : vector<16xi32>
    %add3A_875 = arith.addi %add3A_871, %and3A_874 : vector<16xi32>
    %swap3A_876 = arith.constant 1 : i32
    %swap3A_877 = arith.index_cast %swap3A_876 : i32 to index
    %swap3A_878 = arith.constant 80 : index
    %swap3A_879 = tpu.vector_load %arg8[%swap3A_877, %swap3A_878] {strides = array<i32>} : memref<2x128xi32, #tpu.memory_space<vmem>>, vector<1x16xi32>,
    %swap3A_880 = vector.shape_cast %swap3A_879 : vector<1x16xi32> to vector<16xi32>
    %swap3A_881 = vector.shape_cast %add3A_875 : vector<16xi32> to vector<1x16xi32>
    tpu.vector_store %arg8[%swap3A_877, %swap3A_878], %swap3A_881 {strides = array<i32>} : memref<2x128xi32, #tpu.memory_space<vmem>>, vector<1x16xi32>,
    %get3A_882 = arith.constant 208 : index
    %get3A_883 = tpu.vector_load %arg6[%get3A_882] {strides = array<i32>} : memref<256xi32, #tpu.memory_space<vmem>>, vector<16xi32>,
    %get3A_884 = vector.shape_cast %get3A_883 : vector<16xi32> to vector<16xi32>
    %add3A_885 = arith.constant 32000 : i32
    %add3A_886 = vector.broadcast %add3A_885 : i32 to vector<16xi32>
    %add3A_887 = arith.addi %add3A_886, %get3A_884 : vector<16xi32>
    %shift_right_arithmetic3A_888 = arith.constant 7 : i32
    %shift_right_arithmetic3A_889 = vector.broadcast %shift_right_arithmetic3A_888 : i32 to vector<16xi32>
    %shift_right_arithmetic3A_890 = arith.shrsi %add3A_887, %shift_right_arithmetic3A_889 : vector<16xi32>
    %shift_left3A_891 = arith.constant 10 : i32
    %shift_left3A_892 = vector.broadcast %shift_left3A_891 : i32 to vector<16xi32>
    %shift_left3A_893 = arith.shli %shift_right_arithmetic3A_890, %shift_left3A_892 : vector<16xi32>
    %add3A_894 = arith.addi %add3A_858, %shift_left3A_893 : vector<16xi32>
    %and3A_895 = arith.constant 127 : i32
    %and3A_896 = vector.broadcast %and3A_895 : i32 to vector<16xi32>
    %and3A_897 = arith.andi %add3A_887, %and3A_896 : vector<16xi32>
    %add3A_898 = arith.addi %add3A_894, %and3A_897 : vector<16xi32>
    %swap3A_899 = arith.constant 1 : i32
    %swap3A_900 = arith.index_cast %swap3A_899 : i32 to index
    %swap3A_901 = arith.constant 80 : index
    %swap3A_902 = tpu.vector_load %arg9[%swap3A_900, %swap3A_901] {strides = array<i32>} : memref<2x128xi32, #tpu.memory_space<vmem>>, vector<1x16xi32>,
    %swap3A_903 = vector.shape_cast %swap3A_902 : vector<1x16xi32> to vector<16xi32>
    %swap3A_904 = vector.shape_cast %add3A_898 : vector<16xi32> to vector<1x16xi32>
    tpu.vector_store %arg9[%swap3A_900, %swap3A_901], %swap3A_904 {strides = array<i32>} : memref<2x128xi32, #tpu.memory_space<vmem>>, vector<1x16xi32>,
    %add3A_905 = arith.constant 224 : i32
    %add3A_906 = arith.addi %mul3A_2, %add3A_905 : i32
    %add3A_907 = vector.broadcast %add3A_906 : i32 to vector<16xi32>
    %add3A_908 = arith.addi %add3A_907, %iota3A : vector<16xi32>
    %shift_right_arithmetic3A_909 = arith.constant 3 : i32
    %shift_right_arithmetic3A_910 = vector.broadcast %shift_right_arithmetic3A_909 : i32 to vector<16xi32>
    %shift_right_arithmetic3A_911 = arith.shrsi %add3A_908, %shift_right_arithmetic3A_910 : vector<16xi32>
    %mul3A_912 = arith.constant 260096 : i32
    %mul3A_913 = vector.broadcast %mul3A_912 : i32 to vector<16xi32>
    %mul3A_914 = arith.muli %shift_right_arithmetic3A_911, %mul3A_913 : vector<16xi32>
    %and3A_915 = arith.constant 7 : i32
    %and3A_916 = vector.broadcast %and3A_915 : i32 to vector<16xi32>
    %and3A_917 = arith.andi %add3A_908, %and3A_916 : vector<16xi32>
    %shift_left3A_918 = arith.constant 7 : i32
    %shift_left3A_919 = vector.broadcast %shift_left3A_918 : i32 to vector<16xi32>
    %shift_left3A_920 = arith.shli %and3A_917, %shift_left3A_919 : vector<16xi32>
    %add3A_921 = arith.addi %mul3A_914, %shift_left3A_920 : vector<16xi32>
    %get3A_922 = arith.constant 224 : index
    %get3A_923 = tpu.vector_load %arg7[%get3A_922] {strides = array<i32>} : memref<256xi32, #tpu.memory_space<vmem>>, vector<16xi32>,
    %get3A_924 = vector.shape_cast %get3A_923 : vector<16xi32> to vector<16xi32>
    %max3A_925 = arith.constant 0 : i32
    %max3A_926 = vector.broadcast %max3A_925 : i32 to vector<16xi32>
    %max3A_927 = arith.maxsi %get3A_924, %max3A_926 : vector<16xi32>
    %shift_right_arithmetic3A_928 = arith.constant 7 : i32
    %shift_right_arithmetic3A_929 = vector.broadcast %shift_right_arithmetic3A_928 : i32 to vector<16xi32>
    %shift_right_arithmetic3A_930 = arith.shrsi %max3A_927, %shift_right_arithmetic3A_929 : vector<16xi32>
    %shift_left3A_931 = arith.constant 10 : i32
    %shift_left3A_932 = vector.broadcast %shift_left3A_931 : i32 to vector<16xi32>
    %shift_left3A_933 = arith.shli %shift_right_arithmetic3A_930, %shift_left3A_932 : vector<16xi32>
    %add3A_934 = arith.addi %add3A_921, %shift_left3A_933 : vector<16xi32>
    %and3A_935 = arith.constant 127 : i32
    %and3A_936 = vector.broadcast %and3A_935 : i32 to vector<16xi32>
    %and3A_937 = arith.andi %max3A_927, %and3A_936 : vector<16xi32>
    %add3A_938 = arith.addi %add3A_934, %and3A_937 : vector<16xi32>
    %swap3A_939 = arith.constant 1 : i32
    %swap3A_940 = arith.index_cast %swap3A_939 : i32 to index
    %swap3A_941 = arith.constant 96 : index
    %swap3A_942 = tpu.vector_load %arg8[%swap3A_940, %swap3A_941] {strides = array<i32>} : memref<2x128xi32, #tpu.memory_space<vmem>>, vector<1x16xi32>,
    %swap3A_943 = vector.shape_cast %swap3A_942 : vector<1x16xi32> to vector<16xi32>
    %swap3A_944 = vector.shape_cast %add3A_938 : vector<16xi32> to vector<1x16xi32>
    tpu.vector_store %arg8[%swap3A_940, %swap3A_941], %swap3A_944 {strides = array<i32>} : memref<2x128xi32, #tpu.memory_space<vmem>>, vector<1x16xi32>,
    %get3A_945 = arith.constant 224 : index
    %get3A_946 = tpu.vector_load %arg6[%get3A_945] {strides = array<i32>} : memref<256xi32, #tpu.memory_space<vmem>>, vector<16xi32>,
    %get3A_947 = vector.shape_cast %get3A_946 : vector<16xi32> to vector<16xi32>
    %add3A_948 = arith.constant 32000 : i32
    %add3A_949 = vector.broadcast %add3A_948 : i32 to vector<16xi32>
    %add3A_950 = arith.addi %add3A_949, %get3A_947 : vector<16xi32>
    %shift_right_arithmetic3A_951 = arith.constant 7 : i32
    %shift_right_arithmetic3A_952 = vector.broadcast %shift_right_arithmetic3A_951 : i32 to vector<16xi32>
    %shift_right_arithmetic3A_953 = arith.shrsi %add3A_950, %shift_right_arithmetic3A_952 : vector<16xi32>
    %shift_left3A_954 = arith.constant 10 : i32
    %shift_left3A_955 = vector.broadcast %shift_left3A_954 : i32 to vector<16xi32>
    %shift_left3A_956 = arith.shli %shift_right_arithmetic3A_953, %shift_left3A_955 : vector<16xi32>
    %add3A_957 = arith.addi %add3A_921, %shift_left3A_956 : vector<16xi32>
    %and3A_958 = arith.constant 127 : i32
    %and3A_959 = vector.broadcast %and3A_958 : i32 to vector<16xi32>
    %and3A_960 = arith.andi %add3A_950, %and3A_959 : vector<16xi32>
    %add3A_961 = arith.addi %add3A_957, %and3A_960 : vector<16xi32>
    %swap3A_962 = arith.constant 1 : i32
    %swap3A_963 = arith.index_cast %swap3A_962 : i32 to index
    %swap3A_964 = arith.constant 96 : index
    %swap3A_965 = tpu.vector_load %arg9[%swap3A_963, %swap3A_964] {strides = array<i32>} : memref<2x128xi32, #tpu.memory_space<vmem>>, vector<1x16xi32>,
    %swap3A_966 = vector.shape_cast %swap3A_965 : vector<1x16xi32> to vector<16xi32>
    %swap3A_967 = vector.shape_cast %add3A_961 : vector<16xi32> to vector<1x16xi32>
    tpu.vector_store %arg9[%swap3A_963, %swap3A_964], %swap3A_967 {strides = array<i32>} : memref<2x128xi32, #tpu.memory_space<vmem>>, vector<1x16xi32>,
    %add3A_968 = arith.constant 240 : i32
    %add3A_969 = arith.addi %mul3A_2, %add3A_968 : i32
    %add3A_970 = vector.broadcast %add3A_969 : i32 to vector<16xi32>
    %add3A_971 = arith.addi %add3A_970, %iota3A : vector<16xi32>
    %shift_right_arithmetic3A_972 = arith.constant 3 : i32
    %shift_right_arithmetic3A_973 = vector.broadcast %shift_right_arithmetic3A_972 : i32 to vector<16xi32>
    %shift_right_arithmetic3A_974 = arith.shrsi %add3A_971, %shift_right_arithmetic3A_973 : vector<16xi32>
    %mul3A_975 = arith.constant 260096 : i32
    %mul3A_976 = vector.broadcast %mul3A_975 : i32 to vector<16xi32>
    %mul3A_977 = arith.muli %shift_right_arithmetic3A_974, %mul3A_976 : vector<16xi32>
    %and3A_978 = arith.constant 7 : i32
    %and3A_979 = vector.broadcast %and3A_978 : i32 to vector<16xi32>
    %and3A_980 = arith.andi %add3A_971, %and3A_979 : vector<16xi32>
    %shift_left3A_981 = arith.constant 7 : i32
    %shift_left3A_982 = vector.broadcast %shift_left3A_981 : i32 to vector<16xi32>
    %shift_left3A_983 = arith.shli %and3A_980, %shift_left3A_982 : vector<16xi32>
    %add3A_984 = arith.addi %mul3A_977, %shift_left3A_983 : vector<16xi32>
    %get3A_985 = arith.constant 240 : index
    %get3A_986 = tpu.vector_load %arg7[%get3A_985] {strides = array<i32>} : memref<256xi32, #tpu.memory_space<vmem>>, vector<16xi32>,
    %get3A_987 = vector.shape_cast %get3A_986 : vector<16xi32> to vector<16xi32>
    %max3A_988 = arith.constant 0 : i32
    %max3A_989 = vector.broadcast %max3A_988 : i32 to vector<16xi32>
    %max3A_990 = arith.maxsi %get3A_987, %max3A_989 : vector<16xi32>
    %shift_right_arithmetic3A_991 = arith.constant 7 : i32
    %shift_right_arithmetic3A_992 = vector.broadcast %shift_right_arithmetic3A_991 : i32 to vector<16xi32>
    %shift_right_arithmetic3A_993 = arith.shrsi %max3A_990, %shift_right_arithmetic3A_992 : vector<16xi32>
    %shift_left3A_994 = arith.constant 10 : i32
    %shift_left3A_995 = vector.broadcast %shift_left3A_994 : i32 to vector<16xi32>
    %shift_left3A_996 = arith.shli %shift_right_arithmetic3A_993, %shift_left3A_995 : vector<16xi32>
    %add3A_997 = arith.addi %add3A_984, %shift_left3A_996 : vector<16xi32>
    %and3A_998 = arith.constant 127 : i32
    %and3A_999 = vector.broadcast %and3A_998 : i32 to vector<16xi32>
    %and3A_1000 = arith.andi %max3A_990, %and3A_999 : vector<16xi32>
    %add3A_1001 = arith.addi %add3A_997, %and3A_1000 : vector<16xi32>
    %swap3A_1002 = arith.constant 1 : i32
    %swap3A_1003 = arith.index_cast %swap3A_1002 : i32 to index
    %swap3A_1004 = arith.constant 112 : index
    %swap3A_1005 = tpu.vector_load %arg8[%swap3A_1003, %swap3A_1004] {strides = array<i32>} : memref<2x128xi32, #tpu.memory_space<vmem>>, vector<1x16xi32>,
    %swap3A_1006 = vector.shape_cast %swap3A_1005 : vector<1x16xi32> to vector<16xi32>
    %swap3A_1007 = vector.shape_cast %add3A_1001 : vector<16xi32> to vector<1x16xi32>
    tpu.vector_store %arg8[%swap3A_1003, %swap3A_1004], %swap3A_1007 {strides = array<i32>} : memref<2x128xi32, #tpu.memory_space<vmem>>, vector<1x16xi32>,
    %get3A_1008 = arith.constant 240 : index
    %get3A_1009 = tpu.vector_load %arg6[%get3A_1008] {strides = array<i32>} : memref<256xi32, #tpu.memory_space<vmem>>, vector<16xi32>,
    %get3A_1010 = vector.shape_cast %get3A_1009 : vector<16xi32> to vector<16xi32>
    %add3A_1011 = arith.constant 32000 : i32
    %add3A_1012 = vector.broadcast %add3A_1011 : i32 to vector<16xi32>
    %add3A_1013 = arith.addi %add3A_1012, %get3A_1010 : vector<16xi32>
    %shift_right_arithmetic3A_1014 = arith.constant 7 : i32
    %shift_right_arithmetic3A_1015 = vector.broadcast %shift_right_arithmetic3A_1014 : i32 to vector<16xi32>
    %shift_right_arithmetic3A_1016 = arith.shrsi %add3A_1013, %shift_right_arithmetic3A_1015 : vector<16xi32>
    %shift_left3A_1017 = arith.constant 10 : i32
    %shift_left3A_1018 = vector.broadcast %shift_left3A_1017 : i32 to vector<16xi32>
    %shift_left3A_1019 = arith.shli %shift_right_arithmetic3A_1016, %shift_left3A_1018 : vector<16xi32>
    %add3A_1020 = arith.addi %add3A_984, %shift_left3A_1019 : vector<16xi32>
    %and3A_1021 = arith.constant 127 : i32
    %and3A_1022 = vector.broadcast %and3A_1021 : i32 to vector<16xi32>
    %and3A_1023 = arith.andi %add3A_1013, %and3A_1022 : vector<16xi32>
    %add3A_1024 = arith.addi %add3A_1020, %and3A_1023 : vector<16xi32>
    %swap3A_1025 = arith.constant 1 : i32
    %swap3A_1026 = arith.index_cast %swap3A_1025 : i32 to index
    %swap3A_1027 = arith.constant 112 : index
    %swap3A_1028 = tpu.vector_load %arg9[%swap3A_1026, %swap3A_1027] {strides = array<i32>} : memref<2x128xi32, #tpu.memory_space<vmem>>, vector<1x16xi32>,
    %swap3A_1029 = vector.shape_cast %swap3A_1028 : vector<1x16xi32> to vector<16xi32>
    %swap3A_1030 = vector.shape_cast %add3A_1024 : vector<16xi32> to vector<1x16xi32>
    tpu.vector_store %arg9[%swap3A_1026, %swap3A_1027], %swap3A_1030 {strides = array<i32>} : memref<2x128xi32, #tpu.memory_space<vmem>>, vector<1x16xi32>,
    %dma_start3A_1031 = arith.constant 1 : i32
    %dma_start3A_1032 = arith.constant 1 : i32
    %dma_start3A_1033 = arith.constant 0 : i32
    %dma_start3A_1034 = tpu.memref_slice %arg10[%dma_start3A_1032, %dma_start3A_1033] : memref<2x128xf32, #tpu.memory_space<vmem>> -> memref<1x128xf32, #tpu.memory_space<vmem>>
    %dma_start3A_1035 = tpu.memref_squeeze %dma_start3A_1034 : memref<1x128xf32, #tpu.memory_space<vmem>> -> memref<128xf32, #tpu.memory_space<vmem>>
    %dma_start3A_1036 = arith.constant 0 : i32
    %dma_start3A_1037 = tpu.memref_slice %arg8[%dma_start3A_1031, %dma_start3A_1036] : memref<2x128xi32, #tpu.memory_space<vmem>> -> memref<1x128xi32, #tpu.memory_space<vmem>>
    %dma_start3A_1038 = tpu.memref_squeeze %dma_start3A_1037 : memref<1x128xi32, #tpu.memory_space<vmem>> -> memref<128xi32, #tpu.memory_space<vmem>>
    %dma_start3A_1039 = arith.constant 0 : i32
    %dma_start3A_1040 = tpu.memref_slice %arg2[%dma_start3A_1039] : memref<133169152xf32, #tpu.memory_space<hbm>> -> memref<133169152xf32, #tpu.memory_space<hbm>>
    tpu.enqueue_indirect_dma source(%dma_start3A_1040 : memref<133169152xf32, #tpu.memory_space<hbm>>) target(%dma_start3A_1035 : memref<128xf32, #tpu.memory_space<vmem>>) offsets(%dma_start3A_1038 : memref<128xi32, #tpu.memory_space<vmem>>) semaphore(%arg13 : memref<!tpu.dma_semaphore, #tpu.memory_space<semaphore_mem>>)
    %dma_start3A_1041 = arith.constant 1 : i32
    %dma_start3A_1042 = arith.constant 1 : i32
    %dma_start3A_1043 = arith.constant 0 : i32
    %dma_start3A_1044 = tpu.memref_slice %arg11[%dma_start3A_1042, %dma_start3A_1043] : memref<2x128xf32, #tpu.memory_space<vmem>> -> memref<1x128xf32, #tpu.memory_space<vmem>>
    %dma_start3A_1045 = tpu.memref_squeeze %dma_start3A_1044 : memref<1x128xf32, #tpu.memory_space<vmem>> -> memref<128xf32, #tpu.memory_space<vmem>>
    %dma_start3A_1046 = arith.constant 0 : i32
    %dma_start3A_1047 = tpu.memref_slice %arg9[%dma_start3A_1041, %dma_start3A_1046] : memref<2x128xi32, #tpu.memory_space<vmem>> -> memref<1x128xi32, #tpu.memory_space<vmem>>
    %dma_start3A_1048 = tpu.memref_squeeze %dma_start3A_1047 : memref<1x128xi32, #tpu.memory_space<vmem>> -> memref<128xi32, #tpu.memory_space<vmem>>
    %dma_start3A_1049 = arith.constant 0 : i32
    %dma_start3A_1050 = tpu.memref_slice %arg2[%dma_start3A_1049] : memref<133169152xf32, #tpu.memory_space<hbm>> -> memref<133169152xf32, #tpu.memory_space<hbm>>
    tpu.enqueue_indirect_dma source(%dma_start3A_1050 : memref<133169152xf32, #tpu.memory_space<hbm>>) target(%dma_start3A_1045 : memref<128xf32, #tpu.memory_space<vmem>>) offsets(%dma_start3A_1048 : memref<128xi32, #tpu.memory_space<vmem>>) semaphore(%arg14 : memref<!tpu.dma_semaphore, #tpu.memory_space<semaphore_mem>>)
    %dma_wait3A_1051 = arith.constant 0 : i32
    %dma_wait3A_1052 = arith.constant 0 : i32
    %dma_wait3A_1053 = arith.constant 0 : i32
    %dma_wait3A_1054 = tpu.memref_slice %arg10[%dma_wait3A_1052, %dma_wait3A_1053] : memref<2x128xf32, #tpu.memory_space<vmem>> -> memref<1x128xf32, #tpu.memory_space<vmem>>
    %dma_wait3A_1055 = tpu.memref_squeeze %dma_wait3A_1054 : memref<1x128xf32, #tpu.memory_space<vmem>> -> memref<128xf32, #tpu.memory_space<vmem>>
    %dma_wait3A_1056 = arith.constant 0 : i32
    %dma_wait3A_1057 = tpu.memref_slice %arg8[%dma_wait3A_1051, %dma_wait3A_1056] : memref<2x128xi32, #tpu.memory_space<vmem>> -> memref<1x128xi32, #tpu.memory_space<vmem>>
    %dma_wait3A_1058 = tpu.memref_squeeze %dma_wait3A_1057 : memref<1x128xi32, #tpu.memory_space<vmem>> -> memref<128xi32, #tpu.memory_space<vmem>>
    %dma_wait3A_1059 = arith.constant 0 : i32
    %dma_wait3A_1060 = tpu.memref_slice %arg2[%dma_wait3A_1059] : memref<133169152xf32, #tpu.memory_space<hbm>> -> memref<133169152xf32, #tpu.memory_space<hbm>>
    tpu.wait_indirect_dma semaphore(%arg13 : memref<!tpu.dma_semaphore, #tpu.memory_space<semaphore_mem>>) src(%dma_wait3A_1060 : memref<133169152xf32, #tpu.memory_space<hbm>>) dst(%dma_wait3A_1055 : memref<128xf32, #tpu.memory_space<vmem>>)
    %dma_wait3A_1061 = arith.constant 0 : i32
    %dma_wait3A_1062 = arith.constant 0 : i32
    %dma_wait3A_1063 = arith.constant 0 : i32
    %dma_wait3A_1064 = tpu.memref_slice %arg11[%dma_wait3A_1062, %dma_wait3A_1063] : memref<2x128xf32, #tpu.memory_space<vmem>> -> memref<1x128xf32, #tpu.memory_space<vmem>>
    %dma_wait3A_1065 = tpu.memref_squeeze %dma_wait3A_1064 : memref<1x128xf32, #tpu.memory_space<vmem>> -> memref<128xf32, #tpu.memory_space<vmem>>
    %dma_wait3A_1066 = arith.constant 0 : i32
    %dma_wait3A_1067 = tpu.memref_slice %arg9[%dma_wait3A_1061, %dma_wait3A_1066] : memref<2x128xi32, #tpu.memory_space<vmem>> -> memref<1x128xi32, #tpu.memory_space<vmem>>
    %dma_wait3A_1068 = tpu.memref_squeeze %dma_wait3A_1067 : memref<1x128xi32, #tpu.memory_space<vmem>> -> memref<128xi32, #tpu.memory_space<vmem>>
    %dma_wait3A_1069 = arith.constant 0 : i32
    %dma_wait3A_1070 = tpu.memref_slice %arg2[%dma_wait3A_1069] : memref<133169152xf32, #tpu.memory_space<hbm>> -> memref<133169152xf32, #tpu.memory_space<hbm>>
    tpu.wait_indirect_dma semaphore(%arg14 : memref<!tpu.dma_semaphore, #tpu.memory_space<semaphore_mem>>) src(%dma_wait3A_1070 : memref<133169152xf32, #tpu.memory_space<hbm>>) dst(%dma_wait3A_1065 : memref<128xf32, #tpu.memory_space<vmem>>)
    %dma_wait3A_1071 = arith.constant 1 : i32
    %dma_wait3A_1072 = arith.constant 1 : i32
    %dma_wait3A_1073 = arith.constant 0 : i32
    %dma_wait3A_1074 = tpu.memref_slice %arg10[%dma_wait3A_1072, %dma_wait3A_1073] : memref<2x128xf32, #tpu.memory_space<vmem>> -> memref<1x128xf32, #tpu.memory_space<vmem>>
    %dma_wait3A_1075 = tpu.memref_squeeze %dma_wait3A_1074 : memref<1x128xf32, #tpu.memory_space<vmem>> -> memref<128xf32, #tpu.memory_space<vmem>>
    %dma_wait3A_1076 = arith.constant 0 : i32
    %dma_wait3A_1077 = tpu.memref_slice %arg8[%dma_wait3A_1071, %dma_wait3A_1076] : memref<2x128xi32, #tpu.memory_space<vmem>> -> memref<1x128xi32, #tpu.memory_space<vmem>>
    %dma_wait3A_1078 = tpu.memref_squeeze %dma_wait3A_1077 : memref<1x128xi32, #tpu.memory_space<vmem>> -> memref<128xi32, #tpu.memory_space<vmem>>
    %dma_wait3A_1079 = arith.constant 0 : i32
    %dma_wait3A_1080 = tpu.memref_slice %arg2[%dma_wait3A_1079] : memref<133169152xf32, #tpu.memory_space<hbm>> -> memref<133169152xf32, #tpu.memory_space<hbm>>
    tpu.wait_indirect_dma semaphore(%arg13 : memref<!tpu.dma_semaphore, #tpu.memory_space<semaphore_mem>>) src(%dma_wait3A_1080 : memref<133169152xf32, #tpu.memory_space<hbm>>) dst(%dma_wait3A_1075 : memref<128xf32, #tpu.memory_space<vmem>>)
    %dma_wait3A_1081 = arith.constant 1 : i32
    %dma_wait3A_1082 = arith.constant 1 : i32
    %dma_wait3A_1083 = arith.constant 0 : i32
    %dma_wait3A_1084 = tpu.memref_slice %arg11[%dma_wait3A_1082, %dma_wait3A_1083] : memref<2x128xf32, #tpu.memory_space<vmem>> -> memref<1x128xf32, #tpu.memory_space<vmem>>
    %dma_wait3A_1085 = tpu.memref_squeeze %dma_wait3A_1084 : memref<1x128xf32, #tpu.memory_space<vmem>> -> memref<128xf32, #tpu.memory_space<vmem>>
    %dma_wait3A_1086 = arith.constant 0 : i32
    %dma_wait3A_1087 = tpu.memref_slice %arg9[%dma_wait3A_1081, %dma_wait3A_1086] : memref<2x128xi32, #tpu.memory_space<vmem>> -> memref<1x128xi32, #tpu.memory_space<vmem>>
    %dma_wait3A_1088 = tpu.memref_squeeze %dma_wait3A_1087 : memref<1x128xi32, #tpu.memory_space<vmem>> -> memref<128xi32, #tpu.memory_space<vmem>>
    %dma_wait3A_1089 = arith.constant 0 : i32
    %dma_wait3A_1090 = tpu.memref_slice %arg2[%dma_wait3A_1089] : memref<133169152xf32, #tpu.memory_space<hbm>> -> memref<133169152xf32, #tpu.memory_space<hbm>>
    tpu.wait_indirect_dma semaphore(%arg14 : memref<!tpu.dma_semaphore, #tpu.memory_space<semaphore_mem>>) src(%dma_wait3A_1090 : memref<133169152xf32, #tpu.memory_space<hbm>>) dst(%dma_wait3A_1085 : memref<128xf32, #tpu.memory_space<vmem>>)
    %get3A_1091 = arith.constant 0 : index
    %get3A_1092 = tpu.vector_load %arg7[%get3A_1091] {strides = array<i32>} : memref<256xi32, #tpu.memory_space<vmem>>, vector<16xi32>,
    %get3A_1093 = vector.shape_cast %get3A_1092 : vector<16xi32> to vector<16xi32>
    %get3A_1094 = arith.constant 0 : index
    %get3A_1095 = tpu.vector_load %arg6[%get3A_1094] {strides = array<i32>} : memref<256xi32, #tpu.memory_space<vmem>>, vector<16xi32>,
    %get3A_1096 = vector.shape_cast %get3A_1095 : vector<16xi32> to vector<16xi32>
    %get3A_1097 = arith.constant 0 : i32
    %get3A_1098 = arith.index_cast %get3A_1097 : i32 to index
    %get3A_1099 = arith.constant 0 : index
    %get3A_1100 = tpu.vector_load %arg10[%get3A_1098, %get3A_1099] {strides = array<i32>} : memref<2x128xf32, #tpu.memory_space<vmem>>, vector<1x16xf32>,
    %get3A_1101 = vector.shape_cast %get3A_1100 : vector<1x16xf32> to vector<16xf32>
    %get3A_1102 = arith.constant 0 : i32
    %get3A_1103 = arith.index_cast %get3A_1102 : i32 to index
    %get3A_1104 = arith.constant 0 : index
    %get3A_1105 = tpu.vector_load %arg11[%get3A_1103, %get3A_1104] {strides = array<i32>} : memref<2x128xf32, #tpu.memory_space<vmem>>, vector<1x16xf32>,
    %get3A_1106 = vector.shape_cast %get3A_1105 : vector<1x16xf32> to vector<16xf32>
    %eq3A = arith.constant 0 : i32
    %eq3A_1107 = vector.broadcast %eq3A : i32 to vector<16xi32>
    %eq3A_1108 = arith.cmpi eq, %get3A_1096, %eq3A_1107 : vector<16xi32>
    %jit3A = arith.constant 0.000000e+00 : f32
    %broadcast_in_dim3A = vector.broadcast %jit3A : f32 to vector<16xf32>
    %select_n3A = arith.select %eq3A_1108, %broadcast_in_dim3A, %get3A_1106 : vector<16xi1>, vector<16xf32>
    %add3A_1109 = arith.constant 9.99999968E-21 : f32
    %add3A_1110 = vector.broadcast %add3A_1109 : f32 to vector<16xf32>
    %add3A_1111 = arith.addf %select_n3A, %add3A_1110 : vector<16xf32>
    %ne3A = arith.constant 0 : i32
    %ne3A_1112 = vector.broadcast %ne3A : i32 to vector<16xi32>
    %ne3A_1113 = arith.cmpi ne, %get3A_1093, %ne3A_1112 : vector<16xi32>
    %or3A = arith.ori %eq3A_1108, %ne3A_1113 : vector<16xi1>
    %add3A_1114 = arith.addf %add3A_1111, %get3A_1101 : vector<16xf32>
    %select_n3A_1115 = arith.select %or3A, %add3A_1114, %add3A_1111 : vector<16xi1>, vector<16xf32>
    %bitcast_convert_type3A = tpu.bitcast %select_n3A_1115 : vector<16xf32> -> vector<16xi32>
    %shift_right_arithmetic3A_1116 = arith.constant 23 : i32
    %shift_right_arithmetic3A_1117 = vector.broadcast %shift_right_arithmetic3A_1116 : i32 to vector<16xi32>
    %shift_right_arithmetic3A_1118 = arith.shrsi %bitcast_convert_type3A, %shift_right_arithmetic3A_1117 : vector<16xi32>
    %sub3A = arith.constant 127 : i32
    %sub3A_1119 = vector.broadcast %sub3A : i32 to vector<16xi32>
    %sub3A_1120 = arith.subi %shift_right_arithmetic3A_1118, %sub3A_1119 : vector<16xi32>
    %and3A_1121 = arith.constant 8388607 : i32
    %and3A_1122 = vector.broadcast %and3A_1121 : i32 to vector<16xi32>
    %and3A_1123 = arith.andi %bitcast_convert_type3A, %and3A_1122 : vector<16xi32>
    %or3A_1124 = arith.constant 1065353216 : i32
    %or3A_1125 = vector.broadcast %or3A_1124 : i32 to vector<16xi32>
    %or3A_1126 = arith.ori %and3A_1123, %or3A_1125 : vector<16xi32>
    %bitcast_convert_type3A_1127 = tpu.bitcast %or3A_1126 : vector<16xi32> -> vector<16xf32>
    %convert_element_type3A = arith.sitofp %sub3A_1120 : vector<16xi32> to vector<16xf32>
    %ge3A = arith.constant 1.41421354 : f32
    %ge3A_1128 = vector.broadcast %ge3A : f32 to vector<16xf32>
    %ge3A_1129 = arith.cmpf oge, %bitcast_convert_type3A_1127, %ge3A_1128 : vector<16xf32>
    %mul3A_1130 = arith.constant 5.000000e-01 : f32
    %mul3A_1131 = vector.broadcast %mul3A_1130 : f32 to vector<16xf32>
    %mul3A_1132 = arith.mulf %bitcast_convert_type3A_1127, %mul3A_1131 : vector<16xf32>
    %select_n3A_1133 = arith.select %ge3A_1129, %mul3A_1132, %bitcast_convert_type3A_1127 : vector<16xi1>, vector<16xf32>
    %add3A_1134 = arith.constant 1.000000e+00 : f32
    %add3A_1135 = vector.broadcast %add3A_1134 : f32 to vector<16xf32>
    %add3A_1136 = arith.addf %convert_element_type3A, %add3A_1135 : vector<16xf32>
    %select_n3A_1137 = arith.select %ge3A_1129, %add3A_1136, %convert_element_type3A : vector<16xi1>, vector<16xf32>
    %sub3A_1138 = arith.constant 1.000000e+00 : f32
    %sub3A_1139 = vector.broadcast %sub3A_1138 : f32 to vector<16xf32>
    %sub3A_1140 = arith.subf %select_n3A_1133, %sub3A_1139 : vector<16xf32>
    %add3A_1141 = arith.constant 2.000000e+00 : f32
    %add3A_1142 = vector.broadcast %add3A_1141 : f32 to vector<16xf32>
    %add3A_1143 = arith.addf %add3A_1142, %sub3A_1140 : vector<16xf32>
    %div3A = arith.divf %sub3A_1140, %add3A_1143 : vector<16xf32>
    %mul3A_1144 = arith.mulf %div3A, %div3A : vector<16xf32>
    %mul3A_1145 = arith.constant 0.111111112 : f32
    %mul3A_1146 = vector.broadcast %mul3A_1145 : f32 to vector<16xf32>
    %mul3A_1147 = arith.mulf %mul3A_1144, %mul3A_1146 : vector<16xf32>
    %add3A_1148 = arith.constant 0.142857149 : f32
    %add3A_1149 = vector.broadcast %add3A_1148 : f32 to vector<16xf32>
    %add3A_1150 = arith.addf %add3A_1149, %mul3A_1147 : vector<16xf32>
    %mul3A_1151 = arith.mulf %mul3A_1144, %add3A_1150 : vector<16xf32>
    %add3A_1152 = arith.constant 2.000000e-01 : f32
    %add3A_1153 = vector.broadcast %add3A_1152 : f32 to vector<16xf32>
    %add3A_1154 = arith.addf %add3A_1153, %mul3A_1151 : vector<16xf32>
    %mul3A_1155 = arith.mulf %mul3A_1144, %add3A_1154 : vector<16xf32>
    %add3A_1156 = arith.constant 0.333333343 : f32
    %add3A_1157 = vector.broadcast %add3A_1156 : f32 to vector<16xf32>
    %add3A_1158 = arith.addf %add3A_1157, %mul3A_1155 : vector<16xf32>
    %mul3A_1159 = arith.constant 0.693147182 : f32
    %mul3A_1160 = vector.broadcast %mul3A_1159 : f32 to vector<16xf32>
    %mul3A_1161 = arith.mulf %select_n3A_1137, %mul3A_1160 : vector<16xf32>
    %mul3A_1162 = arith.constant 2.000000e+00 : f32
    %mul3A_1163 = vector.broadcast %mul3A_1162 : f32 to vector<16xf32>
    %mul3A_1164 = arith.mulf %mul3A_1163, %div3A : vector<16xf32>
    %mul3A_1165 = arith.mulf %mul3A_1144, %add3A_1158 : vector<16xf32>
    %add3A_1166 = arith.constant 1.000000e+00 : f32
    %add3A_1167 = vector.broadcast %add3A_1166 : f32 to vector<16xf32>
    %add3A_1168 = arith.addf %add3A_1167, %mul3A_1165 : vector<16xf32>
    %mul3A_1169 = arith.mulf %mul3A_1164, %add3A_1168 : vector<16xf32>
    %add3A_1170 = arith.addf %mul3A_1161, %mul3A_1169 : vector<16xf32>
    %neg3A = arith.constant 0.000000e+00 : f32
    %neg3A_1171 = vector.broadcast %neg3A : f32 to vector<16xf32>
    %neg3A_1172 = arith.subf %neg3A_1171, %add3A_1170 : vector<16xf32>
    %eq3A_1173 = arith.constant -100 : i32
    %eq3A_1174 = vector.broadcast %eq3A_1173 : i32 to vector<16xi32>
    %eq3A_1175 = arith.cmpi eq, %get3A_1093, %eq3A_1174 : vector<16xi32>
    %jit3A_1176 = arith.constant 0.000000e+00 : f32
    %broadcast_in_dim3A_1177 = vector.broadcast %jit3A_1176 : f32 to vector<16xf32>
    %select_n3A_1178 = arith.select %eq3A_1175, %broadcast_in_dim3A_1177, %neg3A_1172 : vector<16xi1>, vector<16xf32>
    %swap3A_1179 = arith.constant 0 : index
    %swap3A_1180 = tpu.vector_load %arg12[%swap3A_1179] {strides = array<i32>} : memref<256xf32, #tpu.memory_space<vmem>>, vector<16xf32>,
    %swap3A_1181 = vector.shape_cast %swap3A_1180 : vector<16xf32> to vector<16xf32>
    %swap3A_1182 = vector.shape_cast %select_n3A_1178 : vector<16xf32> to vector<16xf32>
    tpu.vector_store %arg12[%swap3A_1179], %swap3A_1182 {strides = array<i32>} : memref<256xf32, #tpu.memory_space<vmem>>, vector<16xf32>,
    %get3A_1183 = arith.constant 16 : index
    %get3A_1184 = tpu.vector_load %arg7[%get3A_1183] {strides = array<i32>} : memref<256xi32, #tpu.memory_space<vmem>>, vector<16xi32>,
    %get3A_1185 = vector.shape_cast %get3A_1184 : vector<16xi32> to vector<16xi32>
    %get3A_1186 = arith.constant 16 : index
    %get3A_1187 = tpu.vector_load %arg6[%get3A_1186] {strides = array<i32>} : memref<256xi32, #tpu.memory_space<vmem>>, vector<16xi32>,
    %get3A_1188 = vector.shape_cast %get3A_1187 : vector<16xi32> to vector<16xi32>
    %get3A_1189 = arith.constant 0 : i32
    %get3A_1190 = arith.index_cast %get3A_1189 : i32 to index
    %get3A_1191 = arith.constant 16 : index
    %get3A_1192 = tpu.vector_load %arg10[%get3A_1190, %get3A_1191] {strides = array<i32>} : memref<2x128xf32, #tpu.memory_space<vmem>>, vector<1x16xf32>,
    %get3A_1193 = vector.shape_cast %get3A_1192 : vector<1x16xf32> to vector<16xf32>
    %get3A_1194 = arith.constant 0 : i32
    %get3A_1195 = arith.index_cast %get3A_1194 : i32 to index
    %get3A_1196 = arith.constant 16 : index
    %get3A_1197 = tpu.vector_load %arg11[%get3A_1195, %get3A_1196] {strides = array<i32>} : memref<2x128xf32, #tpu.memory_space<vmem>>, vector<1x16xf32>,
    %get3A_1198 = vector.shape_cast %get3A_1197 : vector<1x16xf32> to vector<16xf32>
    %eq3A_1199 = arith.constant 0 : i32
    %eq3A_1200 = vector.broadcast %eq3A_1199 : i32 to vector<16xi32>
    %eq3A_1201 = arith.cmpi eq, %get3A_1188, %eq3A_1200 : vector<16xi32>
    %jit3A_1202 = arith.constant 0.000000e+00 : f32
    %broadcast_in_dim3A_1203 = vector.broadcast %jit3A_1202 : f32 to vector<16xf32>
    %select_n3A_1204 = arith.select %eq3A_1201, %broadcast_in_dim3A_1203, %get3A_1198 : vector<16xi1>, vector<16xf32>
    %add3A_1205 = arith.constant 9.99999968E-21 : f32
    %add3A_1206 = vector.broadcast %add3A_1205 : f32 to vector<16xf32>
    %add3A_1207 = arith.addf %select_n3A_1204, %add3A_1206 : vector<16xf32>
    %ne3A_1208 = arith.constant 0 : i32
    %ne3A_1209 = vector.broadcast %ne3A_1208 : i32 to vector<16xi32>
    %ne3A_1210 = arith.cmpi ne, %get3A_1185, %ne3A_1209 : vector<16xi32>
    %or3A_1211 = arith.ori %eq3A_1201, %ne3A_1210 : vector<16xi1>
    %add3A_1212 = arith.addf %add3A_1207, %get3A_1193 : vector<16xf32>
    %select_n3A_1213 = arith.select %or3A_1211, %add3A_1212, %add3A_1207 : vector<16xi1>, vector<16xf32>
    %bitcast_convert_type3A_1214 = tpu.bitcast %select_n3A_1213 : vector<16xf32> -> vector<16xi32>
    %shift_right_arithmetic3A_1215 = arith.constant 23 : i32
    %shift_right_arithmetic3A_1216 = vector.broadcast %shift_right_arithmetic3A_1215 : i32 to vector<16xi32>
    %shift_right_arithmetic3A_1217 = arith.shrsi %bitcast_convert_type3A_1214, %shift_right_arithmetic3A_1216 : vector<16xi32>
    %sub3A_1218 = arith.constant 127 : i32
    %sub3A_1219 = vector.broadcast %sub3A_1218 : i32 to vector<16xi32>
    %sub3A_1220 = arith.subi %shift_right_arithmetic3A_1217, %sub3A_1219 : vector<16xi32>
    %and3A_1221 = arith.constant 8388607 : i32
    %and3A_1222 = vector.broadcast %and3A_1221 : i32 to vector<16xi32>
    %and3A_1223 = arith.andi %bitcast_convert_type3A_1214, %and3A_1222 : vector<16xi32>
    %or3A_1224 = arith.constant 1065353216 : i32
    %or3A_1225 = vector.broadcast %or3A_1224 : i32 to vector<16xi32>
    %or3A_1226 = arith.ori %and3A_1223, %or3A_1225 : vector<16xi32>
    %bitcast_convert_type3A_1227 = tpu.bitcast %or3A_1226 : vector<16xi32> -> vector<16xf32>
    %convert_element_type3A_1228 = arith.sitofp %sub3A_1220 : vector<16xi32> to vector<16xf32>
    %ge3A_1229 = arith.constant 1.41421354 : f32
    %ge3A_1230 = vector.broadcast %ge3A_1229 : f32 to vector<16xf32>
    %ge3A_1231 = arith.cmpf oge, %bitcast_convert_type3A_1227, %ge3A_1230 : vector<16xf32>
    %mul3A_1232 = arith.constant 5.000000e-01 : f32
    %mul3A_1233 = vector.broadcast %mul3A_1232 : f32 to vector<16xf32>
    %mul3A_1234 = arith.mulf %bitcast_convert_type3A_1227, %mul3A_1233 : vector<16xf32>
    %select_n3A_1235 = arith.select %ge3A_1231, %mul3A_1234, %bitcast_convert_type3A_1227 : vector<16xi1>, vector<16xf32>
    %add3A_1236 = arith.constant 1.000000e+00 : f32
    %add3A_1237 = vector.broadcast %add3A_1236 : f32 to vector<16xf32>
    %add3A_1238 = arith.addf %convert_element_type3A_1228, %add3A_1237 : vector<16xf32>
    %select_n3A_1239 = arith.select %ge3A_1231, %add3A_1238, %convert_element_type3A_1228 : vector<16xi1>, vector<16xf32>
    %sub3A_1240 = arith.constant 1.000000e+00 : f32
    %sub3A_1241 = vector.broadcast %sub3A_1240 : f32 to vector<16xf32>
    %sub3A_1242 = arith.subf %select_n3A_1235, %sub3A_1241 : vector<16xf32>
    %add3A_1243 = arith.constant 2.000000e+00 : f32
    %add3A_1244 = vector.broadcast %add3A_1243 : f32 to vector<16xf32>
    %add3A_1245 = arith.addf %add3A_1244, %sub3A_1242 : vector<16xf32>
    %div3A_1246 = arith.divf %sub3A_1242, %add3A_1245 : vector<16xf32>
    %mul3A_1247 = arith.mulf %div3A_1246, %div3A_1246 : vector<16xf32>
    %mul3A_1248 = arith.constant 0.111111112 : f32
    %mul3A_1249 = vector.broadcast %mul3A_1248 : f32 to vector<16xf32>
    %mul3A_1250 = arith.mulf %mul3A_1247, %mul3A_1249 : vector<16xf32>
    %add3A_1251 = arith.constant 0.142857149 : f32
    %add3A_1252 = vector.broadcast %add3A_1251 : f32 to vector<16xf32>
    %add3A_1253 = arith.addf %add3A_1252, %mul3A_1250 : vector<16xf32>
    %mul3A_1254 = arith.mulf %mul3A_1247, %add3A_1253 : vector<16xf32>
    %add3A_1255 = arith.constant 2.000000e-01 : f32
    %add3A_1256 = vector.broadcast %add3A_1255 : f32 to vector<16xf32>
    %add3A_1257 = arith.addf %add3A_1256, %mul3A_1254 : vector<16xf32>
    %mul3A_1258 = arith.mulf %mul3A_1247, %add3A_1257 : vector<16xf32>
    %add3A_1259 = arith.constant 0.333333343 : f32
    %add3A_1260 = vector.broadcast %add3A_1259 : f32 to vector<16xf32>
    %add3A_1261 = arith.addf %add3A_1260, %mul3A_1258 : vector<16xf32>
    %mul3A_1262 = arith.constant 0.693147182 : f32
    %mul3A_1263 = vector.broadcast %mul3A_1262 : f32 to vector<16xf32>
    %mul3A_1264 = arith.mulf %select_n3A_1239, %mul3A_1263 : vector<16xf32>
    %mul3A_1265 = arith.constant 2.000000e+00 : f32
    %mul3A_1266 = vector.broadcast %mul3A_1265 : f32 to vector<16xf32>
    %mul3A_1267 = arith.mulf %mul3A_1266, %div3A_1246 : vector<16xf32>
    %mul3A_1268 = arith.mulf %mul3A_1247, %add3A_1261 : vector<16xf32>
    %add3A_1269 = arith.constant 1.000000e+00 : f32
    %add3A_1270 = vector.broadcast %add3A_1269 : f32 to vector<16xf32>
    %add3A_1271 = arith.addf %add3A_1270, %mul3A_1268 : vector<16xf32>
    %mul3A_1272 = arith.mulf %mul3A_1267, %add3A_1271 : vector<16xf32>
    %add3A_1273 = arith.addf %mul3A_1264, %mul3A_1272 : vector<16xf32>
    %neg3A_1274 = arith.constant 0.000000e+00 : f32
    %neg3A_1275 = vector.broadcast %neg3A_1274 : f32 to vector<16xf32>
    %neg3A_1276 = arith.subf %neg3A_1275, %add3A_1273 : vector<16xf32>
    %eq3A_1277 = arith.constant -100 : i32
    %eq3A_1278 = vector.broadcast %eq3A_1277 : i32 to vector<16xi32>
    %eq3A_1279 = arith.cmpi eq, %get3A_1185, %eq3A_1278 : vector<16xi32>
    %jit3A_1280 = arith.constant 0.000000e+00 : f32
    %broadcast_in_dim3A_1281 = vector.broadcast %jit3A_1280 : f32 to vector<16xf32>
    %select_n3A_1282 = arith.select %eq3A_1279, %broadcast_in_dim3A_1281, %neg3A_1276 : vector<16xi1>, vector<16xf32>
    %swap3A_1283 = arith.constant 16 : index
    %swap3A_1284 = tpu.vector_load %arg12[%swap3A_1283] {strides = array<i32>} : memref<256xf32, #tpu.memory_space<vmem>>, vector<16xf32>,
    %swap3A_1285 = vector.shape_cast %swap3A_1284 : vector<16xf32> to vector<16xf32>
    %swap3A_1286 = vector.shape_cast %select_n3A_1282 : vector<16xf32> to vector<16xf32>
    tpu.vector_store %arg12[%swap3A_1283], %swap3A_1286 {strides = array<i32>} : memref<256xf32, #tpu.memory_space<vmem>>, vector<16xf32>,
    %get3A_1287 = arith.constant 32 : index
    %get3A_1288 = tpu.vector_load %arg7[%get3A_1287] {strides = array<i32>} : memref<256xi32, #tpu.memory_space<vmem>>, vector<16xi32>,
    %get3A_1289 = vector.shape_cast %get3A_1288 : vector<16xi32> to vector<16xi32>
    %get3A_1290 = arith.constant 32 : index
    %get3A_1291 = tpu.vector_load %arg6[%get3A_1290] {strides = array<i32>} : memref<256xi32, #tpu.memory_space<vmem>>, vector<16xi32>,
    %get3A_1292 = vector.shape_cast %get3A_1291 : vector<16xi32> to vector<16xi32>
    %get3A_1293 = arith.constant 0 : i32
    %get3A_1294 = arith.index_cast %get3A_1293 : i32 to index
    %get3A_1295 = arith.constant 32 : index
    %get3A_1296 = tpu.vector_load %arg10[%get3A_1294, %get3A_1295] {strides = array<i32>} : memref<2x128xf32, #tpu.memory_space<vmem>>, vector<1x16xf32>,
    %get3A_1297 = vector.shape_cast %get3A_1296 : vector<1x16xf32> to vector<16xf32>
    %get3A_1298 = arith.constant 0 : i32
    %get3A_1299 = arith.index_cast %get3A_1298 : i32 to index
    %get3A_1300 = arith.constant 32 : index
    %get3A_1301 = tpu.vector_load %arg11[%get3A_1299, %get3A_1300] {strides = array<i32>} : memref<2x128xf32, #tpu.memory_space<vmem>>, vector<1x16xf32>,
    %get3A_1302 = vector.shape_cast %get3A_1301 : vector<1x16xf32> to vector<16xf32>
    %eq3A_1303 = arith.constant 0 : i32
    %eq3A_1304 = vector.broadcast %eq3A_1303 : i32 to vector<16xi32>
    %eq3A_1305 = arith.cmpi eq, %get3A_1292, %eq3A_1304 : vector<16xi32>
    %jit3A_1306 = arith.constant 0.000000e+00 : f32
    %broadcast_in_dim3A_1307 = vector.broadcast %jit3A_1306 : f32 to vector<16xf32>
    %select_n3A_1308 = arith.select %eq3A_1305, %broadcast_in_dim3A_1307, %get3A_1302 : vector<16xi1>, vector<16xf32>
    %add3A_1309 = arith.constant 9.99999968E-21 : f32
    %add3A_1310 = vector.broadcast %add3A_1309 : f32 to vector<16xf32>
    %add3A_1311 = arith.addf %select_n3A_1308, %add3A_1310 : vector<16xf32>
    %ne3A_1312 = arith.constant 0 : i32
    %ne3A_1313 = vector.broadcast %ne3A_1312 : i32 to vector<16xi32>
    %ne3A_1314 = arith.cmpi ne, %get3A_1289, %ne3A_1313 : vector<16xi32>
    %or3A_1315 = arith.ori %eq3A_1305, %ne3A_1314 : vector<16xi1>
    %add3A_1316 = arith.addf %add3A_1311, %get3A_1297 : vector<16xf32>
    %select_n3A_1317 = arith.select %or3A_1315, %add3A_1316, %add3A_1311 : vector<16xi1>, vector<16xf32>
    %bitcast_convert_type3A_1318 = tpu.bitcast %select_n3A_1317 : vector<16xf32> -> vector<16xi32>
    %shift_right_arithmetic3A_1319 = arith.constant 23 : i32
    %shift_right_arithmetic3A_1320 = vector.broadcast %shift_right_arithmetic3A_1319 : i32 to vector<16xi32>
    %shift_right_arithmetic3A_1321 = arith.shrsi %bitcast_convert_type3A_1318, %shift_right_arithmetic3A_1320 : vector<16xi32>
    %sub3A_1322 = arith.constant 127 : i32
    %sub3A_1323 = vector.broadcast %sub3A_1322 : i32 to vector<16xi32>
    %sub3A_1324 = arith.subi %shift_right_arithmetic3A_1321, %sub3A_1323 : vector<16xi32>
    %and3A_1325 = arith.constant 8388607 : i32
    %and3A_1326 = vector.broadcast %and3A_1325 : i32 to vector<16xi32>
    %and3A_1327 = arith.andi %bitcast_convert_type3A_1318, %and3A_1326 : vector<16xi32>
    %or3A_1328 = arith.constant 1065353216 : i32
    %or3A_1329 = vector.broadcast %or3A_1328 : i32 to vector<16xi32>
    %or3A_1330 = arith.ori %and3A_1327, %or3A_1329 : vector<16xi32>
    %bitcast_convert_type3A_1331 = tpu.bitcast %or3A_1330 : vector<16xi32> -> vector<16xf32>
    %convert_element_type3A_1332 = arith.sitofp %sub3A_1324 : vector<16xi32> to vector<16xf32>
    %ge3A_1333 = arith.constant 1.41421354 : f32
    %ge3A_1334 = vector.broadcast %ge3A_1333 : f32 to vector<16xf32>
    %ge3A_1335 = arith.cmpf oge, %bitcast_convert_type3A_1331, %ge3A_1334 : vector<16xf32>
    %mul3A_1336 = arith.constant 5.000000e-01 : f32
    %mul3A_1337 = vector.broadcast %mul3A_1336 : f32 to vector<16xf32>
    %mul3A_1338 = arith.mulf %bitcast_convert_type3A_1331, %mul3A_1337 : vector<16xf32>
    %select_n3A_1339 = arith.select %ge3A_1335, %mul3A_1338, %bitcast_convert_type3A_1331 : vector<16xi1>, vector<16xf32>
    %add3A_1340 = arith.constant 1.000000e+00 : f32
    %add3A_1341 = vector.broadcast %add3A_1340 : f32 to vector<16xf32>
    %add3A_1342 = arith.addf %convert_element_type3A_1332, %add3A_1341 : vector<16xf32>
    %select_n3A_1343 = arith.select %ge3A_1335, %add3A_1342, %convert_element_type3A_1332 : vector<16xi1>, vector<16xf32>
    %sub3A_1344 = arith.constant 1.000000e+00 : f32
    %sub3A_1345 = vector.broadcast %sub3A_1344 : f32 to vector<16xf32>
    %sub3A_1346 = arith.subf %select_n3A_1339, %sub3A_1345 : vector<16xf32>
    %add3A_1347 = arith.constant 2.000000e+00 : f32
    %add3A_1348 = vector.broadcast %add3A_1347 : f32 to vector<16xf32>
    %add3A_1349 = arith.addf %add3A_1348, %sub3A_1346 : vector<16xf32>
    %div3A_1350 = arith.divf %sub3A_1346, %add3A_1349 : vector<16xf32>
    %mul3A_1351 = arith.mulf %div3A_1350, %div3A_1350 : vector<16xf32>
    %mul3A_1352 = arith.constant 0.111111112 : f32
    %mul3A_1353 = vector.broadcast %mul3A_1352 : f32 to vector<16xf32>
    %mul3A_1354 = arith.mulf %mul3A_1351, %mul3A_1353 : vector<16xf32>
    %add3A_1355 = arith.constant 0.142857149 : f32
    %add3A_1356 = vector.broadcast %add3A_1355 : f32 to vector<16xf32>
    %add3A_1357 = arith.addf %add3A_1356, %mul3A_1354 : vector<16xf32>
    %mul3A_1358 = arith.mulf %mul3A_1351, %add3A_1357 : vector<16xf32>
    %add3A_1359 = arith.constant 2.000000e-01 : f32
    %add3A_1360 = vector.broadcast %add3A_1359 : f32 to vector<16xf32>
    %add3A_1361 = arith.addf %add3A_1360, %mul3A_1358 : vector<16xf32>
    %mul3A_1362 = arith.mulf %mul3A_1351, %add3A_1361 : vector<16xf32>
    %add3A_1363 = arith.constant 0.333333343 : f32
    %add3A_1364 = vector.broadcast %add3A_1363 : f32 to vector<16xf32>
    %add3A_1365 = arith.addf %add3A_1364, %mul3A_1362 : vector<16xf32>
    %mul3A_1366 = arith.constant 0.693147182 : f32
    %mul3A_1367 = vector.broadcast %mul3A_1366 : f32 to vector<16xf32>
    %mul3A_1368 = arith.mulf %select_n3A_1343, %mul3A_1367 : vector<16xf32>
    %mul3A_1369 = arith.constant 2.000000e+00 : f32
    %mul3A_1370 = vector.broadcast %mul3A_1369 : f32 to vector<16xf32>
    %mul3A_1371 = arith.mulf %mul3A_1370, %div3A_1350 : vector<16xf32>
    %mul3A_1372 = arith.mulf %mul3A_1351, %add3A_1365 : vector<16xf32>
    %add3A_1373 = arith.constant 1.000000e+00 : f32
    %add3A_1374 = vector.broadcast %add3A_1373 : f32 to vector<16xf32>
    %add3A_1375 = arith.addf %add3A_1374, %mul3A_1372 : vector<16xf32>
    %mul3A_1376 = arith.mulf %mul3A_1371, %add3A_1375 : vector<16xf32>
    %add3A_1377 = arith.addf %mul3A_1368, %mul3A_1376 : vector<16xf32>
    %neg3A_1378 = arith.constant 0.000000e+00 : f32
    %neg3A_1379 = vector.broadcast %neg3A_1378 : f32 to vector<16xf32>
    %neg3A_1380 = arith.subf %neg3A_1379, %add3A_1377 : vector<16xf32>
    %eq3A_1381 = arith.constant -100 : i32
    %eq3A_1382 = vector.broadcast %eq3A_1381 : i32 to vector<16xi32>
    %eq3A_1383 = arith.cmpi eq, %get3A_1289, %eq3A_1382 : vector<16xi32>
    %jit3A_1384 = arith.constant 0.000000e+00 : f32
    %broadcast_in_dim3A_1385 = vector.broadcast %jit3A_1384 : f32 to vector<16xf32>
    %select_n3A_1386 = arith.select %eq3A_1383, %broadcast_in_dim3A_1385, %neg3A_1380 : vector<16xi1>, vector<16xf32>
    %swap3A_1387 = arith.constant 32 : index
    %swap3A_1388 = tpu.vector_load %arg12[%swap3A_1387] {strides = array<i32>} : memref<256xf32, #tpu.memory_space<vmem>>, vector<16xf32>,
    %swap3A_1389 = vector.shape_cast %swap3A_1388 : vector<16xf32> to vector<16xf32>
    %swap3A_1390 = vector.shape_cast %select_n3A_1386 : vector<16xf32> to vector<16xf32>
    tpu.vector_store %arg12[%swap3A_1387], %swap3A_1390 {strides = array<i32>} : memref<256xf32, #tpu.memory_space<vmem>>, vector<16xf32>,
    %get3A_1391 = arith.constant 48 : index
    %get3A_1392 = tpu.vector_load %arg7[%get3A_1391] {strides = array<i32>} : memref<256xi32, #tpu.memory_space<vmem>>, vector<16xi32>,
    %get3A_1393 = vector.shape_cast %get3A_1392 : vector<16xi32> to vector<16xi32>
    %get3A_1394 = arith.constant 48 : index
    %get3A_1395 = tpu.vector_load %arg6[%get3A_1394] {strides = array<i32>} : memref<256xi32, #tpu.memory_space<vmem>>, vector<16xi32>,
    %get3A_1396 = vector.shape_cast %get3A_1395 : vector<16xi32> to vector<16xi32>
    %get3A_1397 = arith.constant 0 : i32
    %get3A_1398 = arith.index_cast %get3A_1397 : i32 to index
    %get3A_1399 = arith.constant 48 : index
    %get3A_1400 = tpu.vector_load %arg10[%get3A_1398, %get3A_1399] {strides = array<i32>} : memref<2x128xf32, #tpu.memory_space<vmem>>, vector<1x16xf32>,
    %get3A_1401 = vector.shape_cast %get3A_1400 : vector<1x16xf32> to vector<16xf32>
    %get3A_1402 = arith.constant 0 : i32
    %get3A_1403 = arith.index_cast %get3A_1402 : i32 to index
    %get3A_1404 = arith.constant 48 : index
    %get3A_1405 = tpu.vector_load %arg11[%get3A_1403, %get3A_1404] {strides = array<i32>} : memref<2x128xf32, #tpu.memory_space<vmem>>, vector<1x16xf32>,
    %get3A_1406 = vector.shape_cast %get3A_1405 : vector<1x16xf32> to vector<16xf32>
    %eq3A_1407 = arith.constant 0 : i32
    %eq3A_1408 = vector.broadcast %eq3A_1407 : i32 to vector<16xi32>
    %eq3A_1409 = arith.cmpi eq, %get3A_1396, %eq3A_1408 : vector<16xi32>
    %jit3A_1410 = arith.constant 0.000000e+00 : f32
    %broadcast_in_dim3A_1411 = vector.broadcast %jit3A_1410 : f32 to vector<16xf32>
    %select_n3A_1412 = arith.select %eq3A_1409, %broadcast_in_dim3A_1411, %get3A_1406 : vector<16xi1>, vector<16xf32>
    %add3A_1413 = arith.constant 9.99999968E-21 : f32
    %add3A_1414 = vector.broadcast %add3A_1413 : f32 to vector<16xf32>
    %add3A_1415 = arith.addf %select_n3A_1412, %add3A_1414 : vector<16xf32>
    %ne3A_1416 = arith.constant 0 : i32
    %ne3A_1417 = vector.broadcast %ne3A_1416 : i32 to vector<16xi32>
    %ne3A_1418 = arith.cmpi ne, %get3A_1393, %ne3A_1417 : vector<16xi32>
    %or3A_1419 = arith.ori %eq3A_1409, %ne3A_1418 : vector<16xi1>
    %add3A_1420 = arith.addf %add3A_1415, %get3A_1401 : vector<16xf32>
    %select_n3A_1421 = arith.select %or3A_1419, %add3A_1420, %add3A_1415 : vector<16xi1>, vector<16xf32>
    %bitcast_convert_type3A_1422 = tpu.bitcast %select_n3A_1421 : vector<16xf32> -> vector<16xi32>
    %shift_right_arithmetic3A_1423 = arith.constant 23 : i32
    %shift_right_arithmetic3A_1424 = vector.broadcast %shift_right_arithmetic3A_1423 : i32 to vector<16xi32>
    %shift_right_arithmetic3A_1425 = arith.shrsi %bitcast_convert_type3A_1422, %shift_right_arithmetic3A_1424 : vector<16xi32>
    %sub3A_1426 = arith.constant 127 : i32
    %sub3A_1427 = vector.broadcast %sub3A_1426 : i32 to vector<16xi32>
    %sub3A_1428 = arith.subi %shift_right_arithmetic3A_1425, %sub3A_1427 : vector<16xi32>
    %and3A_1429 = arith.constant 8388607 : i32
    %and3A_1430 = vector.broadcast %and3A_1429 : i32 to vector<16xi32>
    %and3A_1431 = arith.andi %bitcast_convert_type3A_1422, %and3A_1430 : vector<16xi32>
    %or3A_1432 = arith.constant 1065353216 : i32
    %or3A_1433 = vector.broadcast %or3A_1432 : i32 to vector<16xi32>
    %or3A_1434 = arith.ori %and3A_1431, %or3A_1433 : vector<16xi32>
    %bitcast_convert_type3A_1435 = tpu.bitcast %or3A_1434 : vector<16xi32> -> vector<16xf32>
    %convert_element_type3A_1436 = arith.sitofp %sub3A_1428 : vector<16xi32> to vector<16xf32>
    %ge3A_1437 = arith.constant 1.41421354 : f32
    %ge3A_1438 = vector.broadcast %ge3A_1437 : f32 to vector<16xf32>
    %ge3A_1439 = arith.cmpf oge, %bitcast_convert_type3A_1435, %ge3A_1438 : vector<16xf32>
    %mul3A_1440 = arith.constant 5.000000e-01 : f32
    %mul3A_1441 = vector.broadcast %mul3A_1440 : f32 to vector<16xf32>
    %mul3A_1442 = arith.mulf %bitcast_convert_type3A_1435, %mul3A_1441 : vector<16xf32>
    %select_n3A_1443 = arith.select %ge3A_1439, %mul3A_1442, %bitcast_convert_type3A_1435 : vector<16xi1>, vector<16xf32>
    %add3A_1444 = arith.constant 1.000000e+00 : f32
    %add3A_1445 = vector.broadcast %add3A_1444 : f32 to vector<16xf32>
    %add3A_1446 = arith.addf %convert_element_type3A_1436, %add3A_1445 : vector<16xf32>
    %select_n3A_1447 = arith.select %ge3A_1439, %add3A_1446, %convert_element_type3A_1436 : vector<16xi1>, vector<16xf32>
    %sub3A_1448 = arith.constant 1.000000e+00 : f32
    %sub3A_1449 = vector.broadcast %sub3A_1448 : f32 to vector<16xf32>
    %sub3A_1450 = arith.subf %select_n3A_1443, %sub3A_1449 : vector<16xf32>
    %add3A_1451 = arith.constant 2.000000e+00 : f32
    %add3A_1452 = vector.broadcast %add3A_1451 : f32 to vector<16xf32>
    %add3A_1453 = arith.addf %add3A_1452, %sub3A_1450 : vector<16xf32>
    %div3A_1454 = arith.divf %sub3A_1450, %add3A_1453 : vector<16xf32>
    %mul3A_1455 = arith.mulf %div3A_1454, %div3A_1454 : vector<16xf32>
    %mul3A_1456 = arith.constant 0.111111112 : f32
    %mul3A_1457 = vector.broadcast %mul3A_1456 : f32 to vector<16xf32>
    %mul3A_1458 = arith.mulf %mul3A_1455, %mul3A_1457 : vector<16xf32>
    %add3A_1459 = arith.constant 0.142857149 : f32
    %add3A_1460 = vector.broadcast %add3A_1459 : f32 to vector<16xf32>
    %add3A_1461 = arith.addf %add3A_1460, %mul3A_1458 : vector<16xf32>
    %mul3A_1462 = arith.mulf %mul3A_1455, %add3A_1461 : vector<16xf32>
    %add3A_1463 = arith.constant 2.000000e-01 : f32
    %add3A_1464 = vector.broadcast %add3A_1463 : f32 to vector<16xf32>
    %add3A_1465 = arith.addf %add3A_1464, %mul3A_1462 : vector<16xf32>
    %mul3A_1466 = arith.mulf %mul3A_1455, %add3A_1465 : vector<16xf32>
    %add3A_1467 = arith.constant 0.333333343 : f32
    %add3A_1468 = vector.broadcast %add3A_1467 : f32 to vector<16xf32>
    %add3A_1469 = arith.addf %add3A_1468, %mul3A_1466 : vector<16xf32>
    %mul3A_1470 = arith.constant 0.693147182 : f32
    %mul3A_1471 = vector.broadcast %mul3A_1470 : f32 to vector<16xf32>
    %mul3A_1472 = arith.mulf %select_n3A_1447, %mul3A_1471 : vector<16xf32>
    %mul3A_1473 = arith.constant 2.000000e+00 : f32
    %mul3A_1474 = vector.broadcast %mul3A_1473 : f32 to vector<16xf32>
    %mul3A_1475 = arith.mulf %mul3A_1474, %div3A_1454 : vector<16xf32>
    %mul3A_1476 = arith.mulf %mul3A_1455, %add3A_1469 : vector<16xf32>
    %add3A_1477 = arith.constant 1.000000e+00 : f32
    %add3A_1478 = vector.broadcast %add3A_1477 : f32 to vector<16xf32>
    %add3A_1479 = arith.addf %add3A_1478, %mul3A_1476 : vector<16xf32>
    %mul3A_1480 = arith.mulf %mul3A_1475, %add3A_1479 : vector<16xf32>
    %add3A_1481 = arith.addf %mul3A_1472, %mul3A_1480 : vector<16xf32>
    %neg3A_1482 = arith.constant 0.000000e+00 : f32
    %neg3A_1483 = vector.broadcast %neg3A_1482 : f32 to vector<16xf32>
    %neg3A_1484 = arith.subf %neg3A_1483, %add3A_1481 : vector<16xf32>
    %eq3A_1485 = arith.constant -100 : i32
    %eq3A_1486 = vector.broadcast %eq3A_1485 : i32 to vector<16xi32>
    %eq3A_1487 = arith.cmpi eq, %get3A_1393, %eq3A_1486 : vector<16xi32>
    %jit3A_1488 = arith.constant 0.000000e+00 : f32
    %broadcast_in_dim3A_1489 = vector.broadcast %jit3A_1488 : f32 to vector<16xf32>
    %select_n3A_1490 = arith.select %eq3A_1487, %broadcast_in_dim3A_1489, %neg3A_1484 : vector<16xi1>, vector<16xf32>
    %swap3A_1491 = arith.constant 48 : index
    %swap3A_1492 = tpu.vector_load %arg12[%swap3A_1491] {strides = array<i32>} : memref<256xf32, #tpu.memory_space<vmem>>, vector<16xf32>,
    %swap3A_1493 = vector.shape_cast %swap3A_1492 : vector<16xf32> to vector<16xf32>
    %swap3A_1494 = vector.shape_cast %select_n3A_1490 : vector<16xf32> to vector<16xf32>
    tpu.vector_store %arg12[%swap3A_1491], %swap3A_1494 {strides = array<i32>} : memref<256xf32, #tpu.memory_space<vmem>>, vector<16xf32>,
    %get3A_1495 = arith.constant 64 : index
    %get3A_1496 = tpu.vector_load %arg7[%get3A_1495] {strides = array<i32>} : memref<256xi32, #tpu.memory_space<vmem>>, vector<16xi32>,
    %get3A_1497 = vector.shape_cast %get3A_1496 : vector<16xi32> to vector<16xi32>
    %get3A_1498 = arith.constant 64 : index
    %get3A_1499 = tpu.vector_load %arg6[%get3A_1498] {strides = array<i32>} : memref<256xi32, #tpu.memory_space<vmem>>, vector<16xi32>,
    %get3A_1500 = vector.shape_cast %get3A_1499 : vector<16xi32> to vector<16xi32>
    %get3A_1501 = arith.constant 0 : i32
    %get3A_1502 = arith.index_cast %get3A_1501 : i32 to index
    %get3A_1503 = arith.constant 64 : index
    %get3A_1504 = tpu.vector_load %arg10[%get3A_1502, %get3A_1503] {strides = array<i32>} : memref<2x128xf32, #tpu.memory_space<vmem>>, vector<1x16xf32>,
    %get3A_1505 = vector.shape_cast %get3A_1504 : vector<1x16xf32> to vector<16xf32>
    %get3A_1506 = arith.constant 0 : i32
    %get3A_1507 = arith.index_cast %get3A_1506 : i32 to index
    %get3A_1508 = arith.constant 64 : index
    %get3A_1509 = tpu.vector_load %arg11[%get3A_1507, %get3A_1508] {strides = array<i32>} : memref<2x128xf32, #tpu.memory_space<vmem>>, vector<1x16xf32>,
    %get3A_1510 = vector.shape_cast %get3A_1509 : vector<1x16xf32> to vector<16xf32>
    %eq3A_1511 = arith.constant 0 : i32
    %eq3A_1512 = vector.broadcast %eq3A_1511 : i32 to vector<16xi32>
    %eq3A_1513 = arith.cmpi eq, %get3A_1500, %eq3A_1512 : vector<16xi32>
    %jit3A_1514 = arith.constant 0.000000e+00 : f32
    %broadcast_in_dim3A_1515 = vector.broadcast %jit3A_1514 : f32 to vector<16xf32>
    %select_n3A_1516 = arith.select %eq3A_1513, %broadcast_in_dim3A_1515, %get3A_1510 : vector<16xi1>, vector<16xf32>
    %add3A_1517 = arith.constant 9.99999968E-21 : f32
    %add3A_1518 = vector.broadcast %add3A_1517 : f32 to vector<16xf32>
    %add3A_1519 = arith.addf %select_n3A_1516, %add3A_1518 : vector<16xf32>
    %ne3A_1520 = arith.constant 0 : i32
    %ne3A_1521 = vector.broadcast %ne3A_1520 : i32 to vector<16xi32>
    %ne3A_1522 = arith.cmpi ne, %get3A_1497, %ne3A_1521 : vector<16xi32>
    %or3A_1523 = arith.ori %eq3A_1513, %ne3A_1522 : vector<16xi1>
    %add3A_1524 = arith.addf %add3A_1519, %get3A_1505 : vector<16xf32>
    %select_n3A_1525 = arith.select %or3A_1523, %add3A_1524, %add3A_1519 : vector<16xi1>, vector<16xf32>
    %bitcast_convert_type3A_1526 = tpu.bitcast %select_n3A_1525 : vector<16xf32> -> vector<16xi32>
    %shift_right_arithmetic3A_1527 = arith.constant 23 : i32
    %shift_right_arithmetic3A_1528 = vector.broadcast %shift_right_arithmetic3A_1527 : i32 to vector<16xi32>
    %shift_right_arithmetic3A_1529 = arith.shrsi %bitcast_convert_type3A_1526, %shift_right_arithmetic3A_1528 : vector<16xi32>
    %sub3A_1530 = arith.constant 127 : i32
    %sub3A_1531 = vector.broadcast %sub3A_1530 : i32 to vector<16xi32>
    %sub3A_1532 = arith.subi %shift_right_arithmetic3A_1529, %sub3A_1531 : vector<16xi32>
    %and3A_1533 = arith.constant 8388607 : i32
    %and3A_1534 = vector.broadcast %and3A_1533 : i32 to vector<16xi32>
    %and3A_1535 = arith.andi %bitcast_convert_type3A_1526, %and3A_1534 : vector<16xi32>
    %or3A_1536 = arith.constant 1065353216 : i32
    %or3A_1537 = vector.broadcast %or3A_1536 : i32 to vector<16xi32>
    %or3A_1538 = arith.ori %and3A_1535, %or3A_1537 : vector<16xi32>
    %bitcast_convert_type3A_1539 = tpu.bitcast %or3A_1538 : vector<16xi32> -> vector<16xf32>
    %convert_element_type3A_1540 = arith.sitofp %sub3A_1532 : vector<16xi32> to vector<16xf32>
    %ge3A_1541 = arith.constant 1.41421354 : f32
    %ge3A_1542 = vector.broadcast %ge3A_1541 : f32 to vector<16xf32>
    %ge3A_1543 = arith.cmpf oge, %bitcast_convert_type3A_1539, %ge3A_1542 : vector<16xf32>
    %mul3A_1544 = arith.constant 5.000000e-01 : f32
    %mul3A_1545 = vector.broadcast %mul3A_1544 : f32 to vector<16xf32>
    %mul3A_1546 = arith.mulf %bitcast_convert_type3A_1539, %mul3A_1545 : vector<16xf32>
    %select_n3A_1547 = arith.select %ge3A_1543, %mul3A_1546, %bitcast_convert_type3A_1539 : vector<16xi1>, vector<16xf32>
    %add3A_1548 = arith.constant 1.000000e+00 : f32
    %add3A_1549 = vector.broadcast %add3A_1548 : f32 to vector<16xf32>
    %add3A_1550 = arith.addf %convert_element_type3A_1540, %add3A_1549 : vector<16xf32>
    %select_n3A_1551 = arith.select %ge3A_1543, %add3A_1550, %convert_element_type3A_1540 : vector<16xi1>, vector<16xf32>
    %sub3A_1552 = arith.constant 1.000000e+00 : f32
    %sub3A_1553 = vector.broadcast %sub3A_1552 : f32 to vector<16xf32>
    %sub3A_1554 = arith.subf %select_n3A_1547, %sub3A_1553 : vector<16xf32>
    %add3A_1555 = arith.constant 2.000000e+00 : f32
    %add3A_1556 = vector.broadcast %add3A_1555 : f32 to vector<16xf32>
    %add3A_1557 = arith.addf %add3A_1556, %sub3A_1554 : vector<16xf32>
    %div3A_1558 = arith.divf %sub3A_1554, %add3A_1557 : vector<16xf32>
    %mul3A_1559 = arith.mulf %div3A_1558, %div3A_1558 : vector<16xf32>
    %mul3A_1560 = arith.constant 0.111111112 : f32
    %mul3A_1561 = vector.broadcast %mul3A_1560 : f32 to vector<16xf32>
    %mul3A_1562 = arith.mulf %mul3A_1559, %mul3A_1561 : vector<16xf32>
    %add3A_1563 = arith.constant 0.142857149 : f32
    %add3A_1564 = vector.broadcast %add3A_1563 : f32 to vector<16xf32>
    %add3A_1565 = arith.addf %add3A_1564, %mul3A_1562 : vector<16xf32>
    %mul3A_1566 = arith.mulf %mul3A_1559, %add3A_1565 : vector<16xf32>
    %add3A_1567 = arith.constant 2.000000e-01 : f32
    %add3A_1568 = vector.broadcast %add3A_1567 : f32 to vector<16xf32>
    %add3A_1569 = arith.addf %add3A_1568, %mul3A_1566 : vector<16xf32>
    %mul3A_1570 = arith.mulf %mul3A_1559, %add3A_1569 : vector<16xf32>
    %add3A_1571 = arith.constant 0.333333343 : f32
    %add3A_1572 = vector.broadcast %add3A_1571 : f32 to vector<16xf32>
    %add3A_1573 = arith.addf %add3A_1572, %mul3A_1570 : vector<16xf32>
    %mul3A_1574 = arith.constant 0.693147182 : f32
    %mul3A_1575 = vector.broadcast %mul3A_1574 : f32 to vector<16xf32>
    %mul3A_1576 = arith.mulf %select_n3A_1551, %mul3A_1575 : vector<16xf32>
    %mul3A_1577 = arith.constant 2.000000e+00 : f32
    %mul3A_1578 = vector.broadcast %mul3A_1577 : f32 to vector<16xf32>
    %mul3A_1579 = arith.mulf %mul3A_1578, %div3A_1558 : vector<16xf32>
    %mul3A_1580 = arith.mulf %mul3A_1559, %add3A_1573 : vector<16xf32>
    %add3A_1581 = arith.constant 1.000000e+00 : f32
    %add3A_1582 = vector.broadcast %add3A_1581 : f32 to vector<16xf32>
    %add3A_1583 = arith.addf %add3A_1582, %mul3A_1580 : vector<16xf32>
    %mul3A_1584 = arith.mulf %mul3A_1579, %add3A_1583 : vector<16xf32>
    %add3A_1585 = arith.addf %mul3A_1576, %mul3A_1584 : vector<16xf32>
    %neg3A_1586 = arith.constant 0.000000e+00 : f32
    %neg3A_1587 = vector.broadcast %neg3A_1586 : f32 to vector<16xf32>
    %neg3A_1588 = arith.subf %neg3A_1587, %add3A_1585 : vector<16xf32>
    %eq3A_1589 = arith.constant -100 : i32
    %eq3A_1590 = vector.broadcast %eq3A_1589 : i32 to vector<16xi32>
    %eq3A_1591 = arith.cmpi eq, %get3A_1497, %eq3A_1590 : vector<16xi32>
    %jit3A_1592 = arith.constant 0.000000e+00 : f32
    %broadcast_in_dim3A_1593 = vector.broadcast %jit3A_1592 : f32 to vector<16xf32>
    %select_n3A_1594 = arith.select %eq3A_1591, %broadcast_in_dim3A_1593, %neg3A_1588 : vector<16xi1>, vector<16xf32>
    %swap3A_1595 = arith.constant 64 : index
    %swap3A_1596 = tpu.vector_load %arg12[%swap3A_1595] {strides = array<i32>} : memref<256xf32, #tpu.memory_space<vmem>>, vector<16xf32>,
    %swap3A_1597 = vector.shape_cast %swap3A_1596 : vector<16xf32> to vector<16xf32>
    %swap3A_1598 = vector.shape_cast %select_n3A_1594 : vector<16xf32> to vector<16xf32>
    tpu.vector_store %arg12[%swap3A_1595], %swap3A_1598 {strides = array<i32>} : memref<256xf32, #tpu.memory_space<vmem>>, vector<16xf32>,
    %get3A_1599 = arith.constant 80 : index
    %get3A_1600 = tpu.vector_load %arg7[%get3A_1599] {strides = array<i32>} : memref<256xi32, #tpu.memory_space<vmem>>, vector<16xi32>,
    %get3A_1601 = vector.shape_cast %get3A_1600 : vector<16xi32> to vector<16xi32>
    %get3A_1602 = arith.constant 80 : index
    %get3A_1603 = tpu.vector_load %arg6[%get3A_1602] {strides = array<i32>} : memref<256xi32, #tpu.memory_space<vmem>>, vector<16xi32>,
    %get3A_1604 = vector.shape_cast %get3A_1603 : vector<16xi32> to vector<16xi32>
    %get3A_1605 = arith.constant 0 : i32
    %get3A_1606 = arith.index_cast %get3A_1605 : i32 to index
    %get3A_1607 = arith.constant 80 : index
    %get3A_1608 = tpu.vector_load %arg10[%get3A_1606, %get3A_1607] {strides = array<i32>} : memref<2x128xf32, #tpu.memory_space<vmem>>, vector<1x16xf32>,
    %get3A_1609 = vector.shape_cast %get3A_1608 : vector<1x16xf32> to vector<16xf32>
    %get3A_1610 = arith.constant 0 : i32
    %get3A_1611 = arith.index_cast %get3A_1610 : i32 to index
    %get3A_1612 = arith.constant 80 : index
    %get3A_1613 = tpu.vector_load %arg11[%get3A_1611, %get3A_1612] {strides = array<i32>} : memref<2x128xf32, #tpu.memory_space<vmem>>, vector<1x16xf32>,
    %get3A_1614 = vector.shape_cast %get3A_1613 : vector<1x16xf32> to vector<16xf32>
    %eq3A_1615 = arith.constant 0 : i32
    %eq3A_1616 = vector.broadcast %eq3A_1615 : i32 to vector<16xi32>
    %eq3A_1617 = arith.cmpi eq, %get3A_1604, %eq3A_1616 : vector<16xi32>
    %jit3A_1618 = arith.constant 0.000000e+00 : f32
    %broadcast_in_dim3A_1619 = vector.broadcast %jit3A_1618 : f32 to vector<16xf32>
    %select_n3A_1620 = arith.select %eq3A_1617, %broadcast_in_dim3A_1619, %get3A_1614 : vector<16xi1>, vector<16xf32>
    %add3A_1621 = arith.constant 9.99999968E-21 : f32
    %add3A_1622 = vector.broadcast %add3A_1621 : f32 to vector<16xf32>
    %add3A_1623 = arith.addf %select_n3A_1620, %add3A_1622 : vector<16xf32>
    %ne3A_1624 = arith.constant 0 : i32
    %ne3A_1625 = vector.broadcast %ne3A_1624 : i32 to vector<16xi32>
    %ne3A_1626 = arith.cmpi ne, %get3A_1601, %ne3A_1625 : vector<16xi32>
    %or3A_1627 = arith.ori %eq3A_1617, %ne3A_1626 : vector<16xi1>
    %add3A_1628 = arith.addf %add3A_1623, %get3A_1609 : vector<16xf32>
    %select_n3A_1629 = arith.select %or3A_1627, %add3A_1628, %add3A_1623 : vector<16xi1>, vector<16xf32>
    %bitcast_convert_type3A_1630 = tpu.bitcast %select_n3A_1629 : vector<16xf32> -> vector<16xi32>
    %shift_right_arithmetic3A_1631 = arith.constant 23 : i32
    %shift_right_arithmetic3A_1632 = vector.broadcast %shift_right_arithmetic3A_1631 : i32 to vector<16xi32>
    %shift_right_arithmetic3A_1633 = arith.shrsi %bitcast_convert_type3A_1630, %shift_right_arithmetic3A_1632 : vector<16xi32>
    %sub3A_1634 = arith.constant 127 : i32
    %sub3A_1635 = vector.broadcast %sub3A_1634 : i32 to vector<16xi32>
    %sub3A_1636 = arith.subi %shift_right_arithmetic3A_1633, %sub3A_1635 : vector<16xi32>
    %and3A_1637 = arith.constant 8388607 : i32
    %and3A_1638 = vector.broadcast %and3A_1637 : i32 to vector<16xi32>
    %and3A_1639 = arith.andi %bitcast_convert_type3A_1630, %and3A_1638 : vector<16xi32>
    %or3A_1640 = arith.constant 1065353216 : i32
    %or3A_1641 = vector.broadcast %or3A_1640 : i32 to vector<16xi32>
    %or3A_1642 = arith.ori %and3A_1639, %or3A_1641 : vector<16xi32>
    %bitcast_convert_type3A_1643 = tpu.bitcast %or3A_1642 : vector<16xi32> -> vector<16xf32>
    %convert_element_type3A_1644 = arith.sitofp %sub3A_1636 : vector<16xi32> to vector<16xf32>
    %ge3A_1645 = arith.constant 1.41421354 : f32
    %ge3A_1646 = vector.broadcast %ge3A_1645 : f32 to vector<16xf32>
    %ge3A_1647 = arith.cmpf oge, %bitcast_convert_type3A_1643, %ge3A_1646 : vector<16xf32>
    %mul3A_1648 = arith.constant 5.000000e-01 : f32
    %mul3A_1649 = vector.broadcast %mul3A_1648 : f32 to vector<16xf32>
    %mul3A_1650 = arith.mulf %bitcast_convert_type3A_1643, %mul3A_1649 : vector<16xf32>
    %select_n3A_1651 = arith.select %ge3A_1647, %mul3A_1650, %bitcast_convert_type3A_1643 : vector<16xi1>, vector<16xf32>
    %add3A_1652 = arith.constant 1.000000e+00 : f32
    %add3A_1653 = vector.broadcast %add3A_1652 : f32 to vector<16xf32>
    %add3A_1654 = arith.addf %convert_element_type3A_1644, %add3A_1653 : vector<16xf32>
    %select_n3A_1655 = arith.select %ge3A_1647, %add3A_1654, %convert_element_type3A_1644 : vector<16xi1>, vector<16xf32>
    %sub3A_1656 = arith.constant 1.000000e+00 : f32
    %sub3A_1657 = vector.broadcast %sub3A_1656 : f32 to vector<16xf32>
    %sub3A_1658 = arith.subf %select_n3A_1651, %sub3A_1657 : vector<16xf32>
    %add3A_1659 = arith.constant 2.000000e+00 : f32
    %add3A_1660 = vector.broadcast %add3A_1659 : f32 to vector<16xf32>
    %add3A_1661 = arith.addf %add3A_1660, %sub3A_1658 : vector<16xf32>
    %div3A_1662 = arith.divf %sub3A_1658, %add3A_1661 : vector<16xf32>
    %mul3A_1663 = arith.mulf %div3A_1662, %div3A_1662 : vector<16xf32>
    %mul3A_1664 = arith.constant 0.111111112 : f32
    %mul3A_1665 = vector.broadcast %mul3A_1664 : f32 to vector<16xf32>
    %mul3A_1666 = arith.mulf %mul3A_1663, %mul3A_1665 : vector<16xf32>
    %add3A_1667 = arith.constant 0.142857149 : f32
    %add3A_1668 = vector.broadcast %add3A_1667 : f32 to vector<16xf32>
    %add3A_1669 = arith.addf %add3A_1668, %mul3A_1666 : vector<16xf32>
    %mul3A_1670 = arith.mulf %mul3A_1663, %add3A_1669 : vector<16xf32>
    %add3A_1671 = arith.constant 2.000000e-01 : f32
    %add3A_1672 = vector.broadcast %add3A_1671 : f32 to vector<16xf32>
    %add3A_1673 = arith.addf %add3A_1672, %mul3A_1670 : vector<16xf32>
    %mul3A_1674 = arith.mulf %mul3A_1663, %add3A_1673 : vector<16xf32>
    %add3A_1675 = arith.constant 0.333333343 : f32
    %add3A_1676 = vector.broadcast %add3A_1675 : f32 to vector<16xf32>
    %add3A_1677 = arith.addf %add3A_1676, %mul3A_1674 : vector<16xf32>
    %mul3A_1678 = arith.constant 0.693147182 : f32
    %mul3A_1679 = vector.broadcast %mul3A_1678 : f32 to vector<16xf32>
    %mul3A_1680 = arith.mulf %select_n3A_1655, %mul3A_1679 : vector<16xf32>
    %mul3A_1681 = arith.constant 2.000000e+00 : f32
    %mul3A_1682 = vector.broadcast %mul3A_1681 : f32 to vector<16xf32>
    %mul3A_1683 = arith.mulf %mul3A_1682, %div3A_1662 : vector<16xf32>
    %mul3A_1684 = arith.mulf %mul3A_1663, %add3A_1677 : vector<16xf32>
    %add3A_1685 = arith.constant 1.000000e+00 : f32
    %add3A_1686 = vector.broadcast %add3A_1685 : f32 to vector<16xf32>
    %add3A_1687 = arith.addf %add3A_1686, %mul3A_1684 : vector<16xf32>
    %mul3A_1688 = arith.mulf %mul3A_1683, %add3A_1687 : vector<16xf32>
    %add3A_1689 = arith.addf %mul3A_1680, %mul3A_1688 : vector<16xf32>
    %neg3A_1690 = arith.constant 0.000000e+00 : f32
    %neg3A_1691 = vector.broadcast %neg3A_1690 : f32 to vector<16xf32>
    %neg3A_1692 = arith.subf %neg3A_1691, %add3A_1689 : vector<16xf32>
    %eq3A_1693 = arith.constant -100 : i32
    %eq3A_1694 = vector.broadcast %eq3A_1693 : i32 to vector<16xi32>
    %eq3A_1695 = arith.cmpi eq, %get3A_1601, %eq3A_1694 : vector<16xi32>
    %jit3A_1696 = arith.constant 0.000000e+00 : f32
    %broadcast_in_dim3A_1697 = vector.broadcast %jit3A_1696 : f32 to vector<16xf32>
    %select_n3A_1698 = arith.select %eq3A_1695, %broadcast_in_dim3A_1697, %neg3A_1692 : vector<16xi1>, vector<16xf32>
    %swap3A_1699 = arith.constant 80 : index
    %swap3A_1700 = tpu.vector_load %arg12[%swap3A_1699] {strides = array<i32>} : memref<256xf32, #tpu.memory_space<vmem>>, vector<16xf32>,
    %swap3A_1701 = vector.shape_cast %swap3A_1700 : vector<16xf32> to vector<16xf32>
    %swap3A_1702 = vector.shape_cast %select_n3A_1698 : vector<16xf32> to vector<16xf32>
    tpu.vector_store %arg12[%swap3A_1699], %swap3A_1702 {strides = array<i32>} : memref<256xf32, #tpu.memory_space<vmem>>, vector<16xf32>,
    %get3A_1703 = arith.constant 96 : index
    %get3A_1704 = tpu.vector_load %arg7[%get3A_1703] {strides = array<i32>} : memref<256xi32, #tpu.memory_space<vmem>>, vector<16xi32>,
    %get3A_1705 = vector.shape_cast %get3A_1704 : vector<16xi32> to vector<16xi32>
    %get3A_1706 = arith.constant 96 : index
    %get3A_1707 = tpu.vector_load %arg6[%get3A_1706] {strides = array<i32>} : memref<256xi32, #tpu.memory_space<vmem>>, vector<16xi32>,
    %get3A_1708 = vector.shape_cast %get3A_1707 : vector<16xi32> to vector<16xi32>
    %get3A_1709 = arith.constant 0 : i32
    %get3A_1710 = arith.index_cast %get3A_1709 : i32 to index
    %get3A_1711 = arith.constant 96 : index
    %get3A_1712 = tpu.vector_load %arg10[%get3A_1710, %get3A_1711] {strides = array<i32>} : memref<2x128xf32, #tpu.memory_space<vmem>>, vector<1x16xf32>,
    %get3A_1713 = vector.shape_cast %get3A_1712 : vector<1x16xf32> to vector<16xf32>
    %get3A_1714 = arith.constant 0 : i32
    %get3A_1715 = arith.index_cast %get3A_1714 : i32 to index
    %get3A_1716 = arith.constant 96 : index
    %get3A_1717 = tpu.vector_load %arg11[%get3A_1715, %get3A_1716] {strides = array<i32>} : memref<2x128xf32, #tpu.memory_space<vmem>>, vector<1x16xf32>,
    %get3A_1718 = vector.shape_cast %get3A_1717 : vector<1x16xf32> to vector<16xf32>
    %eq3A_1719 = arith.constant 0 : i32
    %eq3A_1720 = vector.broadcast %eq3A_1719 : i32 to vector<16xi32>
    %eq3A_1721 = arith.cmpi eq, %get3A_1708, %eq3A_1720 : vector<16xi32>
    %jit3A_1722 = arith.constant 0.000000e+00 : f32
    %broadcast_in_dim3A_1723 = vector.broadcast %jit3A_1722 : f32 to vector<16xf32>
    %select_n3A_1724 = arith.select %eq3A_1721, %broadcast_in_dim3A_1723, %get3A_1718 : vector<16xi1>, vector<16xf32>
    %add3A_1725 = arith.constant 9.99999968E-21 : f32
    %add3A_1726 = vector.broadcast %add3A_1725 : f32 to vector<16xf32>
    %add3A_1727 = arith.addf %select_n3A_1724, %add3A_1726 : vector<16xf32>
    %ne3A_1728 = arith.constant 0 : i32
    %ne3A_1729 = vector.broadcast %ne3A_1728 : i32 to vector<16xi32>
    %ne3A_1730 = arith.cmpi ne, %get3A_1705, %ne3A_1729 : vector<16xi32>
    %or3A_1731 = arith.ori %eq3A_1721, %ne3A_1730 : vector<16xi1>
    %add3A_1732 = arith.addf %add3A_1727, %get3A_1713 : vector<16xf32>
    %select_n3A_1733 = arith.select %or3A_1731, %add3A_1732, %add3A_1727 : vector<16xi1>, vector<16xf32>
    %bitcast_convert_type3A_1734 = tpu.bitcast %select_n3A_1733 : vector<16xf32> -> vector<16xi32>
    %shift_right_arithmetic3A_1735 = arith.constant 23 : i32
    %shift_right_arithmetic3A_1736 = vector.broadcast %shift_right_arithmetic3A_1735 : i32 to vector<16xi32>
    %shift_right_arithmetic3A_1737 = arith.shrsi %bitcast_convert_type3A_1734, %shift_right_arithmetic3A_1736 : vector<16xi32>
    %sub3A_1738 = arith.constant 127 : i32
    %sub3A_1739 = vector.broadcast %sub3A_1738 : i32 to vector<16xi32>
    %sub3A_1740 = arith.subi %shift_right_arithmetic3A_1737, %sub3A_1739 : vector<16xi32>
    %and3A_1741 = arith.constant 8388607 : i32
    %and3A_1742 = vector.broadcast %and3A_1741 : i32 to vector<16xi32>
    %and3A_1743 = arith.andi %bitcast_convert_type3A_1734, %and3A_1742 : vector<16xi32>
    %or3A_1744 = arith.constant 1065353216 : i32
    %or3A_1745 = vector.broadcast %or3A_1744 : i32 to vector<16xi32>
    %or3A_1746 = arith.ori %and3A_1743, %or3A_1745 : vector<16xi32>
    %bitcast_convert_type3A_1747 = tpu.bitcast %or3A_1746 : vector<16xi32> -> vector<16xf32>
    %convert_element_type3A_1748 = arith.sitofp %sub3A_1740 : vector<16xi32> to vector<16xf32>
    %ge3A_1749 = arith.constant 1.41421354 : f32
    %ge3A_1750 = vector.broadcast %ge3A_1749 : f32 to vector<16xf32>
    %ge3A_1751 = arith.cmpf oge, %bitcast_convert_type3A_1747, %ge3A_1750 : vector<16xf32>
    %mul3A_1752 = arith.constant 5.000000e-01 : f32
    %mul3A_1753 = vector.broadcast %mul3A_1752 : f32 to vector<16xf32>
    %mul3A_1754 = arith.mulf %bitcast_convert_type3A_1747, %mul3A_1753 : vector<16xf32>
    %select_n3A_1755 = arith.select %ge3A_1751, %mul3A_1754, %bitcast_convert_type3A_1747 : vector<16xi1>, vector<16xf32>
    %add3A_1756 = arith.constant 1.000000e+00 : f32
    %add3A_1757 = vector.broadcast %add3A_1756 : f32 to vector<16xf32>
    %add3A_1758 = arith.addf %convert_element_type3A_1748, %add3A_1757 : vector<16xf32>
    %select_n3A_1759 = arith.select %ge3A_1751, %add3A_1758, %convert_element_type3A_1748 : vector<16xi1>, vector<16xf32>
    %sub3A_1760 = arith.constant 1.000000e+00 : f32
    %sub3A_1761 = vector.broadcast %sub3A_1760 : f32 to vector<16xf32>
    %sub3A_1762 = arith.subf %select_n3A_1755, %sub3A_1761 : vector<16xf32>
    %add3A_1763 = arith.constant 2.000000e+00 : f32
    %add3A_1764 = vector.broadcast %add3A_1763 : f32 to vector<16xf32>
    %add3A_1765 = arith.addf %add3A_1764, %sub3A_1762 : vector<16xf32>
    %div3A_1766 = arith.divf %sub3A_1762, %add3A_1765 : vector<16xf32>
    %mul3A_1767 = arith.mulf %div3A_1766, %div3A_1766 : vector<16xf32>
    %mul3A_1768 = arith.constant 0.111111112 : f32
    %mul3A_1769 = vector.broadcast %mul3A_1768 : f32 to vector<16xf32>
    %mul3A_1770 = arith.mulf %mul3A_1767, %mul3A_1769 : vector<16xf32>
    %add3A_1771 = arith.constant 0.142857149 : f32
    %add3A_1772 = vector.broadcast %add3A_1771 : f32 to vector<16xf32>
    %add3A_1773 = arith.addf %add3A_1772, %mul3A_1770 : vector<16xf32>
    %mul3A_1774 = arith.mulf %mul3A_1767, %add3A_1773 : vector<16xf32>
    %add3A_1775 = arith.constant 2.000000e-01 : f32
    %add3A_1776 = vector.broadcast %add3A_1775 : f32 to vector<16xf32>
    %add3A_1777 = arith.addf %add3A_1776, %mul3A_1774 : vector<16xf32>
    %mul3A_1778 = arith.mulf %mul3A_1767, %add3A_1777 : vector<16xf32>
    %add3A_1779 = arith.constant 0.333333343 : f32
    %add3A_1780 = vector.broadcast %add3A_1779 : f32 to vector<16xf32>
    %add3A_1781 = arith.addf %add3A_1780, %mul3A_1778 : vector<16xf32>
    %mul3A_1782 = arith.constant 0.693147182 : f32
    %mul3A_1783 = vector.broadcast %mul3A_1782 : f32 to vector<16xf32>
    %mul3A_1784 = arith.mulf %select_n3A_1759, %mul3A_1783 : vector<16xf32>
    %mul3A_1785 = arith.constant 2.000000e+00 : f32
    %mul3A_1786 = vector.broadcast %mul3A_1785 : f32 to vector<16xf32>
    %mul3A_1787 = arith.mulf %mul3A_1786, %div3A_1766 : vector<16xf32>
    %mul3A_1788 = arith.mulf %mul3A_1767, %add3A_1781 : vector<16xf32>
    %add3A_1789 = arith.constant 1.000000e+00 : f32
    %add3A_1790 = vector.broadcast %add3A_1789 : f32 to vector<16xf32>
    %add3A_1791 = arith.addf %add3A_1790, %mul3A_1788 : vector<16xf32>
    %mul3A_1792 = arith.mulf %mul3A_1787, %add3A_1791 : vector<16xf32>
    %add3A_1793 = arith.addf %mul3A_1784, %mul3A_1792 : vector<16xf32>
    %neg3A_1794 = arith.constant 0.000000e+00 : f32
    %neg3A_1795 = vector.broadcast %neg3A_1794 : f32 to vector<16xf32>
    %neg3A_1796 = arith.subf %neg3A_1795, %add3A_1793 : vector<16xf32>
    %eq3A_1797 = arith.constant -100 : i32
    %eq3A_1798 = vector.broadcast %eq3A_1797 : i32 to vector<16xi32>
    %eq3A_1799 = arith.cmpi eq, %get3A_1705, %eq3A_1798 : vector<16xi32>
    %jit3A_1800 = arith.constant 0.000000e+00 : f32
    %broadcast_in_dim3A_1801 = vector.broadcast %jit3A_1800 : f32 to vector<16xf32>
    %select_n3A_1802 = arith.select %eq3A_1799, %broadcast_in_dim3A_1801, %neg3A_1796 : vector<16xi1>, vector<16xf32>
    %swap3A_1803 = arith.constant 96 : index
    %swap3A_1804 = tpu.vector_load %arg12[%swap3A_1803] {strides = array<i32>} : memref<256xf32, #tpu.memory_space<vmem>>, vector<16xf32>,
    %swap3A_1805 = vector.shape_cast %swap3A_1804 : vector<16xf32> to vector<16xf32>
    %swap3A_1806 = vector.shape_cast %select_n3A_1802 : vector<16xf32> to vector<16xf32>
    tpu.vector_store %arg12[%swap3A_1803], %swap3A_1806 {strides = array<i32>} : memref<256xf32, #tpu.memory_space<vmem>>, vector<16xf32>,
    %get3A_1807 = arith.constant 112 : index
    %get3A_1808 = tpu.vector_load %arg7[%get3A_1807] {strides = array<i32>} : memref<256xi32, #tpu.memory_space<vmem>>, vector<16xi32>,
    %get3A_1809 = vector.shape_cast %get3A_1808 : vector<16xi32> to vector<16xi32>
    %get3A_1810 = arith.constant 112 : index
    %get3A_1811 = tpu.vector_load %arg6[%get3A_1810] {strides = array<i32>} : memref<256xi32, #tpu.memory_space<vmem>>, vector<16xi32>,
    %get3A_1812 = vector.shape_cast %get3A_1811 : vector<16xi32> to vector<16xi32>
    %get3A_1813 = arith.constant 0 : i32
    %get3A_1814 = arith.index_cast %get3A_1813 : i32 to index
    %get3A_1815 = arith.constant 112 : index
    %get3A_1816 = tpu.vector_load %arg10[%get3A_1814, %get3A_1815] {strides = array<i32>} : memref<2x128xf32, #tpu.memory_space<vmem>>, vector<1x16xf32>,
    %get3A_1817 = vector.shape_cast %get3A_1816 : vector<1x16xf32> to vector<16xf32>
    %get3A_1818 = arith.constant 0 : i32
    %get3A_1819 = arith.index_cast %get3A_1818 : i32 to index
    %get3A_1820 = arith.constant 112 : index
    %get3A_1821 = tpu.vector_load %arg11[%get3A_1819, %get3A_1820] {strides = array<i32>} : memref<2x128xf32, #tpu.memory_space<vmem>>, vector<1x16xf32>,
    %get3A_1822 = vector.shape_cast %get3A_1821 : vector<1x16xf32> to vector<16xf32>
    %eq3A_1823 = arith.constant 0 : i32
    %eq3A_1824 = vector.broadcast %eq3A_1823 : i32 to vector<16xi32>
    %eq3A_1825 = arith.cmpi eq, %get3A_1812, %eq3A_1824 : vector<16xi32>
    %jit3A_1826 = arith.constant 0.000000e+00 : f32
    %broadcast_in_dim3A_1827 = vector.broadcast %jit3A_1826 : f32 to vector<16xf32>
    %select_n3A_1828 = arith.select %eq3A_1825, %broadcast_in_dim3A_1827, %get3A_1822 : vector<16xi1>, vector<16xf32>
    %add3A_1829 = arith.constant 9.99999968E-21 : f32
    %add3A_1830 = vector.broadcast %add3A_1829 : f32 to vector<16xf32>
    %add3A_1831 = arith.addf %select_n3A_1828, %add3A_1830 : vector<16xf32>
    %ne3A_1832 = arith.constant 0 : i32
    %ne3A_1833 = vector.broadcast %ne3A_1832 : i32 to vector<16xi32>
    %ne3A_1834 = arith.cmpi ne, %get3A_1809, %ne3A_1833 : vector<16xi32>
    %or3A_1835 = arith.ori %eq3A_1825, %ne3A_1834 : vector<16xi1>
    %add3A_1836 = arith.addf %add3A_1831, %get3A_1817 : vector<16xf32>
    %select_n3A_1837 = arith.select %or3A_1835, %add3A_1836, %add3A_1831 : vector<16xi1>, vector<16xf32>
    %bitcast_convert_type3A_1838 = tpu.bitcast %select_n3A_1837 : vector<16xf32> -> vector<16xi32>
    %shift_right_arithmetic3A_1839 = arith.constant 23 : i32
    %shift_right_arithmetic3A_1840 = vector.broadcast %shift_right_arithmetic3A_1839 : i32 to vector<16xi32>
    %shift_right_arithmetic3A_1841 = arith.shrsi %bitcast_convert_type3A_1838, %shift_right_arithmetic3A_1840 : vector<16xi32>
    %sub3A_1842 = arith.constant 127 : i32
    %sub3A_1843 = vector.broadcast %sub3A_1842 : i32 to vector<16xi32>
    %sub3A_1844 = arith.subi %shift_right_arithmetic3A_1841, %sub3A_1843 : vector<16xi32>
    %and3A_1845 = arith.constant 8388607 : i32
    %and3A_1846 = vector.broadcast %and3A_1845 : i32 to vector<16xi32>
    %and3A_1847 = arith.andi %bitcast_convert_type3A_1838, %and3A_1846 : vector<16xi32>
    %or3A_1848 = arith.constant 1065353216 : i32
    %or3A_1849 = vector.broadcast %or3A_1848 : i32 to vector<16xi32>
    %or3A_1850 = arith.ori %and3A_1847, %or3A_1849 : vector<16xi32>
    %bitcast_convert_type3A_1851 = tpu.bitcast %or3A_1850 : vector<16xi32> -> vector<16xf32>
    %convert_element_type3A_1852 = arith.sitofp %sub3A_1844 : vector<16xi32> to vector<16xf32>
    %ge3A_1853 = arith.constant 1.41421354 : f32
    %ge3A_1854 = vector.broadcast %ge3A_1853 : f32 to vector<16xf32>
    %ge3A_1855 = arith.cmpf oge, %bitcast_convert_type3A_1851, %ge3A_1854 : vector<16xf32>
    %mul3A_1856 = arith.constant 5.000000e-01 : f32
    %mul3A_1857 = vector.broadcast %mul3A_1856 : f32 to vector<16xf32>
    %mul3A_1858 = arith.mulf %bitcast_convert_type3A_1851, %mul3A_1857 : vector<16xf32>
    %select_n3A_1859 = arith.select %ge3A_1855, %mul3A_1858, %bitcast_convert_type3A_1851 : vector<16xi1>, vector<16xf32>
    %add3A_1860 = arith.constant 1.000000e+00 : f32
    %add3A_1861 = vector.broadcast %add3A_1860 : f32 to vector<16xf32>
    %add3A_1862 = arith.addf %convert_element_type3A_1852, %add3A_1861 : vector<16xf32>
    %select_n3A_1863 = arith.select %ge3A_1855, %add3A_1862, %convert_element_type3A_1852 : vector<16xi1>, vector<16xf32>
    %sub3A_1864 = arith.constant 1.000000e+00 : f32
    %sub3A_1865 = vector.broadcast %sub3A_1864 : f32 to vector<16xf32>
    %sub3A_1866 = arith.subf %select_n3A_1859, %sub3A_1865 : vector<16xf32>
    %add3A_1867 = arith.constant 2.000000e+00 : f32
    %add3A_1868 = vector.broadcast %add3A_1867 : f32 to vector<16xf32>
    %add3A_1869 = arith.addf %add3A_1868, %sub3A_1866 : vector<16xf32>
    %div3A_1870 = arith.divf %sub3A_1866, %add3A_1869 : vector<16xf32>
    %mul3A_1871 = arith.mulf %div3A_1870, %div3A_1870 : vector<16xf32>
    %mul3A_1872 = arith.constant 0.111111112 : f32
    %mul3A_1873 = vector.broadcast %mul3A_1872 : f32 to vector<16xf32>
    %mul3A_1874 = arith.mulf %mul3A_1871, %mul3A_1873 : vector<16xf32>
    %add3A_1875 = arith.constant 0.142857149 : f32
    %add3A_1876 = vector.broadcast %add3A_1875 : f32 to vector<16xf32>
    %add3A_1877 = arith.addf %add3A_1876, %mul3A_1874 : vector<16xf32>
    %mul3A_1878 = arith.mulf %mul3A_1871, %add3A_1877 : vector<16xf32>
    %add3A_1879 = arith.constant 2.000000e-01 : f32
    %add3A_1880 = vector.broadcast %add3A_1879 : f32 to vector<16xf32>
    %add3A_1881 = arith.addf %add3A_1880, %mul3A_1878 : vector<16xf32>
    %mul3A_1882 = arith.mulf %mul3A_1871, %add3A_1881 : vector<16xf32>
    %add3A_1883 = arith.constant 0.333333343 : f32
    %add3A_1884 = vector.broadcast %add3A_1883 : f32 to vector<16xf32>
    %add3A_1885 = arith.addf %add3A_1884, %mul3A_1882 : vector<16xf32>
    %mul3A_1886 = arith.constant 0.693147182 : f32
    %mul3A_1887 = vector.broadcast %mul3A_1886 : f32 to vector<16xf32>
    %mul3A_1888 = arith.mulf %select_n3A_1863, %mul3A_1887 : vector<16xf32>
    %mul3A_1889 = arith.constant 2.000000e+00 : f32
    %mul3A_1890 = vector.broadcast %mul3A_1889 : f32 to vector<16xf32>
    %mul3A_1891 = arith.mulf %mul3A_1890, %div3A_1870 : vector<16xf32>
    %mul3A_1892 = arith.mulf %mul3A_1871, %add3A_1885 : vector<16xf32>
    %add3A_1893 = arith.constant 1.000000e+00 : f32
    %add3A_1894 = vector.broadcast %add3A_1893 : f32 to vector<16xf32>
    %add3A_1895 = arith.addf %add3A_1894, %mul3A_1892 : vector<16xf32>
    %mul3A_1896 = arith.mulf %mul3A_1891, %add3A_1895 : vector<16xf32>
    %add3A_1897 = arith.addf %mul3A_1888, %mul3A_1896 : vector<16xf32>
    %neg3A_1898 = arith.constant 0.000000e+00 : f32
    %neg3A_1899 = vector.broadcast %neg3A_1898 : f32 to vector<16xf32>
    %neg3A_1900 = arith.subf %neg3A_1899, %add3A_1897 : vector<16xf32>
    %eq3A_1901 = arith.constant -100 : i32
    %eq3A_1902 = vector.broadcast %eq3A_1901 : i32 to vector<16xi32>
    %eq3A_1903 = arith.cmpi eq, %get3A_1809, %eq3A_1902 : vector<16xi32>
    %jit3A_1904 = arith.constant 0.000000e+00 : f32
    %broadcast_in_dim3A_1905 = vector.broadcast %jit3A_1904 : f32 to vector<16xf32>
    %select_n3A_1906 = arith.select %eq3A_1903, %broadcast_in_dim3A_1905, %neg3A_1900 : vector<16xi1>, vector<16xf32>
    %swap3A_1907 = arith.constant 112 : index
    %swap3A_1908 = tpu.vector_load %arg12[%swap3A_1907] {strides = array<i32>} : memref<256xf32, #tpu.memory_space<vmem>>, vector<16xf32>,
    %swap3A_1909 = vector.shape_cast %swap3A_1908 : vector<16xf32> to vector<16xf32>
    %swap3A_1910 = vector.shape_cast %select_n3A_1906 : vector<16xf32> to vector<16xf32>
    tpu.vector_store %arg12[%swap3A_1907], %swap3A_1910 {strides = array<i32>} : memref<256xf32, #tpu.memory_space<vmem>>, vector<16xf32>,
    %get3A_1911 = arith.constant 128 : index
    %get3A_1912 = tpu.vector_load %arg7[%get3A_1911] {strides = array<i32>} : memref<256xi32, #tpu.memory_space<vmem>>, vector<16xi32>,
    %get3A_1913 = vector.shape_cast %get3A_1912 : vector<16xi32> to vector<16xi32>
    %get3A_1914 = arith.constant 128 : index
    %get3A_1915 = tpu.vector_load %arg6[%get3A_1914] {strides = array<i32>} : memref<256xi32, #tpu.memory_space<vmem>>, vector<16xi32>,
    %get3A_1916 = vector.shape_cast %get3A_1915 : vector<16xi32> to vector<16xi32>
    %get3A_1917 = arith.constant 1 : i32
    %get3A_1918 = arith.index_cast %get3A_1917 : i32 to index
    %get3A_1919 = arith.constant 0 : index
    %get3A_1920 = tpu.vector_load %arg10[%get3A_1918, %get3A_1919] {strides = array<i32>} : memref<2x128xf32, #tpu.memory_space<vmem>>, vector<1x16xf32>,
    %get3A_1921 = vector.shape_cast %get3A_1920 : vector<1x16xf32> to vector<16xf32>
    %get3A_1922 = arith.constant 1 : i32
    %get3A_1923 = arith.index_cast %get3A_1922 : i32 to index
    %get3A_1924 = arith.constant 0 : index
    %get3A_1925 = tpu.vector_load %arg11[%get3A_1923, %get3A_1924] {strides = array<i32>} : memref<2x128xf32, #tpu.memory_space<vmem>>, vector<1x16xf32>,
    %get3A_1926 = vector.shape_cast %get3A_1925 : vector<1x16xf32> to vector<16xf32>
    %eq3A_1927 = arith.constant 0 : i32
    %eq3A_1928 = vector.broadcast %eq3A_1927 : i32 to vector<16xi32>
    %eq3A_1929 = arith.cmpi eq, %get3A_1916, %eq3A_1928 : vector<16xi32>
    %jit3A_1930 = arith.constant 0.000000e+00 : f32
    %broadcast_in_dim3A_1931 = vector.broadcast %jit3A_1930 : f32 to vector<16xf32>
    %select_n3A_1932 = arith.select %eq3A_1929, %broadcast_in_dim3A_1931, %get3A_1926 : vector<16xi1>, vector<16xf32>
    %add3A_1933 = arith.constant 9.99999968E-21 : f32
    %add3A_1934 = vector.broadcast %add3A_1933 : f32 to vector<16xf32>
    %add3A_1935 = arith.addf %select_n3A_1932, %add3A_1934 : vector<16xf32>
    %ne3A_1936 = arith.constant 0 : i32
    %ne3A_1937 = vector.broadcast %ne3A_1936 : i32 to vector<16xi32>
    %ne3A_1938 = arith.cmpi ne, %get3A_1913, %ne3A_1937 : vector<16xi32>
    %or3A_1939 = arith.ori %eq3A_1929, %ne3A_1938 : vector<16xi1>
    %add3A_1940 = arith.addf %add3A_1935, %get3A_1921 : vector<16xf32>
    %select_n3A_1941 = arith.select %or3A_1939, %add3A_1940, %add3A_1935 : vector<16xi1>, vector<16xf32>
    %bitcast_convert_type3A_1942 = tpu.bitcast %select_n3A_1941 : vector<16xf32> -> vector<16xi32>
    %shift_right_arithmetic3A_1943 = arith.constant 23 : i32
    %shift_right_arithmetic3A_1944 = vector.broadcast %shift_right_arithmetic3A_1943 : i32 to vector<16xi32>
    %shift_right_arithmetic3A_1945 = arith.shrsi %bitcast_convert_type3A_1942, %shift_right_arithmetic3A_1944 : vector<16xi32>
    %sub3A_1946 = arith.constant 127 : i32
    %sub3A_1947 = vector.broadcast %sub3A_1946 : i32 to vector<16xi32>
    %sub3A_1948 = arith.subi %shift_right_arithmetic3A_1945, %sub3A_1947 : vector<16xi32>
    %and3A_1949 = arith.constant 8388607 : i32
    %and3A_1950 = vector.broadcast %and3A_1949 : i32 to vector<16xi32>
    %and3A_1951 = arith.andi %bitcast_convert_type3A_1942, %and3A_1950 : vector<16xi32>
    %or3A_1952 = arith.constant 1065353216 : i32
    %or3A_1953 = vector.broadcast %or3A_1952 : i32 to vector<16xi32>
    %or3A_1954 = arith.ori %and3A_1951, %or3A_1953 : vector<16xi32>
    %bitcast_convert_type3A_1955 = tpu.bitcast %or3A_1954 : vector<16xi32> -> vector<16xf32>
    %convert_element_type3A_1956 = arith.sitofp %sub3A_1948 : vector<16xi32> to vector<16xf32>
    %ge3A_1957 = arith.constant 1.41421354 : f32
    %ge3A_1958 = vector.broadcast %ge3A_1957 : f32 to vector<16xf32>
    %ge3A_1959 = arith.cmpf oge, %bitcast_convert_type3A_1955, %ge3A_1958 : vector<16xf32>
    %mul3A_1960 = arith.constant 5.000000e-01 : f32
    %mul3A_1961 = vector.broadcast %mul3A_1960 : f32 to vector<16xf32>
    %mul3A_1962 = arith.mulf %bitcast_convert_type3A_1955, %mul3A_1961 : vector<16xf32>
    %select_n3A_1963 = arith.select %ge3A_1959, %mul3A_1962, %bitcast_convert_type3A_1955 : vector<16xi1>, vector<16xf32>
    %add3A_1964 = arith.constant 1.000000e+00 : f32
    %add3A_1965 = vector.broadcast %add3A_1964 : f32 to vector<16xf32>
    %add3A_1966 = arith.addf %convert_element_type3A_1956, %add3A_1965 : vector<16xf32>
    %select_n3A_1967 = arith.select %ge3A_1959, %add3A_1966, %convert_element_type3A_1956 : vector<16xi1>, vector<16xf32>
    %sub3A_1968 = arith.constant 1.000000e+00 : f32
    %sub3A_1969 = vector.broadcast %sub3A_1968 : f32 to vector<16xf32>
    %sub3A_1970 = arith.subf %select_n3A_1963, %sub3A_1969 : vector<16xf32>
    %add3A_1971 = arith.constant 2.000000e+00 : f32
    %add3A_1972 = vector.broadcast %add3A_1971 : f32 to vector<16xf32>
    %add3A_1973 = arith.addf %add3A_1972, %sub3A_1970 : vector<16xf32>
    %div3A_1974 = arith.divf %sub3A_1970, %add3A_1973 : vector<16xf32>
    %mul3A_1975 = arith.mulf %div3A_1974, %div3A_1974 : vector<16xf32>
    %mul3A_1976 = arith.constant 0.111111112 : f32
    %mul3A_1977 = vector.broadcast %mul3A_1976 : f32 to vector<16xf32>
    %mul3A_1978 = arith.mulf %mul3A_1975, %mul3A_1977 : vector<16xf32>
    %add3A_1979 = arith.constant 0.142857149 : f32
    %add3A_1980 = vector.broadcast %add3A_1979 : f32 to vector<16xf32>
    %add3A_1981 = arith.addf %add3A_1980, %mul3A_1978 : vector<16xf32>
    %mul3A_1982 = arith.mulf %mul3A_1975, %add3A_1981 : vector<16xf32>
    %add3A_1983 = arith.constant 2.000000e-01 : f32
    %add3A_1984 = vector.broadcast %add3A_1983 : f32 to vector<16xf32>
    %add3A_1985 = arith.addf %add3A_1984, %mul3A_1982 : vector<16xf32>
    %mul3A_1986 = arith.mulf %mul3A_1975, %add3A_1985 : vector<16xf32>
    %add3A_1987 = arith.constant 0.333333343 : f32
    %add3A_1988 = vector.broadcast %add3A_1987 : f32 to vector<16xf32>
    %add3A_1989 = arith.addf %add3A_1988, %mul3A_1986 : vector<16xf32>
    %mul3A_1990 = arith.constant 0.693147182 : f32
    %mul3A_1991 = vector.broadcast %mul3A_1990 : f32 to vector<16xf32>
    %mul3A_1992 = arith.mulf %select_n3A_1967, %mul3A_1991 : vector<16xf32>
    %mul3A_1993 = arith.constant 2.000000e+00 : f32
    %mul3A_1994 = vector.broadcast %mul3A_1993 : f32 to vector<16xf32>
    %mul3A_1995 = arith.mulf %mul3A_1994, %div3A_1974 : vector<16xf32>
    %mul3A_1996 = arith.mulf %mul3A_1975, %add3A_1989 : vector<16xf32>
    %add3A_1997 = arith.constant 1.000000e+00 : f32
    %add3A_1998 = vector.broadcast %add3A_1997 : f32 to vector<16xf32>
    %add3A_1999 = arith.addf %add3A_1998, %mul3A_1996 : vector<16xf32>
    %mul3A_2000 = arith.mulf %mul3A_1995, %add3A_1999 : vector<16xf32>
    %add3A_2001 = arith.addf %mul3A_1992, %mul3A_2000 : vector<16xf32>
    %neg3A_2002 = arith.constant 0.000000e+00 : f32
    %neg3A_2003 = vector.broadcast %neg3A_2002 : f32 to vector<16xf32>
    %neg3A_2004 = arith.subf %neg3A_2003, %add3A_2001 : vector<16xf32>
    %eq3A_2005 = arith.constant -100 : i32
    %eq3A_2006 = vector.broadcast %eq3A_2005 : i32 to vector<16xi32>
    %eq3A_2007 = arith.cmpi eq, %get3A_1913, %eq3A_2006 : vector<16xi32>
    %jit3A_2008 = arith.constant 0.000000e+00 : f32
    %broadcast_in_dim3A_2009 = vector.broadcast %jit3A_2008 : f32 to vector<16xf32>
    %select_n3A_2010 = arith.select %eq3A_2007, %broadcast_in_dim3A_2009, %neg3A_2004 : vector<16xi1>, vector<16xf32>
    %swap3A_2011 = arith.constant 128 : index
    %swap3A_2012 = tpu.vector_load %arg12[%swap3A_2011] {strides = array<i32>} : memref<256xf32, #tpu.memory_space<vmem>>, vector<16xf32>,
    %swap3A_2013 = vector.shape_cast %swap3A_2012 : vector<16xf32> to vector<16xf32>
    %swap3A_2014 = vector.shape_cast %select_n3A_2010 : vector<16xf32> to vector<16xf32>
    tpu.vector_store %arg12[%swap3A_2011], %swap3A_2014 {strides = array<i32>} : memref<256xf32, #tpu.memory_space<vmem>>, vector<16xf32>,
    %get3A_2015 = arith.constant 144 : index
    %get3A_2016 = tpu.vector_load %arg7[%get3A_2015] {strides = array<i32>} : memref<256xi32, #tpu.memory_space<vmem>>, vector<16xi32>,
    %get3A_2017 = vector.shape_cast %get3A_2016 : vector<16xi32> to vector<16xi32>
    %get3A_2018 = arith.constant 144 : index
    %get3A_2019 = tpu.vector_load %arg6[%get3A_2018] {strides = array<i32>} : memref<256xi32, #tpu.memory_space<vmem>>, vector<16xi32>,
    %get3A_2020 = vector.shape_cast %get3A_2019 : vector<16xi32> to vector<16xi32>
    %get3A_2021 = arith.constant 1 : i32
    %get3A_2022 = arith.index_cast %get3A_2021 : i32 to index
    %get3A_2023 = arith.constant 16 : index
    %get3A_2024 = tpu.vector_load %arg10[%get3A_2022, %get3A_2023] {strides = array<i32>} : memref<2x128xf32, #tpu.memory_space<vmem>>, vector<1x16xf32>,
    %get3A_2025 = vector.shape_cast %get3A_2024 : vector<1x16xf32> to vector<16xf32>
    %get3A_2026 = arith.constant 1 : i32
    %get3A_2027 = arith.index_cast %get3A_2026 : i32 to index
    %get3A_2028 = arith.constant 16 : index
    %get3A_2029 = tpu.vector_load %arg11[%get3A_2027, %get3A_2028] {strides = array<i32>} : memref<2x128xf32, #tpu.memory_space<vmem>>, vector<1x16xf32>,
    %get3A_2030 = vector.shape_cast %get3A_2029 : vector<1x16xf32> to vector<16xf32>
    %eq3A_2031 = arith.constant 0 : i32
    %eq3A_2032 = vector.broadcast %eq3A_2031 : i32 to vector<16xi32>
    %eq3A_2033 = arith.cmpi eq, %get3A_2020, %eq3A_2032 : vector<16xi32>
    %jit3A_2034 = arith.constant 0.000000e+00 : f32
    %broadcast_in_dim3A_2035 = vector.broadcast %jit3A_2034 : f32 to vector<16xf32>
    %select_n3A_2036 = arith.select %eq3A_2033, %broadcast_in_dim3A_2035, %get3A_2030 : vector<16xi1>, vector<16xf32>
    %add3A_2037 = arith.constant 9.99999968E-21 : f32
    %add3A_2038 = vector.broadcast %add3A_2037 : f32 to vector<16xf32>
    %add3A_2039 = arith.addf %select_n3A_2036, %add3A_2038 : vector<16xf32>
    %ne3A_2040 = arith.constant 0 : i32
    %ne3A_2041 = vector.broadcast %ne3A_2040 : i32 to vector<16xi32>
    %ne3A_2042 = arith.cmpi ne, %get3A_2017, %ne3A_2041 : vector<16xi32>
    %or3A_2043 = arith.ori %eq3A_2033, %ne3A_2042 : vector<16xi1>
    %add3A_2044 = arith.addf %add3A_2039, %get3A_2025 : vector<16xf32>
    %select_n3A_2045 = arith.select %or3A_2043, %add3A_2044, %add3A_2039 : vector<16xi1>, vector<16xf32>
    %bitcast_convert_type3A_2046 = tpu.bitcast %select_n3A_2045 : vector<16xf32> -> vector<16xi32>
    %shift_right_arithmetic3A_2047 = arith.constant 23 : i32
    %shift_right_arithmetic3A_2048 = vector.broadcast %shift_right_arithmetic3A_2047 : i32 to vector<16xi32>
    %shift_right_arithmetic3A_2049 = arith.shrsi %bitcast_convert_type3A_2046, %shift_right_arithmetic3A_2048 : vector<16xi32>
    %sub3A_2050 = arith.constant 127 : i32
    %sub3A_2051 = vector.broadcast %sub3A_2050 : i32 to vector<16xi32>
    %sub3A_2052 = arith.subi %shift_right_arithmetic3A_2049, %sub3A_2051 : vector<16xi32>
    %and3A_2053 = arith.constant 8388607 : i32
    %and3A_2054 = vector.broadcast %and3A_2053 : i32 to vector<16xi32>
    %and3A_2055 = arith.andi %bitcast_convert_type3A_2046, %and3A_2054 : vector<16xi32>
    %or3A_2056 = arith.constant 1065353216 : i32
    %or3A_2057 = vector.broadcast %or3A_2056 : i32 to vector<16xi32>
    %or3A_2058 = arith.ori %and3A_2055, %or3A_2057 : vector<16xi32>
    %bitcast_convert_type3A_2059 = tpu.bitcast %or3A_2058 : vector<16xi32> -> vector<16xf32>
    %convert_element_type3A_2060 = arith.sitofp %sub3A_2052 : vector<16xi32> to vector<16xf32>
    %ge3A_2061 = arith.constant 1.41421354 : f32
    %ge3A_2062 = vector.broadcast %ge3A_2061 : f32 to vector<16xf32>
    %ge3A_2063 = arith.cmpf oge, %bitcast_convert_type3A_2059, %ge3A_2062 : vector<16xf32>
    %mul3A_2064 = arith.constant 5.000000e-01 : f32
    %mul3A_2065 = vector.broadcast %mul3A_2064 : f32 to vector<16xf32>
    %mul3A_2066 = arith.mulf %bitcast_convert_type3A_2059, %mul3A_2065 : vector<16xf32>
    %select_n3A_2067 = arith.select %ge3A_2063, %mul3A_2066, %bitcast_convert_type3A_2059 : vector<16xi1>, vector<16xf32>
    %add3A_2068 = arith.constant 1.000000e+00 : f32
    %add3A_2069 = vector.broadcast %add3A_2068 : f32 to vector<16xf32>
    %add3A_2070 = arith.addf %convert_element_type3A_2060, %add3A_2069 : vector<16xf32>
    %select_n3A_2071 = arith.select %ge3A_2063, %add3A_2070, %convert_element_type3A_2060 : vector<16xi1>, vector<16xf32>
    %sub3A_2072 = arith.constant 1.000000e+00 : f32
    %sub3A_2073 = vector.broadcast %sub3A_2072 : f32 to vector<16xf32>
    %sub3A_2074 = arith.subf %select_n3A_2067, %sub3A_2073 : vector<16xf32>
    %add3A_2075 = arith.constant 2.000000e+00 : f32
    %add3A_2076 = vector.broadcast %add3A_2075 : f32 to vector<16xf32>
    %add3A_2077 = arith.addf %add3A_2076, %sub3A_2074 : vector<16xf32>
    %div3A_2078 = arith.divf %sub3A_2074, %add3A_2077 : vector<16xf32>
    %mul3A_2079 = arith.mulf %div3A_2078, %div3A_2078 : vector<16xf32>
    %mul3A_2080 = arith.constant 0.111111112 : f32
    %mul3A_2081 = vector.broadcast %mul3A_2080 : f32 to vector<16xf32>
    %mul3A_2082 = arith.mulf %mul3A_2079, %mul3A_2081 : vector<16xf32>
    %add3A_2083 = arith.constant 0.142857149 : f32
    %add3A_2084 = vector.broadcast %add3A_2083 : f32 to vector<16xf32>
    %add3A_2085 = arith.addf %add3A_2084, %mul3A_2082 : vector<16xf32>
    %mul3A_2086 = arith.mulf %mul3A_2079, %add3A_2085 : vector<16xf32>
    %add3A_2087 = arith.constant 2.000000e-01 : f32
    %add3A_2088 = vector.broadcast %add3A_2087 : f32 to vector<16xf32>
    %add3A_2089 = arith.addf %add3A_2088, %mul3A_2086 : vector<16xf32>
    %mul3A_2090 = arith.mulf %mul3A_2079, %add3A_2089 : vector<16xf32>
    %add3A_2091 = arith.constant 0.333333343 : f32
    %add3A_2092 = vector.broadcast %add3A_2091 : f32 to vector<16xf32>
    %add3A_2093 = arith.addf %add3A_2092, %mul3A_2090 : vector<16xf32>
    %mul3A_2094 = arith.constant 0.693147182 : f32
    %mul3A_2095 = vector.broadcast %mul3A_2094 : f32 to vector<16xf32>
    %mul3A_2096 = arith.mulf %select_n3A_2071, %mul3A_2095 : vector<16xf32>
    %mul3A_2097 = arith.constant 2.000000e+00 : f32
    %mul3A_2098 = vector.broadcast %mul3A_2097 : f32 to vector<16xf32>
    %mul3A_2099 = arith.mulf %mul3A_2098, %div3A_2078 : vector<16xf32>
    %mul3A_2100 = arith.mulf %mul3A_2079, %add3A_2093 : vector<16xf32>
    %add3A_2101 = arith.constant 1.000000e+00 : f32
    %add3A_2102 = vector.broadcast %add3A_2101 : f32 to vector<16xf32>
    %add3A_2103 = arith.addf %add3A_2102, %mul3A_2100 : vector<16xf32>
    %mul3A_2104 = arith.mulf %mul3A_2099, %add3A_2103 : vector<16xf32>
    %add3A_2105 = arith.addf %mul3A_2096, %mul3A_2104 : vector<16xf32>
    %neg3A_2106 = arith.constant 0.000000e+00 : f32
    %neg3A_2107 = vector.broadcast %neg3A_2106 : f32 to vector<16xf32>
    %neg3A_2108 = arith.subf %neg3A_2107, %add3A_2105 : vector<16xf32>
    %eq3A_2109 = arith.constant -100 : i32
    %eq3A_2110 = vector.broadcast %eq3A_2109 : i32 to vector<16xi32>
    %eq3A_2111 = arith.cmpi eq, %get3A_2017, %eq3A_2110 : vector<16xi32>
    %jit3A_2112 = arith.constant 0.000000e+00 : f32
    %broadcast_in_dim3A_2113 = vector.broadcast %jit3A_2112 : f32 to vector<16xf32>
    %select_n3A_2114 = arith.select %eq3A_2111, %broadcast_in_dim3A_2113, %neg3A_2108 : vector<16xi1>, vector<16xf32>
    %swap3A_2115 = arith.constant 144 : index
    %swap3A_2116 = tpu.vector_load %arg12[%swap3A_2115] {strides = array<i32>} : memref<256xf32, #tpu.memory_space<vmem>>, vector<16xf32>,
    %swap3A_2117 = vector.shape_cast %swap3A_2116 : vector<16xf32> to vector<16xf32>
    %swap3A_2118 = vector.shape_cast %select_n3A_2114 : vector<16xf32> to vector<16xf32>
    tpu.vector_store %arg12[%swap3A_2115], %swap3A_2118 {strides = array<i32>} : memref<256xf32, #tpu.memory_space<vmem>>, vector<16xf32>,
    %get3A_2119 = arith.constant 160 : index
    %get3A_2120 = tpu.vector_load %arg7[%get3A_2119] {strides = array<i32>} : memref<256xi32, #tpu.memory_space<vmem>>, vector<16xi32>,
    %get3A_2121 = vector.shape_cast %get3A_2120 : vector<16xi32> to vector<16xi32>
    %get3A_2122 = arith.constant 160 : index
    %get3A_2123 = tpu.vector_load %arg6[%get3A_2122] {strides = array<i32>} : memref<256xi32, #tpu.memory_space<vmem>>, vector<16xi32>,
    %get3A_2124 = vector.shape_cast %get3A_2123 : vector<16xi32> to vector<16xi32>
    %get3A_2125 = arith.constant 1 : i32
    %get3A_2126 = arith.index_cast %get3A_2125 : i32 to index
    %get3A_2127 = arith.constant 32 : index
    %get3A_2128 = tpu.vector_load %arg10[%get3A_2126, %get3A_2127] {strides = array<i32>} : memref<2x128xf32, #tpu.memory_space<vmem>>, vector<1x16xf32>,
    %get3A_2129 = vector.shape_cast %get3A_2128 : vector<1x16xf32> to vector<16xf32>
    %get3A_2130 = arith.constant 1 : i32
    %get3A_2131 = arith.index_cast %get3A_2130 : i32 to index
    %get3A_2132 = arith.constant 32 : index
    %get3A_2133 = tpu.vector_load %arg11[%get3A_2131, %get3A_2132] {strides = array<i32>} : memref<2x128xf32, #tpu.memory_space<vmem>>, vector<1x16xf32>,
    %get3A_2134 = vector.shape_cast %get3A_2133 : vector<1x16xf32> to vector<16xf32>
    %eq3A_2135 = arith.constant 0 : i32
    %eq3A_2136 = vector.broadcast %eq3A_2135 : i32 to vector<16xi32>
    %eq3A_2137 = arith.cmpi eq, %get3A_2124, %eq3A_2136 : vector<16xi32>
    %jit3A_2138 = arith.constant 0.000000e+00 : f32
    %broadcast_in_dim3A_2139 = vector.broadcast %jit3A_2138 : f32 to vector<16xf32>
    %select_n3A_2140 = arith.select %eq3A_2137, %broadcast_in_dim3A_2139, %get3A_2134 : vector<16xi1>, vector<16xf32>
    %add3A_2141 = arith.constant 9.99999968E-21 : f32
    %add3A_2142 = vector.broadcast %add3A_2141 : f32 to vector<16xf32>
    %add3A_2143 = arith.addf %select_n3A_2140, %add3A_2142 : vector<16xf32>
    %ne3A_2144 = arith.constant 0 : i32
    %ne3A_2145 = vector.broadcast %ne3A_2144 : i32 to vector<16xi32>
    %ne3A_2146 = arith.cmpi ne, %get3A_2121, %ne3A_2145 : vector<16xi32>
    %or3A_2147 = arith.ori %eq3A_2137, %ne3A_2146 : vector<16xi1>
    %add3A_2148 = arith.addf %add3A_2143, %get3A_2129 : vector<16xf32>
    %select_n3A_2149 = arith.select %or3A_2147, %add3A_2148, %add3A_2143 : vector<16xi1>, vector<16xf32>
    %bitcast_convert_type3A_2150 = tpu.bitcast %select_n3A_2149 : vector<16xf32> -> vector<16xi32>
    %shift_right_arithmetic3A_2151 = arith.constant 23 : i32
    %shift_right_arithmetic3A_2152 = vector.broadcast %shift_right_arithmetic3A_2151 : i32 to vector<16xi32>
    %shift_right_arithmetic3A_2153 = arith.shrsi %bitcast_convert_type3A_2150, %shift_right_arithmetic3A_2152 : vector<16xi32>
    %sub3A_2154 = arith.constant 127 : i32
    %sub3A_2155 = vector.broadcast %sub3A_2154 : i32 to vector<16xi32>
    %sub3A_2156 = arith.subi %shift_right_arithmetic3A_2153, %sub3A_2155 : vector<16xi32>
    %and3A_2157 = arith.constant 8388607 : i32
    %and3A_2158 = vector.broadcast %and3A_2157 : i32 to vector<16xi32>
    %and3A_2159 = arith.andi %bitcast_convert_type3A_2150, %and3A_2158 : vector<16xi32>
    %or3A_2160 = arith.constant 1065353216 : i32
    %or3A_2161 = vector.broadcast %or3A_2160 : i32 to vector<16xi32>
    %or3A_2162 = arith.ori %and3A_2159, %or3A_2161 : vector<16xi32>
    %bitcast_convert_type3A_2163 = tpu.bitcast %or3A_2162 : vector<16xi32> -> vector<16xf32>
    %convert_element_type3A_2164 = arith.sitofp %sub3A_2156 : vector<16xi32> to vector<16xf32>
    %ge3A_2165 = arith.constant 1.41421354 : f32
    %ge3A_2166 = vector.broadcast %ge3A_2165 : f32 to vector<16xf32>
    %ge3A_2167 = arith.cmpf oge, %bitcast_convert_type3A_2163, %ge3A_2166 : vector<16xf32>
    %mul3A_2168 = arith.constant 5.000000e-01 : f32
    %mul3A_2169 = vector.broadcast %mul3A_2168 : f32 to vector<16xf32>
    %mul3A_2170 = arith.mulf %bitcast_convert_type3A_2163, %mul3A_2169 : vector<16xf32>
    %select_n3A_2171 = arith.select %ge3A_2167, %mul3A_2170, %bitcast_convert_type3A_2163 : vector<16xi1>, vector<16xf32>
    %add3A_2172 = arith.constant 1.000000e+00 : f32
    %add3A_2173 = vector.broadcast %add3A_2172 : f32 to vector<16xf32>
    %add3A_2174 = arith.addf %convert_element_type3A_2164, %add3A_2173 : vector<16xf32>
    %select_n3A_2175 = arith.select %ge3A_2167, %add3A_2174, %convert_element_type3A_2164 : vector<16xi1>, vector<16xf32>
    %sub3A_2176 = arith.constant 1.000000e+00 : f32
    %sub3A_2177 = vector.broadcast %sub3A_2176 : f32 to vector<16xf32>
    %sub3A_2178 = arith.subf %select_n3A_2171, %sub3A_2177 : vector<16xf32>
    %add3A_2179 = arith.constant 2.000000e+00 : f32
    %add3A_2180 = vector.broadcast %add3A_2179 : f32 to vector<16xf32>
    %add3A_2181 = arith.addf %add3A_2180, %sub3A_2178 : vector<16xf32>
    %div3A_2182 = arith.divf %sub3A_2178, %add3A_2181 : vector<16xf32>
    %mul3A_2183 = arith.mulf %div3A_2182, %div3A_2182 : vector<16xf32>
    %mul3A_2184 = arith.constant 0.111111112 : f32
    %mul3A_2185 = vector.broadcast %mul3A_2184 : f32 to vector<16xf32>
    %mul3A_2186 = arith.mulf %mul3A_2183, %mul3A_2185 : vector<16xf32>
    %add3A_2187 = arith.constant 0.142857149 : f32
    %add3A_2188 = vector.broadcast %add3A_2187 : f32 to vector<16xf32>
    %add3A_2189 = arith.addf %add3A_2188, %mul3A_2186 : vector<16xf32>
    %mul3A_2190 = arith.mulf %mul3A_2183, %add3A_2189 : vector<16xf32>
    %add3A_2191 = arith.constant 2.000000e-01 : f32
    %add3A_2192 = vector.broadcast %add3A_2191 : f32 to vector<16xf32>
    %add3A_2193 = arith.addf %add3A_2192, %mul3A_2190 : vector<16xf32>
    %mul3A_2194 = arith.mulf %mul3A_2183, %add3A_2193 : vector<16xf32>
    %add3A_2195 = arith.constant 0.333333343 : f32
    %add3A_2196 = vector.broadcast %add3A_2195 : f32 to vector<16xf32>
    %add3A_2197 = arith.addf %add3A_2196, %mul3A_2194 : vector<16xf32>
    %mul3A_2198 = arith.constant 0.693147182 : f32
    %mul3A_2199 = vector.broadcast %mul3A_2198 : f32 to vector<16xf32>
    %mul3A_2200 = arith.mulf %select_n3A_2175, %mul3A_2199 : vector<16xf32>
    %mul3A_2201 = arith.constant 2.000000e+00 : f32
    %mul3A_2202 = vector.broadcast %mul3A_2201 : f32 to vector<16xf32>
    %mul3A_2203 = arith.mulf %mul3A_2202, %div3A_2182 : vector<16xf32>
    %mul3A_2204 = arith.mulf %mul3A_2183, %add3A_2197 : vector<16xf32>
    %add3A_2205 = arith.constant 1.000000e+00 : f32
    %add3A_2206 = vector.broadcast %add3A_2205 : f32 to vector<16xf32>
    %add3A_2207 = arith.addf %add3A_2206, %mul3A_2204 : vector<16xf32>
    %mul3A_2208 = arith.mulf %mul3A_2203, %add3A_2207 : vector<16xf32>
    %add3A_2209 = arith.addf %mul3A_2200, %mul3A_2208 : vector<16xf32>
    %neg3A_2210 = arith.constant 0.000000e+00 : f32
    %neg3A_2211 = vector.broadcast %neg3A_2210 : f32 to vector<16xf32>
    %neg3A_2212 = arith.subf %neg3A_2211, %add3A_2209 : vector<16xf32>
    %eq3A_2213 = arith.constant -100 : i32
    %eq3A_2214 = vector.broadcast %eq3A_2213 : i32 to vector<16xi32>
    %eq3A_2215 = arith.cmpi eq, %get3A_2121, %eq3A_2214 : vector<16xi32>
    %jit3A_2216 = arith.constant 0.000000e+00 : f32
    %broadcast_in_dim3A_2217 = vector.broadcast %jit3A_2216 : f32 to vector<16xf32>
    %select_n3A_2218 = arith.select %eq3A_2215, %broadcast_in_dim3A_2217, %neg3A_2212 : vector<16xi1>, vector<16xf32>
    %swap3A_2219 = arith.constant 160 : index
    %swap3A_2220 = tpu.vector_load %arg12[%swap3A_2219] {strides = array<i32>} : memref<256xf32, #tpu.memory_space<vmem>>, vector<16xf32>,
    %swap3A_2221 = vector.shape_cast %swap3A_2220 : vector<16xf32> to vector<16xf32>
    %swap3A_2222 = vector.shape_cast %select_n3A_2218 : vector<16xf32> to vector<16xf32>
    tpu.vector_store %arg12[%swap3A_2219], %swap3A_2222 {strides = array<i32>} : memref<256xf32, #tpu.memory_space<vmem>>, vector<16xf32>,
    %get3A_2223 = arith.constant 176 : index
    %get3A_2224 = tpu.vector_load %arg7[%get3A_2223] {strides = array<i32>} : memref<256xi32, #tpu.memory_space<vmem>>, vector<16xi32>,
    %get3A_2225 = vector.shape_cast %get3A_2224 : vector<16xi32> to vector<16xi32>
    %get3A_2226 = arith.constant 176 : index
    %get3A_2227 = tpu.vector_load %arg6[%get3A_2226] {strides = array<i32>} : memref<256xi32, #tpu.memory_space<vmem>>, vector<16xi32>,
    %get3A_2228 = vector.shape_cast %get3A_2227 : vector<16xi32> to vector<16xi32>
    %get3A_2229 = arith.constant 1 : i32
    %get3A_2230 = arith.index_cast %get3A_2229 : i32 to index
    %get3A_2231 = arith.constant 48 : index
    %get3A_2232 = tpu.vector_load %arg10[%get3A_2230, %get3A_2231] {strides = array<i32>} : memref<2x128xf32, #tpu.memory_space<vmem>>, vector<1x16xf32>,
    %get3A_2233 = vector.shape_cast %get3A_2232 : vector<1x16xf32> to vector<16xf32>
    %get3A_2234 = arith.constant 1 : i32
    %get3A_2235 = arith.index_cast %get3A_2234 : i32 to index
    %get3A_2236 = arith.constant 48 : index
    %get3A_2237 = tpu.vector_load %arg11[%get3A_2235, %get3A_2236] {strides = array<i32>} : memref<2x128xf32, #tpu.memory_space<vmem>>, vector<1x16xf32>,
    %get3A_2238 = vector.shape_cast %get3A_2237 : vector<1x16xf32> to vector<16xf32>
    %eq3A_2239 = arith.constant 0 : i32
    %eq3A_2240 = vector.broadcast %eq3A_2239 : i32 to vector<16xi32>
    %eq3A_2241 = arith.cmpi eq, %get3A_2228, %eq3A_2240 : vector<16xi32>
    %jit3A_2242 = arith.constant 0.000000e+00 : f32
    %broadcast_in_dim3A_2243 = vector.broadcast %jit3A_2242 : f32 to vector<16xf32>
    %select_n3A_2244 = arith.select %eq3A_2241, %broadcast_in_dim3A_2243, %get3A_2238 : vector<16xi1>, vector<16xf32>
    %add3A_2245 = arith.constant 9.99999968E-21 : f32
    %add3A_2246 = vector.broadcast %add3A_2245 : f32 to vector<16xf32>
    %add3A_2247 = arith.addf %select_n3A_2244, %add3A_2246 : vector<16xf32>
    %ne3A_2248 = arith.constant 0 : i32
    %ne3A_2249 = vector.broadcast %ne3A_2248 : i32 to vector<16xi32>
    %ne3A_2250 = arith.cmpi ne, %get3A_2225, %ne3A_2249 : vector<16xi32>
    %or3A_2251 = arith.ori %eq3A_2241, %ne3A_2250 : vector<16xi1>
    %add3A_2252 = arith.addf %add3A_2247, %get3A_2233 : vector<16xf32>
    %select_n3A_2253 = arith.select %or3A_2251, %add3A_2252, %add3A_2247 : vector<16xi1>, vector<16xf32>
    %bitcast_convert_type3A_2254 = tpu.bitcast %select_n3A_2253 : vector<16xf32> -> vector<16xi32>
    %shift_right_arithmetic3A_2255 = arith.constant 23 : i32
    %shift_right_arithmetic3A_2256 = vector.broadcast %shift_right_arithmetic3A_2255 : i32 to vector<16xi32>
    %shift_right_arithmetic3A_2257 = arith.shrsi %bitcast_convert_type3A_2254, %shift_right_arithmetic3A_2256 : vector<16xi32>
    %sub3A_2258 = arith.constant 127 : i32
    %sub3A_2259 = vector.broadcast %sub3A_2258 : i32 to vector<16xi32>
    %sub3A_2260 = arith.subi %shift_right_arithmetic3A_2257, %sub3A_2259 : vector<16xi32>
    %and3A_2261 = arith.constant 8388607 : i32
    %and3A_2262 = vector.broadcast %and3A_2261 : i32 to vector<16xi32>
    %and3A_2263 = arith.andi %bitcast_convert_type3A_2254, %and3A_2262 : vector<16xi32>
    %or3A_2264 = arith.constant 1065353216 : i32
    %or3A_2265 = vector.broadcast %or3A_2264 : i32 to vector<16xi32>
    %or3A_2266 = arith.ori %and3A_2263, %or3A_2265 : vector<16xi32>
    %bitcast_convert_type3A_2267 = tpu.bitcast %or3A_2266 : vector<16xi32> -> vector<16xf32>
    %convert_element_type3A_2268 = arith.sitofp %sub3A_2260 : vector<16xi32> to vector<16xf32>
    %ge3A_2269 = arith.constant 1.41421354 : f32
    %ge3A_2270 = vector.broadcast %ge3A_2269 : f32 to vector<16xf32>
    %ge3A_2271 = arith.cmpf oge, %bitcast_convert_type3A_2267, %ge3A_2270 : vector<16xf32>
    %mul3A_2272 = arith.constant 5.000000e-01 : f32
    %mul3A_2273 = vector.broadcast %mul3A_2272 : f32 to vector<16xf32>
    %mul3A_2274 = arith.mulf %bitcast_convert_type3A_2267, %mul3A_2273 : vector<16xf32>
    %select_n3A_2275 = arith.select %ge3A_2271, %mul3A_2274, %bitcast_convert_type3A_2267 : vector<16xi1>, vector<16xf32>
    %add3A_2276 = arith.constant 1.000000e+00 : f32
    %add3A_2277 = vector.broadcast %add3A_2276 : f32 to vector<16xf32>
    %add3A_2278 = arith.addf %convert_element_type3A_2268, %add3A_2277 : vector<16xf32>
    %select_n3A_2279 = arith.select %ge3A_2271, %add3A_2278, %convert_element_type3A_2268 : vector<16xi1>, vector<16xf32>
    %sub3A_2280 = arith.constant 1.000000e+00 : f32
    %sub3A_2281 = vector.broadcast %sub3A_2280 : f32 to vector<16xf32>
    %sub3A_2282 = arith.subf %select_n3A_2275, %sub3A_2281 : vector<16xf32>
    %add3A_2283 = arith.constant 2.000000e+00 : f32
    %add3A_2284 = vector.broadcast %add3A_2283 : f32 to vector<16xf32>
    %add3A_2285 = arith.addf %add3A_2284, %sub3A_2282 : vector<16xf32>
    %div3A_2286 = arith.divf %sub3A_2282, %add3A_2285 : vector<16xf32>
    %mul3A_2287 = arith.mulf %div3A_2286, %div3A_2286 : vector<16xf32>
    %mul3A_2288 = arith.constant 0.111111112 : f32
    %mul3A_2289 = vector.broadcast %mul3A_2288 : f32 to vector<16xf32>
    %mul3A_2290 = arith.mulf %mul3A_2287, %mul3A_2289 : vector<16xf32>
    %add3A_2291 = arith.constant 0.142857149 : f32
    %add3A_2292 = vector.broadcast %add3A_2291 : f32 to vector<16xf32>
    %add3A_2293 = arith.addf %add3A_2292, %mul3A_2290 : vector<16xf32>
    %mul3A_2294 = arith.mulf %mul3A_2287, %add3A_2293 : vector<16xf32>
    %add3A_2295 = arith.constant 2.000000e-01 : f32
    %add3A_2296 = vector.broadcast %add3A_2295 : f32 to vector<16xf32>
    %add3A_2297 = arith.addf %add3A_2296, %mul3A_2294 : vector<16xf32>
    %mul3A_2298 = arith.mulf %mul3A_2287, %add3A_2297 : vector<16xf32>
    %add3A_2299 = arith.constant 0.333333343 : f32
    %add3A_2300 = vector.broadcast %add3A_2299 : f32 to vector<16xf32>
    %add3A_2301 = arith.addf %add3A_2300, %mul3A_2298 : vector<16xf32>
    %mul3A_2302 = arith.constant 0.693147182 : f32
    %mul3A_2303 = vector.broadcast %mul3A_2302 : f32 to vector<16xf32>
    %mul3A_2304 = arith.mulf %select_n3A_2279, %mul3A_2303 : vector<16xf32>
    %mul3A_2305 = arith.constant 2.000000e+00 : f32
    %mul3A_2306 = vector.broadcast %mul3A_2305 : f32 to vector<16xf32>
    %mul3A_2307 = arith.mulf %mul3A_2306, %div3A_2286 : vector<16xf32>
    %mul3A_2308 = arith.mulf %mul3A_2287, %add3A_2301 : vector<16xf32>
    %add3A_2309 = arith.constant 1.000000e+00 : f32
    %add3A_2310 = vector.broadcast %add3A_2309 : f32 to vector<16xf32>
    %add3A_2311 = arith.addf %add3A_2310, %mul3A_2308 : vector<16xf32>
    %mul3A_2312 = arith.mulf %mul3A_2307, %add3A_2311 : vector<16xf32>
    %add3A_2313 = arith.addf %mul3A_2304, %mul3A_2312 : vector<16xf32>
    %neg3A_2314 = arith.constant 0.000000e+00 : f32
    %neg3A_2315 = vector.broadcast %neg3A_2314 : f32 to vector<16xf32>
    %neg3A_2316 = arith.subf %neg3A_2315, %add3A_2313 : vector<16xf32>
    %eq3A_2317 = arith.constant -100 : i32
    %eq3A_2318 = vector.broadcast %eq3A_2317 : i32 to vector<16xi32>
    %eq3A_2319 = arith.cmpi eq, %get3A_2225, %eq3A_2318 : vector<16xi32>
    %jit3A_2320 = arith.constant 0.000000e+00 : f32
    %broadcast_in_dim3A_2321 = vector.broadcast %jit3A_2320 : f32 to vector<16xf32>
    %select_n3A_2322 = arith.select %eq3A_2319, %broadcast_in_dim3A_2321, %neg3A_2316 : vector<16xi1>, vector<16xf32>
    %swap3A_2323 = arith.constant 176 : index
    %swap3A_2324 = tpu.vector_load %arg12[%swap3A_2323] {strides = array<i32>} : memref<256xf32, #tpu.memory_space<vmem>>, vector<16xf32>,
    %swap3A_2325 = vector.shape_cast %swap3A_2324 : vector<16xf32> to vector<16xf32>
    %swap3A_2326 = vector.shape_cast %select_n3A_2322 : vector<16xf32> to vector<16xf32>
    tpu.vector_store %arg12[%swap3A_2323], %swap3A_2326 {strides = array<i32>} : memref<256xf32, #tpu.memory_space<vmem>>, vector<16xf32>,
    %get3A_2327 = arith.constant 192 : index
    %get3A_2328 = tpu.vector_load %arg7[%get3A_2327] {strides = array<i32>} : memref<256xi32, #tpu.memory_space<vmem>>, vector<16xi32>,
    %get3A_2329 = vector.shape_cast %get3A_2328 : vector<16xi32> to vector<16xi32>
    %get3A_2330 = arith.constant 192 : index
    %get3A_2331 = tpu.vector_load %arg6[%get3A_2330] {strides = array<i32>} : memref<256xi32, #tpu.memory_space<vmem>>, vector<16xi32>,
    %get3A_2332 = vector.shape_cast %get3A_2331 : vector<16xi32> to vector<16xi32>
    %get3A_2333 = arith.constant 1 : i32
    %get3A_2334 = arith.index_cast %get3A_2333 : i32 to index
    %get3A_2335 = arith.constant 64 : index
    %get3A_2336 = tpu.vector_load %arg10[%get3A_2334, %get3A_2335] {strides = array<i32>} : memref<2x128xf32, #tpu.memory_space<vmem>>, vector<1x16xf32>,
    %get3A_2337 = vector.shape_cast %get3A_2336 : vector<1x16xf32> to vector<16xf32>
    %get3A_2338 = arith.constant 1 : i32
    %get3A_2339 = arith.index_cast %get3A_2338 : i32 to index
    %get3A_2340 = arith.constant 64 : index
    %get3A_2341 = tpu.vector_load %arg11[%get3A_2339, %get3A_2340] {strides = array<i32>} : memref<2x128xf32, #tpu.memory_space<vmem>>, vector<1x16xf32>,
    %get3A_2342 = vector.shape_cast %get3A_2341 : vector<1x16xf32> to vector<16xf32>
    %eq3A_2343 = arith.constant 0 : i32
    %eq3A_2344 = vector.broadcast %eq3A_2343 : i32 to vector<16xi32>
    %eq3A_2345 = arith.cmpi eq, %get3A_2332, %eq3A_2344 : vector<16xi32>
    %jit3A_2346 = arith.constant 0.000000e+00 : f32
    %broadcast_in_dim3A_2347 = vector.broadcast %jit3A_2346 : f32 to vector<16xf32>
    %select_n3A_2348 = arith.select %eq3A_2345, %broadcast_in_dim3A_2347, %get3A_2342 : vector<16xi1>, vector<16xf32>
    %add3A_2349 = arith.constant 9.99999968E-21 : f32
    %add3A_2350 = vector.broadcast %add3A_2349 : f32 to vector<16xf32>
    %add3A_2351 = arith.addf %select_n3A_2348, %add3A_2350 : vector<16xf32>
    %ne3A_2352 = arith.constant 0 : i32
    %ne3A_2353 = vector.broadcast %ne3A_2352 : i32 to vector<16xi32>
    %ne3A_2354 = arith.cmpi ne, %get3A_2329, %ne3A_2353 : vector<16xi32>
    %or3A_2355 = arith.ori %eq3A_2345, %ne3A_2354 : vector<16xi1>
    %add3A_2356 = arith.addf %add3A_2351, %get3A_2337 : vector<16xf32>
    %select_n3A_2357 = arith.select %or3A_2355, %add3A_2356, %add3A_2351 : vector<16xi1>, vector<16xf32>
    %bitcast_convert_type3A_2358 = tpu.bitcast %select_n3A_2357 : vector<16xf32> -> vector<16xi32>
    %shift_right_arithmetic3A_2359 = arith.constant 23 : i32
    %shift_right_arithmetic3A_2360 = vector.broadcast %shift_right_arithmetic3A_2359 : i32 to vector<16xi32>
    %shift_right_arithmetic3A_2361 = arith.shrsi %bitcast_convert_type3A_2358, %shift_right_arithmetic3A_2360 : vector<16xi32>
    %sub3A_2362 = arith.constant 127 : i32
    %sub3A_2363 = vector.broadcast %sub3A_2362 : i32 to vector<16xi32>
    %sub3A_2364 = arith.subi %shift_right_arithmetic3A_2361, %sub3A_2363 : vector<16xi32>
    %and3A_2365 = arith.constant 8388607 : i32
    %and3A_2366 = vector.broadcast %and3A_2365 : i32 to vector<16xi32>
    %and3A_2367 = arith.andi %bitcast_convert_type3A_2358, %and3A_2366 : vector<16xi32>
    %or3A_2368 = arith.constant 1065353216 : i32
    %or3A_2369 = vector.broadcast %or3A_2368 : i32 to vector<16xi32>
    %or3A_2370 = arith.ori %and3A_2367, %or3A_2369 : vector<16xi32>
    %bitcast_convert_type3A_2371 = tpu.bitcast %or3A_2370 : vector<16xi32> -> vector<16xf32>
    %convert_element_type3A_2372 = arith.sitofp %sub3A_2364 : vector<16xi32> to vector<16xf32>
    %ge3A_2373 = arith.constant 1.41421354 : f32
    %ge3A_2374 = vector.broadcast %ge3A_2373 : f32 to vector<16xf32>
    %ge3A_2375 = arith.cmpf oge, %bitcast_convert_type3A_2371, %ge3A_2374 : vector<16xf32>
    %mul3A_2376 = arith.constant 5.000000e-01 : f32
    %mul3A_2377 = vector.broadcast %mul3A_2376 : f32 to vector<16xf32>
    %mul3A_2378 = arith.mulf %bitcast_convert_type3A_2371, %mul3A_2377 : vector<16xf32>
    %select_n3A_2379 = arith.select %ge3A_2375, %mul3A_2378, %bitcast_convert_type3A_2371 : vector<16xi1>, vector<16xf32>
    %add3A_2380 = arith.constant 1.000000e+00 : f32
    %add3A_2381 = vector.broadcast %add3A_2380 : f32 to vector<16xf32>
    %add3A_2382 = arith.addf %convert_element_type3A_2372, %add3A_2381 : vector<16xf32>
    %select_n3A_2383 = arith.select %ge3A_2375, %add3A_2382, %convert_element_type3A_2372 : vector<16xi1>, vector<16xf32>
    %sub3A_2384 = arith.constant 1.000000e+00 : f32
    %sub3A_2385 = vector.broadcast %sub3A_2384 : f32 to vector<16xf32>
    %sub3A_2386 = arith.subf %select_n3A_2379, %sub3A_2385 : vector<16xf32>
    %add3A_2387 = arith.constant 2.000000e+00 : f32
    %add3A_2388 = vector.broadcast %add3A_2387 : f32 to vector<16xf32>
    %add3A_2389 = arith.addf %add3A_2388, %sub3A_2386 : vector<16xf32>
    %div3A_2390 = arith.divf %sub3A_2386, %add3A_2389 : vector<16xf32>
    %mul3A_2391 = arith.mulf %div3A_2390, %div3A_2390 : vector<16xf32>
    %mul3A_2392 = arith.constant 0.111111112 : f32
    %mul3A_2393 = vector.broadcast %mul3A_2392 : f32 to vector<16xf32>
    %mul3A_2394 = arith.mulf %mul3A_2391, %mul3A_2393 : vector<16xf32>
    %add3A_2395 = arith.constant 0.142857149 : f32
    %add3A_2396 = vector.broadcast %add3A_2395 : f32 to vector<16xf32>
    %add3A_2397 = arith.addf %add3A_2396, %mul3A_2394 : vector<16xf32>
    %mul3A_2398 = arith.mulf %mul3A_2391, %add3A_2397 : vector<16xf32>
    %add3A_2399 = arith.constant 2.000000e-01 : f32
    %add3A_2400 = vector.broadcast %add3A_2399 : f32 to vector<16xf32>
    %add3A_2401 = arith.addf %add3A_2400, %mul3A_2398 : vector<16xf32>
    %mul3A_2402 = arith.mulf %mul3A_2391, %add3A_2401 : vector<16xf32>
    %add3A_2403 = arith.constant 0.333333343 : f32
    %add3A_2404 = vector.broadcast %add3A_2403 : f32 to vector<16xf32>
    %add3A_2405 = arith.addf %add3A_2404, %mul3A_2402 : vector<16xf32>
    %mul3A_2406 = arith.constant 0.693147182 : f32
    %mul3A_2407 = vector.broadcast %mul3A_2406 : f32 to vector<16xf32>
    %mul3A_2408 = arith.mulf %select_n3A_2383, %mul3A_2407 : vector<16xf32>
    %mul3A_2409 = arith.constant 2.000000e+00 : f32
    %mul3A_2410 = vector.broadcast %mul3A_2409 : f32 to vector<16xf32>
    %mul3A_2411 = arith.mulf %mul3A_2410, %div3A_2390 : vector<16xf32>
    %mul3A_2412 = arith.mulf %mul3A_2391, %add3A_2405 : vector<16xf32>
    %add3A_2413 = arith.constant 1.000000e+00 : f32
    %add3A_2414 = vector.broadcast %add3A_2413 : f32 to vector<16xf32>
    %add3A_2415 = arith.addf %add3A_2414, %mul3A_2412 : vector<16xf32>
    %mul3A_2416 = arith.mulf %mul3A_2411, %add3A_2415 : vector<16xf32>
    %add3A_2417 = arith.addf %mul3A_2408, %mul3A_2416 : vector<16xf32>
    %neg3A_2418 = arith.constant 0.000000e+00 : f32
    %neg3A_2419 = vector.broadcast %neg3A_2418 : f32 to vector<16xf32>
    %neg3A_2420 = arith.subf %neg3A_2419, %add3A_2417 : vector<16xf32>
    %eq3A_2421 = arith.constant -100 : i32
    %eq3A_2422 = vector.broadcast %eq3A_2421 : i32 to vector<16xi32>
    %eq3A_2423 = arith.cmpi eq, %get3A_2329, %eq3A_2422 : vector<16xi32>
    %jit3A_2424 = arith.constant 0.000000e+00 : f32
    %broadcast_in_dim3A_2425 = vector.broadcast %jit3A_2424 : f32 to vector<16xf32>
    %select_n3A_2426 = arith.select %eq3A_2423, %broadcast_in_dim3A_2425, %neg3A_2420 : vector<16xi1>, vector<16xf32>
    %swap3A_2427 = arith.constant 192 : index
    %swap3A_2428 = tpu.vector_load %arg12[%swap3A_2427] {strides = array<i32>} : memref<256xf32, #tpu.memory_space<vmem>>, vector<16xf32>,
    %swap3A_2429 = vector.shape_cast %swap3A_2428 : vector<16xf32> to vector<16xf32>
    %swap3A_2430 = vector.shape_cast %select_n3A_2426 : vector<16xf32> to vector<16xf32>
    tpu.vector_store %arg12[%swap3A_2427], %swap3A_2430 {strides = array<i32>} : memref<256xf32, #tpu.memory_space<vmem>>, vector<16xf32>,
    %get3A_2431 = arith.constant 208 : index
    %get3A_2432 = tpu.vector_load %arg7[%get3A_2431] {strides = array<i32>} : memref<256xi32, #tpu.memory_space<vmem>>, vector<16xi32>,
    %get3A_2433 = vector.shape_cast %get3A_2432 : vector<16xi32> to vector<16xi32>
    %get3A_2434 = arith.constant 208 : index
    %get3A_2435 = tpu.vector_load %arg6[%get3A_2434] {strides = array<i32>} : memref<256xi32, #tpu.memory_space<vmem>>, vector<16xi32>,
    %get3A_2436 = vector.shape_cast %get3A_2435 : vector<16xi32> to vector<16xi32>
    %get3A_2437 = arith.constant 1 : i32
    %get3A_2438 = arith.index_cast %get3A_2437 : i32 to index
    %get3A_2439 = arith.constant 80 : index
    %get3A_2440 = tpu.vector_load %arg10[%get3A_2438, %get3A_2439] {strides = array<i32>} : memref<2x128xf32, #tpu.memory_space<vmem>>, vector<1x16xf32>,
    %get3A_2441 = vector.shape_cast %get3A_2440 : vector<1x16xf32> to vector<16xf32>
    %get3A_2442 = arith.constant 1 : i32
    %get3A_2443 = arith.index_cast %get3A_2442 : i32 to index
    %get3A_2444 = arith.constant 80 : index
    %get3A_2445 = tpu.vector_load %arg11[%get3A_2443, %get3A_2444] {strides = array<i32>} : memref<2x128xf32, #tpu.memory_space<vmem>>, vector<1x16xf32>,
    %get3A_2446 = vector.shape_cast %get3A_2445 : vector<1x16xf32> to vector<16xf32>
    %eq3A_2447 = arith.constant 0 : i32
    %eq3A_2448 = vector.broadcast %eq3A_2447 : i32 to vector<16xi32>
    %eq3A_2449 = arith.cmpi eq, %get3A_2436, %eq3A_2448 : vector<16xi32>
    %jit3A_2450 = arith.constant 0.000000e+00 : f32
    %broadcast_in_dim3A_2451 = vector.broadcast %jit3A_2450 : f32 to vector<16xf32>
    %select_n3A_2452 = arith.select %eq3A_2449, %broadcast_in_dim3A_2451, %get3A_2446 : vector<16xi1>, vector<16xf32>
    %add3A_2453 = arith.constant 9.99999968E-21 : f32
    %add3A_2454 = vector.broadcast %add3A_2453 : f32 to vector<16xf32>
    %add3A_2455 = arith.addf %select_n3A_2452, %add3A_2454 : vector<16xf32>
    %ne3A_2456 = arith.constant 0 : i32
    %ne3A_2457 = vector.broadcast %ne3A_2456 : i32 to vector<16xi32>
    %ne3A_2458 = arith.cmpi ne, %get3A_2433, %ne3A_2457 : vector<16xi32>
    %or3A_2459 = arith.ori %eq3A_2449, %ne3A_2458 : vector<16xi1>
    %add3A_2460 = arith.addf %add3A_2455, %get3A_2441 : vector<16xf32>
    %select_n3A_2461 = arith.select %or3A_2459, %add3A_2460, %add3A_2455 : vector<16xi1>, vector<16xf32>
    %bitcast_convert_type3A_2462 = tpu.bitcast %select_n3A_2461 : vector<16xf32> -> vector<16xi32>
    %shift_right_arithmetic3A_2463 = arith.constant 23 : i32
    %shift_right_arithmetic3A_2464 = vector.broadcast %shift_right_arithmetic3A_2463 : i32 to vector<16xi32>
    %shift_right_arithmetic3A_2465 = arith.shrsi %bitcast_convert_type3A_2462, %shift_right_arithmetic3A_2464 : vector<16xi32>
    %sub3A_2466 = arith.constant 127 : i32
    %sub3A_2467 = vector.broadcast %sub3A_2466 : i32 to vector<16xi32>
    %sub3A_2468 = arith.subi %shift_right_arithmetic3A_2465, %sub3A_2467 : vector<16xi32>
    %and3A_2469 = arith.constant 8388607 : i32
    %and3A_2470 = vector.broadcast %and3A_2469 : i32 to vector<16xi32>
    %and3A_2471 = arith.andi %bitcast_convert_type3A_2462, %and3A_2470 : vector<16xi32>
    %or3A_2472 = arith.constant 1065353216 : i32
    %or3A_2473 = vector.broadcast %or3A_2472 : i32 to vector<16xi32>
    %or3A_2474 = arith.ori %and3A_2471, %or3A_2473 : vector<16xi32>
    %bitcast_convert_type3A_2475 = tpu.bitcast %or3A_2474 : vector<16xi32> -> vector<16xf32>
    %convert_element_type3A_2476 = arith.sitofp %sub3A_2468 : vector<16xi32> to vector<16xf32>
    %ge3A_2477 = arith.constant 1.41421354 : f32
    %ge3A_2478 = vector.broadcast %ge3A_2477 : f32 to vector<16xf32>
    %ge3A_2479 = arith.cmpf oge, %bitcast_convert_type3A_2475, %ge3A_2478 : vector<16xf32>
    %mul3A_2480 = arith.constant 5.000000e-01 : f32
    %mul3A_2481 = vector.broadcast %mul3A_2480 : f32 to vector<16xf32>
    %mul3A_2482 = arith.mulf %bitcast_convert_type3A_2475, %mul3A_2481 : vector<16xf32>
    %select_n3A_2483 = arith.select %ge3A_2479, %mul3A_2482, %bitcast_convert_type3A_2475 : vector<16xi1>, vector<16xf32>
    %add3A_2484 = arith.constant 1.000000e+00 : f32
    %add3A_2485 = vector.broadcast %add3A_2484 : f32 to vector<16xf32>
    %add3A_2486 = arith.addf %convert_element_type3A_2476, %add3A_2485 : vector<16xf32>
    %select_n3A_2487 = arith.select %ge3A_2479, %add3A_2486, %convert_element_type3A_2476 : vector<16xi1>, vector<16xf32>
    %sub3A_2488 = arith.constant 1.000000e+00 : f32
    %sub3A_2489 = vector.broadcast %sub3A_2488 : f32 to vector<16xf32>
    %sub3A_2490 = arith.subf %select_n3A_2483, %sub3A_2489 : vector<16xf32>
    %add3A_2491 = arith.constant 2.000000e+00 : f32
    %add3A_2492 = vector.broadcast %add3A_2491 : f32 to vector<16xf32>
    %add3A_2493 = arith.addf %add3A_2492, %sub3A_2490 : vector<16xf32>
    %div3A_2494 = arith.divf %sub3A_2490, %add3A_2493 : vector<16xf32>
    %mul3A_2495 = arith.mulf %div3A_2494, %div3A_2494 : vector<16xf32>
    %mul3A_2496 = arith.constant 0.111111112 : f32
    %mul3A_2497 = vector.broadcast %mul3A_2496 : f32 to vector<16xf32>
    %mul3A_2498 = arith.mulf %mul3A_2495, %mul3A_2497 : vector<16xf32>
    %add3A_2499 = arith.constant 0.142857149 : f32
    %add3A_2500 = vector.broadcast %add3A_2499 : f32 to vector<16xf32>
    %add3A_2501 = arith.addf %add3A_2500, %mul3A_2498 : vector<16xf32>
    %mul3A_2502 = arith.mulf %mul3A_2495, %add3A_2501 : vector<16xf32>
    %add3A_2503 = arith.constant 2.000000e-01 : f32
    %add3A_2504 = vector.broadcast %add3A_2503 : f32 to vector<16xf32>
    %add3A_2505 = arith.addf %add3A_2504, %mul3A_2502 : vector<16xf32>
    %mul3A_2506 = arith.mulf %mul3A_2495, %add3A_2505 : vector<16xf32>
    %add3A_2507 = arith.constant 0.333333343 : f32
    %add3A_2508 = vector.broadcast %add3A_2507 : f32 to vector<16xf32>
    %add3A_2509 = arith.addf %add3A_2508, %mul3A_2506 : vector<16xf32>
    %mul3A_2510 = arith.constant 0.693147182 : f32
    %mul3A_2511 = vector.broadcast %mul3A_2510 : f32 to vector<16xf32>
    %mul3A_2512 = arith.mulf %select_n3A_2487, %mul3A_2511 : vector<16xf32>
    %mul3A_2513 = arith.constant 2.000000e+00 : f32
    %mul3A_2514 = vector.broadcast %mul3A_2513 : f32 to vector<16xf32>
    %mul3A_2515 = arith.mulf %mul3A_2514, %div3A_2494 : vector<16xf32>
    %mul3A_2516 = arith.mulf %mul3A_2495, %add3A_2509 : vector<16xf32>
    %add3A_2517 = arith.constant 1.000000e+00 : f32
    %add3A_2518 = vector.broadcast %add3A_2517 : f32 to vector<16xf32>
    %add3A_2519 = arith.addf %add3A_2518, %mul3A_2516 : vector<16xf32>
    %mul3A_2520 = arith.mulf %mul3A_2515, %add3A_2519 : vector<16xf32>
    %add3A_2521 = arith.addf %mul3A_2512, %mul3A_2520 : vector<16xf32>
    %neg3A_2522 = arith.constant 0.000000e+00 : f32
    %neg3A_2523 = vector.broadcast %neg3A_2522 : f32 to vector<16xf32>
    %neg3A_2524 = arith.subf %neg3A_2523, %add3A_2521 : vector<16xf32>
    %eq3A_2525 = arith.constant -100 : i32
    %eq3A_2526 = vector.broadcast %eq3A_2525 : i32 to vector<16xi32>
    %eq3A_2527 = arith.cmpi eq, %get3A_2433, %eq3A_2526 : vector<16xi32>
    %jit3A_2528 = arith.constant 0.000000e+00 : f32
    %broadcast_in_dim3A_2529 = vector.broadcast %jit3A_2528 : f32 to vector<16xf32>
    %select_n3A_2530 = arith.select %eq3A_2527, %broadcast_in_dim3A_2529, %neg3A_2524 : vector<16xi1>, vector<16xf32>
    %swap3A_2531 = arith.constant 208 : index
    %swap3A_2532 = tpu.vector_load %arg12[%swap3A_2531] {strides = array<i32>} : memref<256xf32, #tpu.memory_space<vmem>>, vector<16xf32>,
    %swap3A_2533 = vector.shape_cast %swap3A_2532 : vector<16xf32> to vector<16xf32>
    %swap3A_2534 = vector.shape_cast %select_n3A_2530 : vector<16xf32> to vector<16xf32>
    tpu.vector_store %arg12[%swap3A_2531], %swap3A_2534 {strides = array<i32>} : memref<256xf32, #tpu.memory_space<vmem>>, vector<16xf32>,
    %get3A_2535 = arith.constant 224 : index
    %get3A_2536 = tpu.vector_load %arg7[%get3A_2535] {strides = array<i32>} : memref<256xi32, #tpu.memory_space<vmem>>, vector<16xi32>,
    %get3A_2537 = vector.shape_cast %get3A_2536 : vector<16xi32> to vector<16xi32>
    %get3A_2538 = arith.constant 224 : index
    %get3A_2539 = tpu.vector_load %arg6[%get3A_2538] {strides = array<i32>} : memref<256xi32, #tpu.memory_space<vmem>>, vector<16xi32>,
    %get3A_2540 = vector.shape_cast %get3A_2539 : vector<16xi32> to vector<16xi32>
    %get3A_2541 = arith.constant 1 : i32
    %get3A_2542 = arith.index_cast %get3A_2541 : i32 to index
    %get3A_2543 = arith.constant 96 : index
    %get3A_2544 = tpu.vector_load %arg10[%get3A_2542, %get3A_2543] {strides = array<i32>} : memref<2x128xf32, #tpu.memory_space<vmem>>, vector<1x16xf32>,
    %get3A_2545 = vector.shape_cast %get3A_2544 : vector<1x16xf32> to vector<16xf32>
    %get3A_2546 = arith.constant 1 : i32
    %get3A_2547 = arith.index_cast %get3A_2546 : i32 to index
    %get3A_2548 = arith.constant 96 : index
    %get3A_2549 = tpu.vector_load %arg11[%get3A_2547, %get3A_2548] {strides = array<i32>} : memref<2x128xf32, #tpu.memory_space<vmem>>, vector<1x16xf32>,
    %get3A_2550 = vector.shape_cast %get3A_2549 : vector<1x16xf32> to vector<16xf32>
    %eq3A_2551 = arith.constant 0 : i32
    %eq3A_2552 = vector.broadcast %eq3A_2551 : i32 to vector<16xi32>
    %eq3A_2553 = arith.cmpi eq, %get3A_2540, %eq3A_2552 : vector<16xi32>
    %jit3A_2554 = arith.constant 0.000000e+00 : f32
    %broadcast_in_dim3A_2555 = vector.broadcast %jit3A_2554 : f32 to vector<16xf32>
    %select_n3A_2556 = arith.select %eq3A_2553, %broadcast_in_dim3A_2555, %get3A_2550 : vector<16xi1>, vector<16xf32>
    %add3A_2557 = arith.constant 9.99999968E-21 : f32
    %add3A_2558 = vector.broadcast %add3A_2557 : f32 to vector<16xf32>
    %add3A_2559 = arith.addf %select_n3A_2556, %add3A_2558 : vector<16xf32>
    %ne3A_2560 = arith.constant 0 : i32
    %ne3A_2561 = vector.broadcast %ne3A_2560 : i32 to vector<16xi32>
    %ne3A_2562 = arith.cmpi ne, %get3A_2537, %ne3A_2561 : vector<16xi32>
    %or3A_2563 = arith.ori %eq3A_2553, %ne3A_2562 : vector<16xi1>
    %add3A_2564 = arith.addf %add3A_2559, %get3A_2545 : vector<16xf32>
    %select_n3A_2565 = arith.select %or3A_2563, %add3A_2564, %add3A_2559 : vector<16xi1>, vector<16xf32>
    %bitcast_convert_type3A_2566 = tpu.bitcast %select_n3A_2565 : vector<16xf32> -> vector<16xi32>
    %shift_right_arithmetic3A_2567 = arith.constant 23 : i32
    %shift_right_arithmetic3A_2568 = vector.broadcast %shift_right_arithmetic3A_2567 : i32 to vector<16xi32>
    %shift_right_arithmetic3A_2569 = arith.shrsi %bitcast_convert_type3A_2566, %shift_right_arithmetic3A_2568 : vector<16xi32>
    %sub3A_2570 = arith.constant 127 : i32
    %sub3A_2571 = vector.broadcast %sub3A_2570 : i32 to vector<16xi32>
    %sub3A_2572 = arith.subi %shift_right_arithmetic3A_2569, %sub3A_2571 : vector<16xi32>
    %and3A_2573 = arith.constant 8388607 : i32
    %and3A_2574 = vector.broadcast %and3A_2573 : i32 to vector<16xi32>
    %and3A_2575 = arith.andi %bitcast_convert_type3A_2566, %and3A_2574 : vector<16xi32>
    %or3A_2576 = arith.constant 1065353216 : i32
    %or3A_2577 = vector.broadcast %or3A_2576 : i32 to vector<16xi32>
    %or3A_2578 = arith.ori %and3A_2575, %or3A_2577 : vector<16xi32>
    %bitcast_convert_type3A_2579 = tpu.bitcast %or3A_2578 : vector<16xi32> -> vector<16xf32>
    %convert_element_type3A_2580 = arith.sitofp %sub3A_2572 : vector<16xi32> to vector<16xf32>
    %ge3A_2581 = arith.constant 1.41421354 : f32
    %ge3A_2582 = vector.broadcast %ge3A_2581 : f32 to vector<16xf32>
    %ge3A_2583 = arith.cmpf oge, %bitcast_convert_type3A_2579, %ge3A_2582 : vector<16xf32>
    %mul3A_2584 = arith.constant 5.000000e-01 : f32
    %mul3A_2585 = vector.broadcast %mul3A_2584 : f32 to vector<16xf32>
    %mul3A_2586 = arith.mulf %bitcast_convert_type3A_2579, %mul3A_2585 : vector<16xf32>
    %select_n3A_2587 = arith.select %ge3A_2583, %mul3A_2586, %bitcast_convert_type3A_2579 : vector<16xi1>, vector<16xf32>
    %add3A_2588 = arith.constant 1.000000e+00 : f32
    %add3A_2589 = vector.broadcast %add3A_2588 : f32 to vector<16xf32>
    %add3A_2590 = arith.addf %convert_element_type3A_2580, %add3A_2589 : vector<16xf32>
    %select_n3A_2591 = arith.select %ge3A_2583, %add3A_2590, %convert_element_type3A_2580 : vector<16xi1>, vector<16xf32>
    %sub3A_2592 = arith.constant 1.000000e+00 : f32
    %sub3A_2593 = vector.broadcast %sub3A_2592 : f32 to vector<16xf32>
    %sub3A_2594 = arith.subf %select_n3A_2587, %sub3A_2593 : vector<16xf32>
    %add3A_2595 = arith.constant 2.000000e+00 : f32
    %add3A_2596 = vector.broadcast %add3A_2595 : f32 to vector<16xf32>
    %add3A_2597 = arith.addf %add3A_2596, %sub3A_2594 : vector<16xf32>
    %div3A_2598 = arith.divf %sub3A_2594, %add3A_2597 : vector<16xf32>
    %mul3A_2599 = arith.mulf %div3A_2598, %div3A_2598 : vector<16xf32>
    %mul3A_2600 = arith.constant 0.111111112 : f32
    %mul3A_2601 = vector.broadcast %mul3A_2600 : f32 to vector<16xf32>
    %mul3A_2602 = arith.mulf %mul3A_2599, %mul3A_2601 : vector<16xf32>
    %add3A_2603 = arith.constant 0.142857149 : f32
    %add3A_2604 = vector.broadcast %add3A_2603 : f32 to vector<16xf32>
    %add3A_2605 = arith.addf %add3A_2604, %mul3A_2602 : vector<16xf32>
    %mul3A_2606 = arith.mulf %mul3A_2599, %add3A_2605 : vector<16xf32>
    %add3A_2607 = arith.constant 2.000000e-01 : f32
    %add3A_2608 = vector.broadcast %add3A_2607 : f32 to vector<16xf32>
    %add3A_2609 = arith.addf %add3A_2608, %mul3A_2606 : vector<16xf32>
    %mul3A_2610 = arith.mulf %mul3A_2599, %add3A_2609 : vector<16xf32>
    %add3A_2611 = arith.constant 0.333333343 : f32
    %add3A_2612 = vector.broadcast %add3A_2611 : f32 to vector<16xf32>
    %add3A_2613 = arith.addf %add3A_2612, %mul3A_2610 : vector<16xf32>
    %mul3A_2614 = arith.constant 0.693147182 : f32
    %mul3A_2615 = vector.broadcast %mul3A_2614 : f32 to vector<16xf32>
    %mul3A_2616 = arith.mulf %select_n3A_2591, %mul3A_2615 : vector<16xf32>
    %mul3A_2617 = arith.constant 2.000000e+00 : f32
    %mul3A_2618 = vector.broadcast %mul3A_2617 : f32 to vector<16xf32>
    %mul3A_2619 = arith.mulf %mul3A_2618, %div3A_2598 : vector<16xf32>
    %mul3A_2620 = arith.mulf %mul3A_2599, %add3A_2613 : vector<16xf32>
    %add3A_2621 = arith.constant 1.000000e+00 : f32
    %add3A_2622 = vector.broadcast %add3A_2621 : f32 to vector<16xf32>
    %add3A_2623 = arith.addf %add3A_2622, %mul3A_2620 : vector<16xf32>
    %mul3A_2624 = arith.mulf %mul3A_2619, %add3A_2623 : vector<16xf32>
    %add3A_2625 = arith.addf %mul3A_2616, %mul3A_2624 : vector<16xf32>
    %neg3A_2626 = arith.constant 0.000000e+00 : f32
    %neg3A_2627 = vector.broadcast %neg3A_2626 : f32 to vector<16xf32>
    %neg3A_2628 = arith.subf %neg3A_2627, %add3A_2625 : vector<16xf32>
    %eq3A_2629 = arith.constant -100 : i32
    %eq3A_2630 = vector.broadcast %eq3A_2629 : i32 to vector<16xi32>
    %eq3A_2631 = arith.cmpi eq, %get3A_2537, %eq3A_2630 : vector<16xi32>
    %jit3A_2632 = arith.constant 0.000000e+00 : f32
    %broadcast_in_dim3A_2633 = vector.broadcast %jit3A_2632 : f32 to vector<16xf32>
    %select_n3A_2634 = arith.select %eq3A_2631, %broadcast_in_dim3A_2633, %neg3A_2628 : vector<16xi1>, vector<16xf32>
    %swap3A_2635 = arith.constant 224 : index
    %swap3A_2636 = tpu.vector_load %arg12[%swap3A_2635] {strides = array<i32>} : memref<256xf32, #tpu.memory_space<vmem>>, vector<16xf32>,
    %swap3A_2637 = vector.shape_cast %swap3A_2636 : vector<16xf32> to vector<16xf32>
    %swap3A_2638 = vector.shape_cast %select_n3A_2634 : vector<16xf32> to vector<16xf32>
    tpu.vector_store %arg12[%swap3A_2635], %swap3A_2638 {strides = array<i32>} : memref<256xf32, #tpu.memory_space<vmem>>, vector<16xf32>,
    %get3A_2639 = arith.constant 240 : index
    %get3A_2640 = tpu.vector_load %arg7[%get3A_2639] {strides = array<i32>} : memref<256xi32, #tpu.memory_space<vmem>>, vector<16xi32>,
    %get3A_2641 = vector.shape_cast %get3A_2640 : vector<16xi32> to vector<16xi32>
    %get3A_2642 = arith.constant 240 : index
    %get3A_2643 = tpu.vector_load %arg6[%get3A_2642] {strides = array<i32>} : memref<256xi32, #tpu.memory_space<vmem>>, vector<16xi32>,
    %get3A_2644 = vector.shape_cast %get3A_2643 : vector<16xi32> to vector<16xi32>
    %get3A_2645 = arith.constant 1 : i32
    %get3A_2646 = arith.index_cast %get3A_2645 : i32 to index
    %get3A_2647 = arith.constant 112 : index
    %get3A_2648 = tpu.vector_load %arg10[%get3A_2646, %get3A_2647] {strides = array<i32>} : memref<2x128xf32, #tpu.memory_space<vmem>>, vector<1x16xf32>,
    %get3A_2649 = vector.shape_cast %get3A_2648 : vector<1x16xf32> to vector<16xf32>
    %get3A_2650 = arith.constant 1 : i32
    %get3A_2651 = arith.index_cast %get3A_2650 : i32 to index
    %get3A_2652 = arith.constant 112 : index
    %get3A_2653 = tpu.vector_load %arg11[%get3A_2651, %get3A_2652] {strides = array<i32>} : memref<2x128xf32, #tpu.memory_space<vmem>>, vector<1x16xf32>,
    %get3A_2654 = vector.shape_cast %get3A_2653 : vector<1x16xf32> to vector<16xf32>
    %eq3A_2655 = arith.constant 0 : i32
    %eq3A_2656 = vector.broadcast %eq3A_2655 : i32 to vector<16xi32>
    %eq3A_2657 = arith.cmpi eq, %get3A_2644, %eq3A_2656 : vector<16xi32>
    %jit3A_2658 = arith.constant 0.000000e+00 : f32
    %broadcast_in_dim3A_2659 = vector.broadcast %jit3A_2658 : f32 to vector<16xf32>
    %select_n3A_2660 = arith.select %eq3A_2657, %broadcast_in_dim3A_2659, %get3A_2654 : vector<16xi1>, vector<16xf32>
    %add3A_2661 = arith.constant 9.99999968E-21 : f32
    %add3A_2662 = vector.broadcast %add3A_2661 : f32 to vector<16xf32>
    %add3A_2663 = arith.addf %select_n3A_2660, %add3A_2662 : vector<16xf32>
    %ne3A_2664 = arith.constant 0 : i32
    %ne3A_2665 = vector.broadcast %ne3A_2664 : i32 to vector<16xi32>
    %ne3A_2666 = arith.cmpi ne, %get3A_2641, %ne3A_2665 : vector<16xi32>
    %or3A_2667 = arith.ori %eq3A_2657, %ne3A_2666 : vector<16xi1>
    %add3A_2668 = arith.addf %add3A_2663, %get3A_2649 : vector<16xf32>
    %select_n3A_2669 = arith.select %or3A_2667, %add3A_2668, %add3A_2663 : vector<16xi1>, vector<16xf32>
    %bitcast_convert_type3A_2670 = tpu.bitcast %select_n3A_2669 : vector<16xf32> -> vector<16xi32>
    %shift_right_arithmetic3A_2671 = arith.constant 23 : i32
    %shift_right_arithmetic3A_2672 = vector.broadcast %shift_right_arithmetic3A_2671 : i32 to vector<16xi32>
    %shift_right_arithmetic3A_2673 = arith.shrsi %bitcast_convert_type3A_2670, %shift_right_arithmetic3A_2672 : vector<16xi32>
    %sub3A_2674 = arith.constant 127 : i32
    %sub3A_2675 = vector.broadcast %sub3A_2674 : i32 to vector<16xi32>
    %sub3A_2676 = arith.subi %shift_right_arithmetic3A_2673, %sub3A_2675 : vector<16xi32>
    %and3A_2677 = arith.constant 8388607 : i32
    %and3A_2678 = vector.broadcast %and3A_2677 : i32 to vector<16xi32>
    %and3A_2679 = arith.andi %bitcast_convert_type3A_2670, %and3A_2678 : vector<16xi32>
    %or3A_2680 = arith.constant 1065353216 : i32
    %or3A_2681 = vector.broadcast %or3A_2680 : i32 to vector<16xi32>
    %or3A_2682 = arith.ori %and3A_2679, %or3A_2681 : vector<16xi32>
    %bitcast_convert_type3A_2683 = tpu.bitcast %or3A_2682 : vector<16xi32> -> vector<16xf32>
    %convert_element_type3A_2684 = arith.sitofp %sub3A_2676 : vector<16xi32> to vector<16xf32>
    %ge3A_2685 = arith.constant 1.41421354 : f32
    %ge3A_2686 = vector.broadcast %ge3A_2685 : f32 to vector<16xf32>
    %ge3A_2687 = arith.cmpf oge, %bitcast_convert_type3A_2683, %ge3A_2686 : vector<16xf32>
    %mul3A_2688 = arith.constant 5.000000e-01 : f32
    %mul3A_2689 = vector.broadcast %mul3A_2688 : f32 to vector<16xf32>
    %mul3A_2690 = arith.mulf %bitcast_convert_type3A_2683, %mul3A_2689 : vector<16xf32>
    %select_n3A_2691 = arith.select %ge3A_2687, %mul3A_2690, %bitcast_convert_type3A_2683 : vector<16xi1>, vector<16xf32>
    %add3A_2692 = arith.constant 1.000000e+00 : f32
    %add3A_2693 = vector.broadcast %add3A_2692 : f32 to vector<16xf32>
    %add3A_2694 = arith.addf %convert_element_type3A_2684, %add3A_2693 : vector<16xf32>
    %select_n3A_2695 = arith.select %ge3A_2687, %add3A_2694, %convert_element_type3A_2684 : vector<16xi1>, vector<16xf32>
    %sub3A_2696 = arith.constant 1.000000e+00 : f32
    %sub3A_2697 = vector.broadcast %sub3A_2696 : f32 to vector<16xf32>
    %sub3A_2698 = arith.subf %select_n3A_2691, %sub3A_2697 : vector<16xf32>
    %add3A_2699 = arith.constant 2.000000e+00 : f32
    %add3A_2700 = vector.broadcast %add3A_2699 : f32 to vector<16xf32>
    %add3A_2701 = arith.addf %add3A_2700, %sub3A_2698 : vector<16xf32>
    %div3A_2702 = arith.divf %sub3A_2698, %add3A_2701 : vector<16xf32>
    %mul3A_2703 = arith.mulf %div3A_2702, %div3A_2702 : vector<16xf32>
    %mul3A_2704 = arith.constant 0.111111112 : f32
    %mul3A_2705 = vector.broadcast %mul3A_2704 : f32 to vector<16xf32>
    %mul3A_2706 = arith.mulf %mul3A_2703, %mul3A_2705 : vector<16xf32>
    %add3A_2707 = arith.constant 0.142857149 : f32
    %add3A_2708 = vector.broadcast %add3A_2707 : f32 to vector<16xf32>
    %add3A_2709 = arith.addf %add3A_2708, %mul3A_2706 : vector<16xf32>
    %mul3A_2710 = arith.mulf %mul3A_2703, %add3A_2709 : vector<16xf32>
    %add3A_2711 = arith.constant 2.000000e-01 : f32
    %add3A_2712 = vector.broadcast %add3A_2711 : f32 to vector<16xf32>
    %add3A_2713 = arith.addf %add3A_2712, %mul3A_2710 : vector<16xf32>
    %mul3A_2714 = arith.mulf %mul3A_2703, %add3A_2713 : vector<16xf32>
    %add3A_2715 = arith.constant 0.333333343 : f32
    %add3A_2716 = vector.broadcast %add3A_2715 : f32 to vector<16xf32>
    %add3A_2717 = arith.addf %add3A_2716, %mul3A_2714 : vector<16xf32>
    %mul3A_2718 = arith.constant 0.693147182 : f32
    %mul3A_2719 = vector.broadcast %mul3A_2718 : f32 to vector<16xf32>
    %mul3A_2720 = arith.mulf %select_n3A_2695, %mul3A_2719 : vector<16xf32>
    %mul3A_2721 = arith.constant 2.000000e+00 : f32
    %mul3A_2722 = vector.broadcast %mul3A_2721 : f32 to vector<16xf32>
    %mul3A_2723 = arith.mulf %mul3A_2722, %div3A_2702 : vector<16xf32>
    %mul3A_2724 = arith.mulf %mul3A_2703, %add3A_2717 : vector<16xf32>
    %add3A_2725 = arith.constant 1.000000e+00 : f32
    %add3A_2726 = vector.broadcast %add3A_2725 : f32 to vector<16xf32>
    %add3A_2727 = arith.addf %add3A_2726, %mul3A_2724 : vector<16xf32>
    %mul3A_2728 = arith.mulf %mul3A_2723, %add3A_2727 : vector<16xf32>
    %add3A_2729 = arith.addf %mul3A_2720, %mul3A_2728 : vector<16xf32>
    %neg3A_2730 = arith.constant 0.000000e+00 : f32
    %neg3A_2731 = vector.broadcast %neg3A_2730 : f32 to vector<16xf32>
    %neg3A_2732 = arith.subf %neg3A_2731, %add3A_2729 : vector<16xf32>
    %eq3A_2733 = arith.constant -100 : i32
    %eq3A_2734 = vector.broadcast %eq3A_2733 : i32 to vector<16xi32>
    %eq3A_2735 = arith.cmpi eq, %get3A_2641, %eq3A_2734 : vector<16xi32>
    %jit3A_2736 = arith.constant 0.000000e+00 : f32
    %broadcast_in_dim3A_2737 = vector.broadcast %jit3A_2736 : f32 to vector<16xf32>
    %select_n3A_2738 = arith.select %eq3A_2735, %broadcast_in_dim3A_2737, %neg3A_2732 : vector<16xi1>, vector<16xf32>
    %swap3A_2739 = arith.constant 240 : index
    %swap3A_2740 = tpu.vector_load %arg12[%swap3A_2739] {strides = array<i32>} : memref<256xf32, #tpu.memory_space<vmem>>, vector<16xf32>,
    %swap3A_2741 = vector.shape_cast %swap3A_2740 : vector<16xf32> to vector<16xf32>
    %swap3A_2742 = vector.shape_cast %select_n3A_2738 : vector<16xf32> to vector<16xf32>
    tpu.vector_store %arg12[%swap3A_2739], %swap3A_2742 {strides = array<i32>} : memref<256xf32, #tpu.memory_space<vmem>>, vector<16xf32>,
    "tpu.region"() ({
      %run_scoped3A = tpu.sem_alloc : memref<!tpu.dma_semaphore, #tpu.memory_space<semaphore_mem>>
      %dma_start3A_2743 = tpu.memref_slice %arg5[%mul3A_2] : memref<4096xf32, #tpu.memory_space<hbm>> -> memref<256xf32, #tpu.memory_space<hbm>>
      %dma_start3A_2744 = tpu.memref_slice %arg5[%mul3A_2] : memref<4096xf32, #tpu.memory_space<hbm>> -> memref<256xf32, #tpu.memory_space<hbm>>
      tpu.enqueue_dma source(%arg12 : memref<256xf32, #tpu.memory_space<vmem>>) target(%dma_start3A_2744 : memref<256xf32, #tpu.memory_space<hbm>>) target_semaphore(%run_scoped3A : memref<!tpu.dma_semaphore, #tpu.memory_space<semaphore_mem>>)
      %dma_wait3A_2745 = tpu.memref_slice %arg5[%mul3A_2] : memref<4096xf32, #tpu.memory_space<hbm>> -> memref<256xf32, #tpu.memory_space<hbm>>
      %dma_wait3A_2746 = tpu.memref_slice %arg5[%mul3A_2] : memref<4096xf32, #tpu.memory_space<hbm>> -> memref<256xf32, #tpu.memory_space<hbm>>
      tpu.wait_dma2 semaphore(%run_scoped3A : memref<!tpu.dma_semaphore, #tpu.memory_space<semaphore_mem>>) src(%arg12 : memref<256xf32, #tpu.memory_space<vmem>>) dst(%dma_wait3A_2746 : memref<256xf32, #tpu.memory_space<hbm>>)
      tpu.yield
    }) : () -> ()
    return
  }
}

</mosaic_0001>

<sc_bundles>
// kernel: kernel.3.cloned.1.call-start
scs
__scs_entry_jumppad:
0x0: {  	(pc) =	sbr.rel $0x88, $3  }
0x1: {  	(tag) =	ssettag $0x0;
	lr =	simm.s32 $0x1  }
0x2: {  	[smem:$0x3F9E] =	sst lr;
	_ =	strace $0xD0000000  }
0x3: {  	_ = 	snop  }
0x4: {  	_ = 	snop  }
0x5: {  	_ = 	snop  }
0x6: {  	_ = 	snop  }
0x7: {  	_ = 	snop  }
__scs_overlays_trampoline_lowered:
0x8: {  	[smem:$0x3FAD] =	sst s0  }
0x9: {  	[smem:$0x3FAE] =	sst s1  }
0xa: {  	[smem:$0x3FAF] =	sst s2  }
0xb: {  	[smem:$0x3FB0] =	sst s3  }
0xc: {  	[smem:$0x3FB1] =	sst s4  }
0xd: {  	[smem:$0x3FB2] =	sst s5  }
0xe: {  	[smem:$0x3FB3] =	sst s6  }
0xf: {  	[smem:$0x3FB4] =	sst s7  }
0x10: {  	[smem:$0x3FB5] =	sst s8  }
0x11: {  	[smem:$0x3FB6] =	sst s9;
	s0 =	simm.s32 @!p0 $0x0  }
0x12: {  	s1 =	sld [smem:$0x3F9C];
	s0 =	simm.s32 @p0 $0x1  }
0x13: {  	[smem:$0x3FB7] =	sst s0;
	s0 =	simm.s32 @!p1 $0x0  }
0x14: {  	s2 =	sld [smem:$0x3F9B];
	s0 =	simm.s32 @p1 $0x1  }
0x15: {  	[smem:$0x3FB8] =	sst s0;
	s0 =	simm.s32 @!p2 $0x0  }
0x16: {  	s3 =	sld [smem:$0x3FDB];
	s0 =	simm.s32 @p2 $0x1  }
0x17: {  	s4 =	simm.s32 $0x1BF5;
	[smem:$0x3FBA] =	sst s0  }
0x18: {  	s0 =	sld [smem:$0x3F9D];
	_ =	swait.ge [sflag:s4], $0x0  }
0x19: {  	s7 =	sld [smem:$0x3F9E]  }
0x1a: {  	s8 =	sadd.s32 $0xFFFFE003, lr  }
0x1b: {  	s9 =	sadd.s32 $0xFFFFFEF7, lr;
	s5 =	simm.s32 $0xFFFFFFFF;
	p2 =	slt.u32 s8, $0xFFFFF086  }
0x1c: {  	p1 =	slt.u32 s9, $0xF7A;
	s5 =	simm.s32 @!p2 $0x0  }
0x1d: {  	s5 =	simm.s32 @p1 $0x1;
	p0 =	seq.s32 s7, s2  }
0x1e: {  	s7 =	smul.u32 @!p0 $0xF7A, s2;
	p2 =	seq.s32 @!p0 s5, $0x0  }
0x1f: {  	s9 =	smul.u32 $0xF7A, s1;
	s8 =	simm.s32 @!p0 $0x1BF5;
	p2 =	por !p2, p0  }
0x20: {  	[sflag:s8] =	ssyncset.s32 @!p0 $0xFFFFF086;
	s6 =	sadd.s32 @!p0 s3, s7;
	s7 =	simm.s32 @!p0 $0x108  }
0x21: {  	s3 =	sadd.s32 s3, s9;
	s6 =	sadd.s32 @!p0 $0x88, s6;
	s7 =	simm.s32 @p2 $0x1082  }
0x22: {  	[simem:s7], [sflag:s8] =	dma.local @!p0 [hbm:s6], $0xF7A  }
0x23: {  	s9 =	sor.u32 $0xD0000000, s2;
	s6 =	simm.s32 $0x108;
	_ =	swait.ge @!p0 [sflag:s8], $0x0  }
0x24: {  	s3 =	sadd.s32 $0x88, s3;
	s6 =	simm.s32 @!p1 $0x1082;
	[sflag:s4] =	ssyncset.s32 $0xFFFFF086  }
0x25: {  	[simem:s6], [sflag:s4] =	dma.local [hbm:s3], $0xF7A  }
0x26: {  	[smem:$0x3F9E] =	sst s1;
	(tag) =	ssettag s2;
	_ =	strace s9  }
0x27: {  	s1 =	sld [smem:$0x3FAE]  }
0x28: {  	s2 =	sld [smem:$0x3FAF]  }
0x29: {  	s4 =	sld [smem:$0x3FB1]  }
0x2a: {  	p0 =	seq.s32 s5, $0x0;
	s5 =	sld [smem:$0x3FB2]  }
0x2b: {  	s6 =	sld [smem:$0x3FB3]  }
0x2c: {  	s7 =	sld [smem:$0x3FB4]  }
0x2d: {  	s3 =	simm.s32 $0x108;
	s8 =	sld [smem:$0x3FB5]  }
0x2e: {  	s3 =	simm.s32 @!p0 $0x1082;
	s9 =	sld [smem:$0x3FB6]  }
0x2f: {  	lr =	sadd.s32 s0, s3;
	s0 =	sld [smem:$0x3FAD]  }
0x30: {  	s3 =	sld [smem:$0x3FB0]  }
0x31: {  	[smem:$0x3FB9] =	sst s10  }
0x32: {  	s10 =	sld [smem:$0x3FB7];
	_ =	sdelay $0x3  }
0x33: {  	p0 =	seq.s32 s10, $0x1;
	s10 =	sld [smem:$0x3FB9];
	_ =	sdelay $0x3  }
0x34: {  	[smem:$0x3FB9] =	sst s10  }
0x35: {  	s10 =	sld [smem:$0x3FB8];
	_ =	sdelay $0x3  }
0x36: {  	p1 =	seq.s32 s10, $0x1;
	s10 =	sld [smem:$0x3FB9];
	_ =	sdelay $0x3  }
0x37: {  	[smem:$0x3FB9] =	sst s10  }
0x38: {  	s10 =	sld [smem:$0x3FBA]  }
0x39: {  	_ = 	snop;
	(pc) =	sbr.ind lr, $3  }
0x3a: {  	_ = 	snop  }
0x3b: {  	_ = 	snop  }
0x3c: {  	p2 =	seq.s32 s10, $0x1;
	s10 =	sld [smem:$0x3FB9]  }
0x3d: {  	_ =	shalt  }
0x3e: {  	_ =	shalt  }
0x3f: {  	_ =	shalt  }
0x40: {  	_ =	shalt  }
0x41: {  	_ =	shalt  }
0x42: {  	_ =	shalt  }
0x43: {  	_ =	shalt  }
0x44: {  	_ =	shalt  }
0x45: {  	_ =	shalt  }
0x46: {  	_ =	shalt  }
0x47: {  	_ =	shalt  }
0x48: {  	_ =	shalt  }
0x49: {  	_ =	shalt  }
0x4a: {  	_ =	shalt  }
0x4b: {  	_ =	shalt  }
0x4c: {  	_ =	shalt  }
0x4d: {  	_ =	shalt  }
0x4e: {  	_ =	shalt  }
0x4f: {  	_ =	shalt  }
0x50: {  	_ =	shalt  }
0x51: {  	_ =	shalt  }
0x52: {  	_ =	shalt  }
0x53: {  	_ =	shalt  }
0x54: {  	_ =	shalt  }
0x55: {  	_ =	shalt  }
0x56: {  	_ =	shalt  }
0x57: {  	_ =	shalt  }
0x58: {  	_ =	shalt  }
0x59: {  	_ =	shalt  }
0x5a: {  	_ =	shalt  }
0x5b: {  	_ =	shalt  }
0x5c: {  	_ =	shalt  }
0x5d: {  	_ =	shalt  }
0x5e: {  	_ =	shalt  }
0x5f: {  	_ =	shalt  }
0x60: {  	_ =	shalt  }
0x61: {  	_ =	shalt  }
0x62: {  	_ =	shalt  }
0x63: {  	_ =	shalt  }
0x64: {  	_ =	shalt  }
0x65: {  	_ =	shalt  }
0x66: {  	_ =	shalt  }
0x67: {  	_ =	shalt  }
0x68: {  	_ =	shalt  }
0x69: {  	_ =	shalt  }
0x6a: {  	_ =	shalt  }
0x6b: {  	_ =	shalt  }
0x6c: {  	_ =	shalt  }
0x6d: {  	_ =	shalt  }
0x6e: {  	_ =	shalt  }
0x6f: {  	_ =	shalt  }
0x70: {  	_ =	shalt  }
0x71: {  	_ =	shalt  }
0x72: {  	_ =	shalt  }
0x73: {  	_ =	shalt  }
0x74: {  	_ =	shalt  }
0x75: {  	_ =	shalt  }
0x76: {  	_ =	shalt  }
0x77: {  	_ =	shalt  }
0x78: {  	_ =	shalt  }
0x79: {  	_ =	shalt  }
0x7a: {  	_ =	shalt  }
0x7b: {  	_ =	shalt  }
0x7c: {  	_ =	shalt  }
0x7d: {  	_ =	shalt  }
0x7e: {  	_ =	shalt  }
0x7f: {  	_ =	shalt  }
0x80: {  	_ =	shalt  }
0x81: {  	_ =	shalt  }
0x82: {  	_ =	shalt  }
0x83: {  	_ =	shalt  }
0x84: {  	_ =	shalt  }
0x85: {  	_ =	shalt  }
0x86: {  	_ =	shalt  }
0x87: {  	_ =	shalt  }
.Lfunc_end0:
.L_simem_size_0:
called_computation_lowered:
.L_overlay_start_0:
0x88: {  	s0 =	sld [smem:$0x3FD9]  }
0x89: {  	s1 =	sld [smem:$0x3FFE];
	_ =	sdelay $0x3  }
0x8a: {  	s0 =	sadd.s32 s1, s0  }
0x8b: {  	[smem:$0x3FC5] =	sst s0  }
0x8c: {  	_ = 	snop  }
0x8d: {  	s0 =	sld [smem:$0x3FC9]  }
0x8e: {  	s17 =	sld [smem:$0x3FC8]  }
0x8f: {  	s2 =	sld [smem:$0x3FC7]  }
0x90: {  	s3 =	sld [smem:$0x3FD0];
	(tm) =	ssettm $0x1  }
0x91: {  	s4 =	sld [smem:$0x3FFB];
	_ =	sdelay $0x3  }
0x92: {  	_ =	strace s4  }
0x93: {  	s4 =	sld [smem:$0x3FFC];
	_ =	sdelay $0x3  }
0x94: {  	_ =	strace s4  }
0x95: {  	s4 =	sld [smem:$0x3FFD];
	_ =	sdelay $0x3  }
0x96: {  	_ =	strace s4  }
0x97: {  	_ =	strace $0x8FFFFFFF  }
0x98: {  	s18 =	sld [smem:$0x3FDB];
	_ =	sdelay $0x1  }
0x99: {  	s5 =	simm.s32 $_scs_section_size  }
0x9a: {  	s6 =	simm.s32 $_size__tile_overlayer_lowered;
	s7 =	simm.s32 $_tile_overlayer_lowered  }
0x9b: {  	s21 =	simm.s32 $0x1BFF;
	s20 =	sshll.u32 s7, $0x1;
	s4 =	sadd.s32 s5, s18  }
0x9c: {  	s8 =	simm.s32 $0x0;
	s19 =	sshll.u32 s6, $0x1;
	s6 =	sadd.s32 s20, s4  }
0x9d: {  	[timem:s8], [sflag:s21] =	dma.local [hbm:s6], s19  }
0x9e: {  	_ =	swait.ge [sflag:s21], s19  }
0x9f: {  	s5 =	ssub.s32 $0x0, s19;
	[sflag:s21] =	ssyncset.done $0x0  }
0xa0: {  	[sflag:s21] =	ssyncadd.s32 s5;
	_ =	sdelay $0x1  }
0xa1: {  	s22 =	simm.s32 $0x1B8B  }
0xa2: {  	_ =	swait.ge [sflag:s22], $0x1  }
0xa3: {  	[sflag:s22] =	ssyncset.done $0x0  }
0xa4: {  	s23 =	simm.s32 $0x1B8E;
	[sflag:s22] =	ssyncadd.s32 $0xFFFFFFFF  }
0xa5: {  	s24 =	simm.s32 $execute0_lowered;
	[smem:$0x3FD2] =	sst s23  }
0xa6: {  	s5 =	sshll.u32 s24, $0x1;
	_ =	strace $0x80000046;
	[dreg:$0x1] =	wrdreg $0xFFFFFFFF  }
0xa7: {  	s25 =	simm.s32 $_size_execute0_lowered;
	s4 =	sadd.s32 s4, s5;
	[dreg:$0x0] =	wrdreg $0x0  }
0xa8: {  	s5 =	sshll.u32 s25, $0x1;
	[dreg:$0x2] =	wrdreg s4  }
0xa9: {  	[dreg:$0x3] =	wrdreg s5  }
0xaa: {  	[dreg:$0x4] =	wrdreg $0xC0  }
0xab: {  	_ =	task [dreg:s8], $0x5FFFF  }
0xac: {  	[dreg:$0x1] =	wrdreg $0xFFFFFFFF  }
0xad: {  	[dreg:$0x0] =	wrdreg $0x60  }
0xae: {  	[dreg:$0x2] =	wrdreg s0  }
0xaf: {  	[dreg:$0x3] =	wrdreg s17  }
0xb0: {  	[dreg:$0x4] =	wrdreg s2  }
0xb1: {  	[dreg:$0x5] =	wrdreg s3  }
0xb2: {  	[dreg:$0x6] =	wrdreg $0x9  }
0xb3: {  	_ =	task.clear_ibuf [dreg:s8], $0x7FFFF;
	_ =	strace $0x90000046  }
0xb4: {  	s26 =	simm.s32 $0x9;
	_ =	strace $0x80000048  }
0xb5: {  	_ =	swait.ge [sflag:s26], $0x1  }
0xb6: {  	[sflag:s26] =	ssyncadd.s32 $0xFFFFFFFF  }
0xb7: {  	_ =	strace $0x90000048  }
0xb8: {  	_ =	sfence  }
0xb9: {  	s28 =	sld [smem:$0x0];
	_ =	sdelay $0x1  }
0xba: {  	s29 =	srdreg.scid  }
0xbb: {  	s30 =	sshll.u32 s29, $0xD;
	s31 =	sshrl.u32 s29, $0x2  }
0xbc: {  	s1 =	sand.u32 $0x1, s29;
	s2 =	sand.u32 $0x4000, s30;
	s0 =	sadd.s32 s31, s28  }
0xbd: {  	s1 =	sor.u32 s2, s1;
	s0 =	sshll.u32 s0, $0x11  }
0xbe: {  	s0 =	sor.u32 s0, s1  }
0xbf: {  	s0 =	sadd.s32 $0x8F2B, s0  }
0xc0: {  	[sflag:s0] =	ssyncadd.remote.s32 $0x1  }
0xc1: {  	_ =	sfence.sel $0xFFFF  }
0xc2: {  	[dreg:$0x0] =	wrdreg $0xFFFFFFFF;
	(pc) =	sbr.abs _section_cstart, $3  }
0xc3: {  	[dreg:$0x1] =	wrdreg $0xFFFFFFFF  }
0xc4: {  	_ =	task.clear_ibuf [dreg:s8], $0x2FFFF;
	_ =	strace $0x9FFFFFFF  }
0xc5: {  	(tm) =	ssettm $0x7FFFFFFF  }
tec
execute0_lowered:
.L_overlay_start_1:
0x0: {  	(tag) =	ssettag $0x1  }
0x1: {  	s5 =	rddreg [dreg:$0x0]  }
0x2: {  	s6 =	rddreg [dreg:$0x1]  }
0x3: {  	s7 =	rddreg [dreg:$0x2]  }
0x4: {  	s3 =	rddreg [dreg:$0x3];
	s2 =	simm.s32 $0x0;
	s1 =	stileid.u32  }
0x5: {  	[smem:$0x7FF] =	sst s2;
	s4 =	sshll.u32 s1, $0x5  }
0x6: {  	s0 =	rddreg [dreg:$0x4];
	_ =	strace $0x80000047;
	s6 =	sadd.s32 s6, s4  }
0x7: {  	[tilespmem:s2], [sflag:$0x1] =	stream.linear.gather [hbm4b:s6+s2], $0x100, $0x38;
	[tilespmem:$0x700] =	vst v63  }
0x8: {  	s31 =	simm.s32 $0x100;
	s30 =	sadd.s32 s7, s4;
	s7 =	simm.s32 $0x1  }
0x9: {  	[tilespmem:s31], [sflag:$0x2] =	stream.linear.gather [hbm4b:s30+s2], $0x100, $0x38;
	[tilespmem:$0x700] =	vst v63  }
0xa: {  	_ =	swait.ge [sflag:s7], $0x100  }
0xb: {  	[sflag:s7] =	ssyncset.done $0x0  }
0xc: {  	s30 =	simm.s32 $0x2;
	[sflag:s7] =	ssyncadd.s32 $0xFFFFFF00  }
0xd: {  	_ =	swait.ge [sflag:s30], $0x100  }
0xe: {  	[sflag:s30] =	ssyncset.done $0x0  }
0xf: {  	[sflag:s30] =	ssyncadd.s32 $0xFFFFFF00  }
0x10: {  	v0 =	vld [tilespmem:$0x100]  }
0x11: {  	v4 =	vld [tilespmem:$0x0]  }
0x12: {  	v5 =	vld [tilespmem:$0x110]  }
0x13: {  	v8 =	vld [tilespmem:$0x10]  }
0x14: {  	v19 =	vld [tilespmem:$0x120]  }
0x15: {  	v23 =	vld [tilespmem:$0x130]  }
0x16: {  	v2 =	vlaneseq.u32;
	s8 =	sshll.u32 s1, $0x8;
	v11 =	vld [tilespmem:$0x20]  }
0x17: {  	v1 =	vor.u32 s8, v2;
	s9 =	sor.u32 $0x10, s8;
	v13 =	vld [tilespmem:$0x140]  }
0x18: {  	v6 =	vand.u32 $0x7, v2;
	s10 =	sor.u32 $0x30, s8;
	s11 =	sor.u32 $0x40, s8;
	s12 =	sor.u32 $0x50, s8;
	v1 =	vshrl.u32 v1, $0x3;
	v17 =	vor.u32 s9, v2;
	v30 =	vld [tilespmem:$0x40]  }
0x19: {  	s13 =	sor.u32 $0x60, s8;
	s14 =	sor.u32 $0x70, s8;
	v25 =	vor.u32 s10, v2;
	v29 =	vor.u32 s11, v2;
	v37 =	vor.u32 s12, v2;
	v36 =	vld [tilespmem:$0x50]  }
0x1a: {  	v45 =	vor.u32 s13, v2;
	v53 =	vor.u32 s14, v2;
	v18 =	vshrl.u32 v17, $0x3;
	v38 =	vld [tilespmem:$0x160]  }
0x1b: {  	v1 =	vmul.u32 $0x3F800, v1;
	v55 =	vshrl.u32 v53, $0x3;
	v9 =	vmul.u32 $0x3F800, v18;
	s31 =	sor.u32 $0x20, s8;
	v44 =	vld [tilespmem:$0x60]  }
0x1c: {  	v22 =	vor.u32 s31, v2;
	v46 =	vld [tilespmem:$0x170];
	vm0 =	vgt.s32 v0, $0x0;
	v16 =	vand.u32 $0x7F, v4  }
0x1d: {  	v54 =	vld [tilespmem:$0x70];
	vm6 =	vgt.s32 v5, $0x0;
	v4 =	vshll.u32 v4, $0x3;
	v21 =	vand.u32 $0x7F, v8  }
0x1e: {  	vm7 =	vgt.s32 v19, $0x0;
	v8 =	vshll.u32 v8, $0x3;
	vm8 =	vgt.s32 v23, $0x0  }
0x1f: {  	v26 =	vand.u32 $0x7F, v11;
	v11 =	vshll.u32 v11, $0x3;
	vm9 =	vgt.s32 v13, $0x0  }
0x20: {  	v35 =	vand.u32 $0x7F, v30;
	v40 =	vand.u32 $0x7F, v36;
	vm11 =	vgt.s32 v38, $0x0  }
0x21: {  	v52 =	vand.u32 $0x7F, v44;
	vm12 =	vgt.s32 v46, $0x0;
	v56 =	vshll.u32 v44, $0x3  }
0x22: {  	v62 =	vand.u32 $0x7F, v54;
	v63 =	vshll.u32 v54, $0x3;
	v3 =	vnsel vm0, $0x0, v0  }
0x23: {  	v5 =	vnsel vm6, $0x0, v5;
	v4 =	vand.u32 $0xFFFFFC00, v4;
	v8 =	vand.u32 $0xFFFFFC00, v8  }
0x24: {  	v11 =	vand.u32 $0xFFFFFC00, v11;
	v13 =	vnsel vm9, $0x0, v13;
	v48 =	vnsel vm11, $0x0, v38  }
0x25: {  	v57 =	vnsel vm12, $0x0, v46;
	v0 =	vshll.u32 v3, $0x3;
	v3 =	vand.u32 $0x7F, v3  }
0x26: {  	v10 =	vshll.u32 v5, $0x3;
	v5 =	vand.u32 $0x7F, v5;
	v17 =	vshll.u32 v13, $0x3  }
0x27: {  	v13 =	vand.u32 $0x7F, v13;
	v49 =	vshll.u32 v48, $0x3;
	v51 =	vand.u32 $0x7F, v48  }
0x28: {  	v58 =	vshll.u32 v57, $0x3;
	v61 =	vand.u32 $0x7F, v57;
	v7 =	vand.u32 $0xFFFFFC00, v0  }
0x29: {  	v0 =	vmul.u32 $0x80, v6;
	v6 =	vor.u32 v16, v1;
	v10 =	vand.u32 $0xFFFFFC00, v10  }
0x2a: {  	v33 =	vand.u32 $0xFFFFFC00, v17;
	v60 =	vand.u32 $0xFFFFFC00, v58;
	v15 =	vadd.s32 v1, v7  }
0x2b: {  	v4 =	vadd.s32 v4, v6;
	v20 =	vadd.s32 v9, v10;
	v6 =	vor.u32 v21, v9  }
0x2c: {  	v9 =	vshrl.u32 v22, $0x3;
	v7 =	vnsel vm7, $0x0, v19;
	v10 =	vnsel vm8, $0x0, v23  }
0x2d: {  	v3 =	vor.u32 v3, v15;
	v1 =	vor.u32 $0x3E800, v0;
	v5 =	vor.u32 v5, v20  }
0x2e: {  	v9 =	vmul.u32 $0x3F800, v9;
	v12 =	vshll.u32 v7, $0x3;
	v6 =	vadd.s32 v8, v6  }
0x2f: {  	v7 =	vand.u32 $0x7F, v7;
	v14 =	vshll.u32 v10, $0x3;
	v10 =	vand.u32 $0x7F, v10  }
0x30: {  	v3 =	vor.u32 v0, v3;
	v4 =	vadd.s32 v1, v4;
	v5 =	vor.u32 v0, v5  }
0x31: {  	v16 =	vld [tilespmem:$0x150];
	v24 =	vand.u32 $0xFFFFFC00, v12;
	v6 =	vadd.s32 v1, v6;
	v27 =	vand.u32 $0xFFFFFC00, v14  }
0x32: {  	v14 =	vshrl.u32 v37, $0x3;
	v12 =	vshll.u32 v30, $0x3;
	v8 =	vadd.s32 v9, v24  }
0x33: {  	v15 =	vld [tilespmem:$0x30];
	v9 =	vor.u32 v26, v9;
	v14 =	vmul.u32 $0x3F800, v14;
	v12 =	vand.u32 $0xFFFFFC00, v12;
	[tilespmem:$0x300] =	vst v4  }
0x34: {  	v4 =	vshrl.u32 v45, $0x3;
	[tilespmem:$0x310] =	vst v6;
	v6 =	vand.u32 $0xFFFFFC00, v49;
	v7 =	vor.u32 v7, v8  }
0x35: {  	v8 =	vshrl.u32 v25, $0x3;
	v9 =	vadd.s32 v11, v9;
	v11 =	vshrl.u32 v29, $0x3  }
0x36: {  	vm10 =	vgt.s32 v16, $0x0;
	v4 =	vmul.u32 $0x3F800, v4;
	v8 =	vmul.u32 $0x3F800, v8  }
0x37: {  	v7 =	vor.u32 v0, v7;
	v9 =	vadd.s32 v1, v9;
	v11 =	vmul.u32 $0x3F800, v11  }
0x38: {  	v16 =	vnsel vm10, $0x0, v16;
	v43 =	vor.u32 v40, v14;
	v31 =	vand.u32 $0x7F, v15  }
0x39: {  	v15 =	vshll.u32 v15, $0x3;
	v18 =	vshll.u32 v16, $0x3;
	v16 =	vand.u32 $0x7F, v16  }
0x3a: {  	[tilespmem:$0x200] =	vst v3;
	v6 =	vadd.s32 v4, v6;
	v4 =	vor.u32 v52, v4;
	v28 =	vadd.s32 v8, v27  }
0x3b: {  	[tilespmem:$0x210] =	vst v5;
	v8 =	vor.u32 v31, v8;
	v32 =	vand.u32 $0xFFFFFC00, v15;
	v34 =	vadd.s32 v11, v33  }
0x3c: {  	[tilespmem:$0x220] =	vst v7;
	v11 =	vor.u32 v35, v11;
	v39 =	vand.u32 $0xFFFFFC00, v18;
	v59 =	vor.u32 v51, v6  }
0x3d: {  	[tilespmem:$0x320] =	vst v9;
	v15 =	vshll.u32 v36, $0x3;
	v10 =	vor.u32 v10, v28;
	v3 =	vor.u32 v0, v59  }
0x3e: {  	v8 =	vadd.s32 v32, v8;
	v13 =	vor.u32 v13, v34;
	v10 =	vor.u32 v0, v10;
	[tilespmem:$0x260] =	vst v3  }
0x3f: {  	v11 =	vadd.s32 v12, v11;
	v12 =	vadd.s32 v14, v39;
	v8 =	vadd.s32 v1, v8;
	[tilespmem:$0x230] =	vst v10  }
0x40: {  	v47 =	vand.u32 $0xFFFFFC00, v15;
	v13 =	vor.u32 v0, v13;
	v41 =	vadd.s32 v1, v11;
	[tilespmem:$0x330] =	vst v8  }
0x41: {  	v42 =	vor.u32 v16, v12;
	v5 =	vadd.s32 v47, v43;
	[tilespmem:$0x240] =	vst v13;
	v8 =	vmul.u32 $0x3F800, v55  }
0x42: {  	v50 =	vor.u32 v0, v42;
	v5 =	vadd.s32 v1, v5;
	v10 =	vand.u32 $0xFFFFFC00, v56;
	[tilespmem:$0x340] =	vst v41  }
0x43: {  	v13 =	vand.u32 $0xFFFFFC00, v63;
	v4 =	vadd.s32 v10, v4;
	[tilespmem:$0x250] =	vst v50;
	v6 =	vadd.s32 v8, v60  }
0x44: {  	[tilespmem:$0x350] =	vst v5;
	v4 =	vadd.s32 v1, v4;
	v12 =	vor.u32 v62, v8;
	v11 =	vor.u32 v61, v6  }
0x45: {  	[tilespmem:$0x360] =	vst v4;
	v14 =	vadd.s32 v13, v12;
	v3 =	vor.u32 v0, v11  }
0x46: {  	v15 =	vadd.s32 v1, v14;
	[tilespmem:$0x270] =	vst v3  }
0x47: {  	s15 =	simm.s32 $0x80;
	s10 =	simm.s32 $0x200;
	s11 =	simm.s32 $0x400;
	[tilespmem:$0x370] =	vst v15  }
0x48: {  	[tilespmem:s11], [sflag:$0x1] =	stream.indirect.gather [hbm4b:s5+s15], $0x1, s10, s15, $0xb8;
	[tilespmem:$0x700] =	vst v63  }
0x49: {  	s16 =	simm.s32 $0x300;
	s17 =	simm.s32 $0x500  }
0x4a: {  	[tilespmem:s17], [sflag:$0x2] =	stream.indirect.gather [hbm4b:s5+s15], $0x1, s16, s15, $0xb8;
	[tilespmem:$0x700] =	vst v63  }
0x4b: {  	v16 =	vld [tilespmem:$0x180]  }
0x4c: {  	v18 =	vld [tilespmem:$0x190]  }
0x4d: {  	v20 =	vld [tilespmem:$0x80]  }
0x4e: {  	v22 =	vld [tilespmem:$0x90]  }
0x4f: {  	v24 =	vld [tilespmem:$0x1A0]  }
0x50: {  	v30 =	vld [tilespmem:$0x1B0]  }
0x51: {  	v31 =	vld [tilespmem:$0xA0]  }
0x52: {  	s18 =	sor.u32 $0x80, s8;
	s19 =	sor.u32 $0x90, s8;
	v36 =	vld [tilespmem:$0x1C0]  }
0x53: {  	s20 =	sor.u32 $0xA0, s8;
	s21 =	sor.u32 $0xB0, s8;
	s23 =	sor.u32 $0xD0, s8;
	v17 =	vor.u32 s18, v2;
	v21 =	vor.u32 s19, v2;
	v38 =	vld [tilespmem:$0xB0]  }
0x54: {  	s22 =	sor.u32 $0xC0, s8;
	s24 =	sor.u32 $0xE0, s8;
	s8 =	sor.u32 $0xF0, s8;
	v29 =	vor.u32 s20, v2;
	v51 =	vor.u32 s23, v2;
	v34 =	vor.u32 s21, v2;
	v42 =	vld [tilespmem:$0xC0]  }
0x55: {  	v41 =	vor.u32 s22, v2;
	v60 =	vor.u32 s24, v2;
	v2 =	vor.u32 s8, v2;
	v44 =	vld [tilespmem:$0x1D0]  }
0x56: {  	v4 =	vshrl.u32 v17, $0x3;
	v2 =	vshrl.u32 v2, $0x3;
	v50 =	vld [tilespmem:$0xD0]  }
0x57: {  	v4 =	vmul.u32 $0x3F800, v4;
	v14 =	vshrl.u32 v51, $0x3;
	v2 =	vmul.u32 $0x3F800, v2;
	v52 =	vld [tilespmem:$0x1E0]  }
0x58: {  	v14 =	vmul.u32 $0x3F800, v14;
	v59 =	vld [tilespmem:$0xE0];
	vm13 =	vgt.s32 v16, $0x0;
	vm14 =	vgt.s32 v18, $0x0  }
0x59: {  	v61 =	vld [tilespmem:$0x1F0];
	v23 =	vand.u32 $0x7F, v20;
	v7 =	vshll.u32 v20, $0x3;
	v28 =	vand.u32 $0x7F, v22  }
0x5a: {  	vm15 =	vgt.s32 v24, $0x0;
	v8 =	vshll.u32 v22, $0x3;
	vm4 =	vgt.s32 v30, $0x0  }
0x5b: {  	v35 =	vand.u32 $0x7F, v31;
	v11 =	vshll.u32 v31, $0x3;
	vm5 =	vgt.s32 v36, $0x0  }
0x5c: {  	v43 =	vand.u32 $0x7F, v38;
	v15 =	vshll.u32 v38, $0x3;
	v49 =	vand.u32 $0x7F, v42  }
0x5d: {  	vm6 =	vgt.s32 v44, $0x0;
	v12 =	vshll.u32 v42, $0x3;
	v55 =	vand.u32 $0x7F, v50  }
0x5e: {  	vm7 =	vgt.s32 v52, $0x0;
	v20 =	vand.u32 $0x7F, v59;
	vm8 =	vgt.s32 v61, $0x0  }
0x5f: {  	v22 =	vshll.u32 v59, $0x3;
	v3 =	vnsel vm13, $0x0, v16;
	v5 =	vnsel vm14, $0x0, v18  }
0x60: {  	v7 =	vand.u32 $0xFFFFFC00, v7;
	v10 =	vnsel vm15, $0x0, v24;
	v8 =	vand.u32 $0xFFFFFC00, v8  }
0x61: {  	v9 =	vnsel vm4, $0x0, v30;
	v11 =	vand.u32 $0xFFFFFC00, v11;
	v13 =	vnsel vm5, $0x0, v36  }
0x62: {  	v46 =	vand.u32 $0xFFFFFC00, v15;
	v16 =	vnsel vm6, $0x0, v44;
	v12 =	vand.u32 $0xFFFFFC00, v12  }
0x63: {  	v58 =	vor.u32 v55, v14;
	v15 =	vshll.u32 v50, $0x3;
	v63 =	vnsel vm7, $0x0, v52  }
0x64: {  	v19 =	vshll.u32 v3, $0x3;
	v3 =	vand.u32 $0x7F, v3;
	v25 =	vshll.u32 v5, $0x3  }
0x65: {  	v5 =	vand.u32 $0x7F, v5;
	v32 =	vshll.u32 v10, $0x3;
	v10 =	vand.u32 $0x7F, v10  }
0x66: {  	v37 =	vshll.u32 v9, $0x3;
	v9 =	vand.u32 $0x7F, v9;
	v45 =	vshll.u32 v13, $0x3  }
0x67: {  	v13 =	vand.u32 $0x7F, v13;
	v53 =	vshll.u32 v16, $0x3;
	v16 =	vand.u32 $0x7F, v16  }
0x68: {  	v62 =	vand.u32 $0xFFFFFC00, v15;
	v17 =	vshll.u32 v63, $0x3;
	v6 =	vand.u32 $0xFFFFFC00, v19  }
0x69: {  	v26 =	vand.u32 $0xFFFFFC00, v25;
	v33 =	vand.u32 $0xFFFFFC00, v32;
	v39 =	vand.u32 $0xFFFFFC00, v37  }
0x6a: {  	v47 =	vand.u32 $0xFFFFFC00, v45;
	v54 =	vand.u32 $0xFFFFFC00, v53;
	v19 =	vand.u32 $0x7F, v63  }
0x6b: {  	v6 =	vadd.s32 v4, v6;
	v4 =	vor.u32 v23, v4;
	v23 =	vnsel vm8, $0x0, v61  }
0x6c: {  	v3 =	vor.u32 v3, v6;
	v6 =	vshrl.u32 v21, $0x3;
	v4 =	vadd.s32 v7, v4  }
0x6d: {  	v7 =	vshrl.u32 v29, $0x3;
	v24 =	vshll.u32 v23, $0x3;
	v6 =	vmul.u32 $0x3F800, v6  }
0x6e: {  	v3 =	vor.u32 v0, v3;
	v4 =	vadd.s32 v1, v4;
	v7 =	vmul.u32 $0x3F800, v7  }
0x6f: {  	v21 =	vld [tilespmem:$0xF0];
	[tilespmem:$0x380] =	vst v4;
	v4 =	vshrl.u32 v60, $0x3;
	v27 =	vadd.s32 v6, v26;
	v6 =	vor.u32 v28, v6  }
0x70: {  	v4 =	vmul.u32 $0x3F800, v4;
	v26 =	vand.u32 $0xFFFFFC00, v24;
	v5 =	vor.u32 v5, v27  }
0x71: {  	v6 =	vadd.s32 v8, v6;
	v8 =	vadd.s32 v7, v33;
	v7 =	vor.u32 v35, v7  }
0x72: {  	v27 =	vand.u32 $0x7F, v23;
	v5 =	vor.u32 v0, v5;
	v6 =	vadd.s32 v1, v6  }
0x73: {  	v8 =	vor.u32 v10, v8;
	v10 =	vshrl.u32 v34, $0x3;
	v7 =	vadd.s32 v11, v7  }
0x74: {  	[tilespmem:$0x280] =	vst v3;
	v11 =	vshrl.u32 v41, $0x3;
	v28 =	vand.u32 $0x7F, v21;
	v29 =	vshll.u32 v21, $0x3  }
0x75: {  	v10 =	vmul.u32 $0x3F800, v10;
	v8 =	vor.u32 v0, v8;
	v7 =	vadd.s32 v1, v7;
	[tilespmem:$0x290] =	vst v5  }
0x76: {  	v11 =	vmul.u32 $0x3F800, v11;
	[tilespmem:$0x390] =	vst v6;
	v5 =	vadd.s32 v62, v58;
	v6 =	vand.u32 $0xFFFFFC00, v17  }
0x77: {  	v31 =	vand.u32 $0xFFFFFC00, v29;
	[tilespmem:$0x2A0] =	vst v8;
	v5 =	vadd.s32 v1, v5;
	v6 =	vadd.s32 v4, v6  }
0x78: {  	[tilespmem:$0x3A0] =	vst v7;
	v40 =	vadd.s32 v10, v39;
	v10 =	vor.u32 v43, v10;
	v25 =	vor.u32 v19, v6  }
0x79: {  	v48 =	vadd.s32 v11, v47;
	[tilespmem:$0x3D0] =	vst v5;
	v9 =	vor.u32 v9, v40;
	v3 =	vor.u32 v0, v25  }
0x7a: {  	v11 =	vor.u32 v49, v11;
	v10 =	vadd.s32 v46, v10;
	v9 =	vor.u32 v0, v9;
	[tilespmem:$0x2E0] =	vst v3  }
0x7b: {  	v6 =	vadd.s32 v2, v26;
	v13 =	vor.u32 v13, v48;
	v10 =	vadd.s32 v1, v10;
	[tilespmem:$0x2B0] =	vst v9  }
0x7c: {  	v2 =	vor.u32 v28, v2;
	v11 =	vadd.s32 v12, v11;
	v13 =	vor.u32 v0, v13;
	[tilespmem:$0x3B0] =	vst v10  }
0x7d: {  	v12 =	vadd.s32 v14, v54;
	v2 =	vadd.s32 v31, v2;
	v56 =	vadd.s32 v1, v11;
	[tilespmem:$0x2C0] =	vst v13  }
0x7e: {  	v4 =	vor.u32 v20, v4;
	v57 =	vor.u32 v16, v12;
	v32 =	vadd.s32 v1, v2;
	[tilespmem:$0x3C0] =	vst v56  }
0x7f: {  	v30 =	vor.u32 v27, v6;
	v18 =	vor.u32 v0, v57;
	v10 =	vand.u32 $0xFFFFFC00, v22;
	[tilespmem:$0x3F0] =	vst v32  }
0x80: {  	v0 =	vor.u32 v0, v30;
	v4 =	vadd.s32 v10, v4;
	[tilespmem:$0x2D0] =	vst v18  }
0x81: {  	[tilespmem:$0x2F0] =	vst v0;
	v4 =	vadd.s32 v1, v4  }
0x82: {  	s25 =	simm.s32 $0x280;
	s26 =	simm.s32 $0x480;
	[tilespmem:$0x3E0] =	vst v4  }
0x83: {  	[tilespmem:s26], [sflag:$0x1] =	stream.indirect.gather [hbm4b:s5+s15], $0x1, s25, s15, $0xb8;
	[tilespmem:$0x700] =	vst v63  }
0x84: {  	s28 =	simm.s32 $0x380;
	s29 =	simm.s32 $0x580  }
0x85: {  	[tilespmem:s29], [sflag:$0x2] =	stream.indirect.gather [hbm4b:s5+s15], $0x1, s28, s15, $0xb8;
	[tilespmem:$0x700] =	vst v63  }
0x86: {  	_ =	swait.ge [sflag:s7], $0x80  }
0x87: {  	[sflag:s7] =	ssyncset.done $0x0  }
0x88: {  	[sflag:s7] =	ssyncadd.s32 $0xFFFFFF80  }
0x89: {  	_ =	swait.ge [sflag:s30], $0x80  }
0x8a: {  	[sflag:s30] =	ssyncset.done $0x0  }
0x8b: {  	[sflag:s30] =	ssyncadd.s32 $0xFFFFFF80  }
0x8c: {  	_ =	swait.ge [sflag:s7], $0x80  }
0x8d: {  	[sflag:s7] =	ssyncset.done $0x0  }
0x8e: {  	[sflag:s7] =	ssyncadd.s32 $0xFFFFFF80  }
0x8f: {  	_ =	swait.ge [sflag:s30], $0x80  }
0x90: {  	[sflag:s30] =	ssyncset.done $0x0  }
0x91: {  	[sflag:s30] =	ssyncadd.s32 $0xFFFFFF80  }
0x92: {  	v33 =	vld [tilespmem:$0x500]  }
0x93: {  	v34 =	vld [tilespmem:$0x0]  }
0x94: {  	v5 =	vld [tilespmem:$0x100]  }
0x95: {  	v35 =	vld [tilespmem:$0x400];
	_ =	sdelay $0x1  }
0x96: {  	v0 =	vadd.f32 $9.999999680e-21, v33  }
0x97: {  	vm9 =	veq.s32 v34, $0x0  }
0x98: {  	v1 =	vsel vm9, $0x1E3CE508, v0  }
0x99: {  	vm1 =	vne.s32 v5, $0x0;
	v1 =	vadd.f32 v1, v35  }
0x9a: {  	vm0 =	vmor vm1, vm9  }
0x9b: {  	v0 =	vsel vm0, v1, v0  }
0x9c: {  	v1 =	vand.u32 $0x7FFFFF, v0  }
0x9d: {  	v1 =	vor.u32 $0x3F800000, v1  }
0x9e: {  	v36 =	vmul.f32 $5.000000000e-01, v1  }
0x9f: {  	vm10 =	vge.f32 v1, $1.414213540e+00  }
0xa0: {  	v1 =	vsel vm10, v36, v1  }
0xa1: {  	v2 =	vadd.f32 $-1.000000000e+00, v1  }
0xa2: {  	v37 =	vld [tilespmem:$0x510]  }
0xa3: {  	v38 =	vld [tilespmem:$0x10];
	v1 =	vadd.f32 $2.000000000e+00, v2  }
0xa4: {  	v39 =	vld [tilespmem:$0x410]  }
0xa5: {  	(erf) = vrcp.f32 v1;
	v1 =	vld [tilespmem:$0x110]  }
0xa6: {  	v45 =	vld [tilespmem:$0x520]  }
0xa7: {  	v48 =	vld [tilespmem:$0x20];
	v3 =	vadd.f32 $9.999999680e-21, v37  }
0xa8: {  	v58 =	vld [tilespmem:$0x530];
	vm11 =	veq.s32 v38, $0x0  }
0xa9: {  	v59 =	vld [tilespmem:$0x30];
	v4 =	vsel vm11, $0x1E3CE508, v3  }
0xaa: {  	v63 =	vld [tilespmem:$0x540];
	v4 =	vadd.f32 v4, v39;
	vm2 =	vne.s32 v1, $0x0  }
0xab: {  	v22 =	vld [tilespmem:$0x40];
	vm0 =	vmor vm2, vm11  }
0xac: {  	v41 =	vsel vm0, v4, v3  }
0xad: {  	v6 =	vadd.f32 $9.999999680e-21, v45;
	vm13 =	veq.s32 v48, $0x0;
	v43 =	vand.u32 $0x7FFFFF, v41  }
0xae: {  	v50 =	vld [tilespmem:$0x420];
	v13 =	vadd.f32 $9.999999680e-21, v58;
	vm15 =	veq.s32 v59, $0x0;
	v40 =	vpop (erf);
	v44 =	vor.u32 $0x3F800000, v43  }
0xaf: {  	v11 =	vadd.f32 $9.999999680e-21, v63;
	v42 =	vmul.f32 v40, v2;
	v47 =	vmul.f32 $5.000000000e-01, v44;
	v2 =	vld [tilespmem:$0x120]  }
0xb0: {  	vm7 =	veq.s32 v22, $0x0;
	vm4 =	veq.s32 v5, $0xFFFFFF9C;
	vm12 =	vge.f32 v44, $1.414213540e+00  }
0xb1: {  	v10 =	vsel vm13, $0x1E3CE508, v6;
	v46 =	vmul.f32 v42, v42;
	v3 =	vsel vm12, v47, v44  }
0xb2: {  	v62 =	vld [tilespmem:$0x430];
	v26 =	vsel vm15, $0x1E3CE508, v13;
	v0 =	vshra.s32 v0, $0x17;
	v51 =	vadd.f32 $-1.000000000e+00, v3  }
0xb3: {  	v9 =	vadd.f32 v10, v50;
	v0 =	vadd.s32 $0xFFFFFF81, v0;
	v49 =	vmul.f32 $1.111111120e-01, v46  }
0xb4: {  	v0 =	vcvt.s32.f32 v0;
	v53 =	vadd.f32 $2.000000000e+00, v51;
	vm3 =	vne.s32 v2, $0x0  }
0xb5: {  	v28 =	vsel vm7, $0x1E3CE508, v11;
	v52 =	vadd.f32 $1.428571490e-01, v49;
	vm2 =	vmor vm3, vm13  }
0xb6: {  	v60 =	vadd.f32 $1.000000000e+00, v0;
	(erf) = vrcp.f32 v53;
	v9 =	vsel vm2, v9, v6  }
0xb7: {  	v10 =	vadd.f32 v26, v62;
	v3 =	vmul.f32 v52, v46;
	v55 =	vand.u32 $0x7FFFFF, v9  }
0xb8: {  	v0 =	vsel vm10, v60, v0;
	v7 =	vshra.s32 v41, $0x17;
	v56 =	vor.u32 $0x3F800000, v55  }
0xb9: {  	v4 =	vld [tilespmem:$0x140];
	v7 =	vadd.s32 $0xFFFFFF81, v7;
	v3 =	vadd.f32 $2.000000030e-01, v3;
	v57 =	vmul.f32 $5.000000000e-01, v56  }
0xba: {  	v0 =	vmul.f32 $6.931471820e-01, v0;
	v7 =	vcvt.s32.f32 v7;
	vm14 =	vge.f32 v56, $1.414213540e+00  }
0xbb: {  	v9 =	vshra.s32 v9, $0x17;
	v54 =	vmul.f32 v3, v46;
	v3 =	vld [tilespmem:$0x130];
	v61 =	vsel vm14, v57, v56  }
0xbc: {  	v37 =	vadd.f32 $1.000000000e+00, v7;
	v9 =	vadd.s32 $0xFFFFFF81, v9;
	v8 =	vadd.f32 $-1.000000000e+00, v61  }
0xbd: {  	v24 =	vld [tilespmem:$0x440];
	v20 =	vadd.f32 v42, v42;
	v9 =	vcvt.s32.f32 v9;
	v6 =	vadd.f32 $3.333333430e-01, v54  }
0xbe: {  	vm8 =	vne.s32 v4, $0x0;
	v7 =	vsel vm12, v37, v7;
	v23 =	vadd.f32 $2.000000000e+00, v8  }
0xbf: {  	v7 =	vmul.f32 $6.931471820e-01, v7;
	v43 =	vadd.f32 $1.000000000e+00, v9;
	v6 =	vmul.f32 v6, v46;
	v21 =	vpop (erf)  }
0xc0: {  	v12 =	vmul.f32 v21, v51;
	(erf) = vrcp.f32 v23;
	vm6 =	vne.s32 v3, $0x0  }
0xc1: {  	v46 =	vld [tilespmem:$0x60];
	v6 =	vadd.f32 $1.000000000e+00, v6;
	vm1 =	vmor vm6, vm15;
	vm6 =	veq.s32 v1, $0xFFFFFF9C  }
0xc2: {  	v25 =	vmul.f32 v12, v12;
	v10 =	vsel vm1, v10, v13;
	v13 =	vadd.f32 v28, v24  }
0xc3: {  	v21 =	vld [tilespmem:$0x50];
	vm1 =	vmor vm8, vm7;
	v12 =	vadd.f32 v12, v12;
	vm7 =	veq.s32 v2, $0xFFFFFF9C  }
0xc4: {  	vm8 =	veq.s32 v3, $0xFFFFFF9C;
	v6 =	vmul.f32 v6, v20;
	v29 =	vand.u32 $0x7FFFFF, v10  }
0xc5: {  	v10 =	vshra.s32 v10, $0x17;
	v27 =	vmul.f32 $1.111111120e-01, v25;
	v30 =	vor.u32 $0x3F800000, v29  }
0xc6: {  	v36 =	vld [tilespmem:$0x550];
	v11 =	vsel vm1, v13, v11;
	vm13 =	veq.s32 v46, $0x0;
	v10 =	vadd.s32 $0xFFFFFF81, v10  }
0xc7: {  	v0 =	vadd.f32 v6, v0;
	v16 =	vmul.f32 $5.000000000e-01, v30;
	vm9 =	vge.f32 v30, $1.414213540e+00  }
0xc8: {  	v13 =	vand.u32 $0x7FFFFF, v11;
	vm11 =	veq.s32 v21, $0x0;
	v10 =	vcvt.s32.f32 v10  }
0xc9: {  	v11 =	vshra.s32 v11, $0x17;
	v6 =	vadd.f32 $1.428571490e-01, v27;
	v13 =	vor.u32 $0x3F800000, v13  }
0xca: {  	v11 =	vadd.s32 $0xFFFFFF81, v11;
	v0 =	vsub.f32 $0.0e+00, v0;
	v14 =	vsel vm9, v16, v30  }
0xcb: {  	v32 =	vmul.f32 $5.000000000e-01, v13;
	v16 =	vadd.f32 $9.999999680e-21, v36;
	v6 =	vmul.f32 v6, v25  }
0xcc: {  	vm10 =	vge.f32 v13, $1.414213540e+00;
	v59 =	vadd.f32 $1.000000000e+00, v10;
	v14 =	vadd.f32 $-1.000000000e+00, v14;
	v31 =	vpop (erf)  }
0xcd: {  	v39 =	vld [tilespmem:$0x450];
	v13 =	vsel vm10, v32, v13;
	v6 =	vadd.f32 $2.000000030e-01, v6;
	v8 =	vmul.f32 v31, v8  }
0xce: {  	v45 =	vld [tilespmem:$0x560];
	v11 =	vcvt.s32.f32 v11;
	v33 =	vadd.f32 $2.000000000e+00, v14;
	v13 =	vadd.f32 $-1.000000000e+00, v13  }
0xcf: {  	v27 =	vld [tilespmem:$0x70];
	v0 =	vsel vm4, $0x0, v0;
	v6 =	vmul.f32 v6, v25;
	v34 =	vmul.f32 v8, v8  }
0xd0: {  	v41 =	vsel vm11, $0x1E3CE508, v16;
	(erf) = vrcp.f32 v33;
	v20 =	vadd.f32 $2.000000000e+00, v13  }
0xd1: {  	v10 =	vsel vm9, v59, v10;
	v35 =	vadd.f32 $3.333333430e-01, v6;
	v19 =	vmul.f32 $1.111111120e-01, v34;
	v6 =	vld [tilespmem:$0x150]  }
0xd2: {  	v22 =	vld [tilespmem:$0x460];
	v62 =	vadd.f32 $1.000000000e+00, v11;
	v42 =	vadd.f32 v41, v39;
	(erf) = vrcp.f32 v20  }
0xd3: {  	v36 =	vld [tilespmem:$0x80];
	v10 =	vmul.f32 $6.931471820e-01, v10;
	v5 =	vmul.f32 v35, v25;
	v38 =	vadd.f32 $1.428571490e-01, v19  }
0xd4: {  	v11 =	vsel vm10, v62, v11;
	vm9 =	veq.s32 v27, $0x0;
	v19 =	vadd.f32 $9.999999680e-21, v45  }
0xd5: {  	v8 =	vadd.f32 v8, v8;
	v5 =	vadd.f32 $1.000000000e+00, v5;
	v15 =	vmul.f32 v38, v34  }
0xd6: {  	v11 =	vmul.f32 $6.931471820e-01, v11;
	v52 =	vsel vm13, $0x1E3CE508, v19;
	vm12 =	vne.s32 v6, $0x0  }
0xd7: {  	v21 =	vadd.f32 v52, v22;
	v5 =	vmul.f32 v5, v12;
	v40 =	vadd.f32 $2.000000030e-01, v15  }
0xd8: {  	vm0 =	vmor vm12, vm11;
	v15 =	vsel vm14, v43, v9;
	v9 =	vld [tilespmem:$0x160];
	vm11 =	veq.s32 v36, $0x0  }
0xd9: {  	v44 =	vpop (erf);
	v5 =	vadd.f32 v5, v7;
	v12 =	vmul.f32 v40, v34;
	v7 =	vsel vm0, v42, v16  }
0xda: {  	v15 =	vmul.f32 $6.931471820e-01, v15;
	v14 =	vmul.f32 v44, v14;
	v47 =	vand.u32 $0x7FFFFF, v7  }
0xdb: {  	v49 =	vpop (erf);
	v32 =	vshra.s32 v7, $0x17;
	v5 =	vsub.f32 $0.0e+00, v5;
	v12 =	vadd.f32 $3.333333430e-01, v12  }
0xdc: {  	v48 =	vmul.f32 v14, v14;
	v18 =	vor.u32 $0x3F800000, v47;
	v13 =	vmul.f32 v49, v13  }
0xdd: {  	v50 =	vmul.f32 $5.000000000e-01, v18;
	vm0 =	vge.f32 v18, $1.414213540e+00;
	vm14 =	vne.s32 v9, $0x0  }
0xde: {  	v23 =	vmul.f32 $1.111111120e-01, v48;
	v24 =	vmul.f32 v13, v13;
	vm2 =	vmor vm14, vm13  }
0xdf: {  	v12 =	vmul.f32 v12, v34;
	v1 =	vsel vm6, $0x0, v5;
	v5 =	vadd.s32 $0xFFFFFF81, v32  }
0xe0: {  	v18 =	vsel vm0, v50, v18;
	v19 =	vsel vm2, v21, v19;
	v51 =	vadd.f32 $1.428571490e-01, v23  }
0xe1: {  	v35 =	vld [tilespmem:$0x580];
	v18 =	vadd.f32 $-1.000000000e+00, v18;
	v53 =	vmul.f32 $1.111111120e-01, v24;
	v21 =	vand.u32 $0x7FFFFF, v19  }
0xe2: {  	v12 =	vadd.f32 $1.000000000e+00, v12;
	v21 =	vor.u32 $0x3F800000, v21;
	v16 =	vmul.f32 v51, v48  }
0xe3: {  	v54 =	vadd.f32 $2.000000000e+00, v18;
	v55 =	vadd.f32 $1.428571490e-01, v53;
	v56 =	vmul.f32 $5.000000000e-01, v21  }
0xe4: {  	vm15 =	vge.f32 v21, $1.414213540e+00;
	v8 =	vmul.f32 v12, v8;
	v16 =	vadd.f32 $2.000000030e-01, v16  }
0xe5: {  	(erf) = vrcp.f32 v54;
	v17 =	vmul.f32 v55, v24;
	v21 =	vsel vm15, v56, v21  }
0xe6: {  	v42 =	vadd.f32 $9.999999680e-21, v35;
	v37 =	vcvt.s32.f32 v5;
	v5 =	vld [tilespmem:$0x180];
	v58 =	vadd.f32 $-1.000000000e+00, v21  }
0xe7: {  	v8 =	vadd.f32 v8, v15;
	v16 =	vmul.f32 v16, v48;
	v17 =	vadd.f32 $2.000000030e-01, v17  }
0xe8: {  	v14 =	vadd.f32 v14, v14;
	v45 =	vsel vm11, $0x1E3CE508, v42;
	v32 =	vld [tilespmem:$0xA0];
	v60 =	vadd.f32 $2.000000000e+00, v58  }
0xe9: {  	v25 =	vsub.f32 $0.0e+00, v8;
	v8 =	vld [tilespmem:$0x170];
	v16 =	vadd.f32 $3.333333430e-01, v16;
	v57 =	vmul.f32 v17, v24  }
0xea: {  	v13 =	vadd.f32 v13, v13;
	vm13 =	veq.s32 v4, $0xFFFFFF9C;
	(erf) = vrcp.f32 v60  }
0xeb: {  	vm12 =	vne.s32 v5, $0x0;
	v16 =	vmul.f32 v16, v48;
	v12 =	vadd.f32 $3.333333430e-01, v57;
	v57 =	vld [tilespmem:$0x90]  }
0xec: {  	v40 =	vadd.f32 $1.000000000e+00, v37;
	v53 =	vshra.s32 v19, $0x17;
	vm3 =	vmor vm12, vm11  }
0xed: {  	vm11 =	veq.s32 v32, $0x0;
	v16 =	vadd.f32 $1.000000000e+00, v16;
	v12 =	vmul.f32 v12, v24;
	v24 =	vld [tilespmem:$0x570]  }
0xee: {  	v56 =	vld [tilespmem:$0x590];
	v3 =	vsel vm7, $0x0, v25;
	v17 =	vsel vm0, v40, v37;
	vm10 =	vne.s32 v8, $0x0;
	v61 =	vpop (erf)  }
0xef: {  	v18 =	vmul.f32 v61, v18;
	v14 =	vmul.f32 v16, v14;
	v12 =	vadd.f32 $1.000000000e+00, v12  }
0xf0: {  	v59 =	vmul.f32 $6.931471820e-01, v17;
	vm1 =	vmor vm10, vm9;
	vm14 =	veq.s32 v57, $0x0  }
0xf1: {  	v31 =	vld [tilespmem:$0x470];
	v63 =	vmul.f32 v18, v18;
	v10 =	vadd.f32 v14, v10;
	v12 =	vmul.f32 v12, v13  }
0xf2: {  	v39 =	vld [tilespmem:$0x480];
	v48 =	vadd.f32 v18, v18;
	v18 =	vadd.s32 $0xFFFFFF81, v53;
	v13 =	vadd.f32 $9.999999680e-21, v24  }
0xf3: {  	v61 =	vld [tilespmem:$0x490];
	v18 =	vcvt.s32.f32 v18;
	v24 =	vadd.f32 $9.999999680e-21, v56;
	v26 =	vmul.f32 $1.111111120e-01, v63;
	v34 =	vpop (erf)  }
0xf4: {  	v28 =	vsub.f32 $0.0e+00, v10;
	v29 =	vadd.f32 v12, v11;
	v11 =	vmul.f32 v34, v58  }
0xf5: {  	v20 =	vsel vm9, $0x1E3CE508, v13;
	v60 =	vadd.f32 $1.000000000e+00, v18;
	v25 =	vsel vm14, $0x1E3CE508, v24  }
0xf6: {  	vm9 =	veq.s32 v9, $0xFFFFFF9C;
	v30 =	vadd.f32 $1.428571490e-01, v26;
	v2 =	vsel vm8, $0x0, v28  }
0xf7: {  	v12 =	vadd.f32 v20, v31;
	v20 =	vadd.f32 v45, v39;
	v38 =	vmul.f32 v11, v11  }
0xf8: {  	v10 =	vsub.f32 $0.0e+00, v29;
	v26 =	vadd.f32 v25, v61;
	v33 =	vmul.f32 v30, v63  }
0xf9: {  	v12 =	vsel vm1, v12, v13;
	v13 =	vsel vm3, v20, v42;
	v41 =	vmul.f32 $1.111111120e-01, v38  }
0xfa: {  	v43 =	vand.u32 $0x7FFFFF, v12;
	v49 =	vand.u32 $0x7FFFFF, v13;
	v7 =	vadd.f32 $2.000000030e-01, v33  }
0xfb: {  	vm8 =	veq.s32 v6, $0xFFFFFF9C;
	v14 =	vor.u32 $0x3F800000, v43;
	v52 =	vor.u32 $0x3F800000, v49  }
0xfc: {  	v44 =	vadd.f32 $1.428571490e-01, v41;
	v46 =	vmul.f32 $5.000000000e-01, v14;
	v7 =	vmul.f32 v7, v63  }
0xfd: {  	vm1 =	vge.f32 v14, $1.414213540e+00;
	v55 =	vmul.f32 $5.000000000e-01, v52;
	vm3 =	vge.f32 v52, $1.414213540e+00  }
0xfe: {  	v47 =	vmul.f32 v44, v38;
	v14 =	vsel vm1, v46, v14;
	v7 =	vadd.f32 $3.333333430e-01, v7  }
0xff: {  	v17 =	vsel vm15, v60, v18;
	v15 =	vsel vm3, v55, v52;
	v14 =	vadd.f32 $-1.000000000e+00, v14  }
0x100: {  	v15 =	vadd.f32 $-1.000000000e+00, v15;
	v51 =	vadd.f32 $2.000000030e-01, v47;
	v7 =	vmul.f32 v7, v63  }
0x101: {  	v4 =	vsel vm13, $0x0, v10;
	v12 =	vshra.s32 v12, $0x17;
	v54 =	vadd.f32 $2.000000000e+00, v14  }
0x102: {  	v10 =	vld [tilespmem:$0x1A0];
	v63 =	vadd.f32 $2.000000000e+00, v15;
	v50 =	vadd.f32 $1.000000000e+00, v7;
	v7 =	vmul.f32 v51, v38  }
0x103: {  	v11 =	vadd.f32 v11, v11;
	v35 =	vadd.s32 $0xFFFFFF81, v12;
	(erf) = vrcp.f32 v54  }
0x104: {  	v30 =	vld [tilespmem:$0x5A0];
	v37 =	vcvt.s32.f32 v35;
	(erf) = vrcp.f32 v63;
	v58 =	vadd.f32 $3.333333430e-01, v7  }
0x105: {  	v17 =	vmul.f32 $6.931471820e-01, v17;
	v13 =	vshra.s32 v13, $0x17;
	v7 =	vld [tilespmem:$0x190];
	v16 =	vmul.f32 v50, v48  }
0x106: {  	v36 =	vld [tilespmem:$0x4A0];
	v13 =	vadd.s32 $0xFFFFFF81, v13;
	v40 =	vadd.f32 $1.000000000e+00, v37;
	v62 =	vmul.f32 v58, v38  }
0x107: {  	v13 =	vcvt.s32.f32 v13;
	vm12 =	vne.s32 v10, $0x0;
	v63 =	vld [tilespmem:$0xC0];
	v16 =	vadd.f32 v16, v59  }
0x108: {  	vm2 =	vmor vm12, vm11;
	v21 =	vsel vm1, v40, v37;
	v20 =	vadd.f32 $1.000000000e+00, v62  }
0x109: {  	v21 =	vmul.f32 $6.931471820e-01, v21;
	v27 =	vsub.f32 $0.0e+00, v16;
	v16 =	vadd.f32 $9.999999680e-21, v30  }
0x10a: {  	v46 =	vld [tilespmem:$0x5B0];
	v50 =	vadd.f32 $1.000000000e+00, v13;
	vm15 =	vne.s32 v7, $0x0;
	v11 =	vmul.f32 v20, v11  }
0x10b: {  	v30 =	vld [tilespmem:$0x5D0];
	vm7 =	vmor vm15, vm14;
	v6 =	vsel vm8, $0x0, v27;
	v43 =	vsel vm11, $0x1E3CE508, v16  }
0x10c: {  	v28 =	vpop (erf);
	v19 =	vsel vm7, v26, v24;
	v12 =	vadd.f32 v43, v36;
	vm7 =	veq.s32 v63, $0x0  }
0x10d: {  	v11 =	vadd.f32 v11, v17;
	v14 =	vmul.f32 v28, v14;
	v29 =	vand.u32 $0x7FFFFF, v19;
	v39 =	vpop (erf)  }
0x10e: {  	v19 =	vshra.s32 v19, $0x17;
	v31 =	vor.u32 $0x3F800000, v29;
	v15 =	vmul.f32 v39, v15  }
0x10f: {  	v12 =	vsel vm2, v12, v16;
	v16 =	vadd.f32 $9.999999680e-21, v46;
	v19 =	vadd.s32 $0xFFFFFF81, v19  }
0x110: {  	v26 =	vld [tilespmem:$0xB0];
	v43 =	vadd.f32 $9.999999680e-21, v30;
	v11 =	vsub.f32 $0.0e+00, v11;
	v33 =	vmul.f32 v14, v14  }
0x111: {  	v34 =	vmul.f32 $5.000000000e-01, v31;
	vm10 =	vge.f32 v31, $1.414213540e+00;
	v47 =	vand.u32 $0x7FFFFF, v12  }
0x112: {  	v14 =	vadd.f32 v14, v14;
	v19 =	vcvt.s32.f32 v19;
	v12 =	vshra.s32 v12, $0x17  }
0x113: {  	v41 =	vmul.f32 v15, v15;
	v15 =	vadd.f32 v15, v15;
	v58 =	vadd.s32 $0xFFFFFF81, v12;
	v12 =	vld [tilespmem:$0x1C0]  }
0x114: {  	v9 =	vsel vm9, $0x0, v11;
	v38 =	vmul.f32 $1.111111120e-01, v33;
	v17 =	vsel vm10, v34, v31  }
0x115: {  	vm14 =	veq.s32 v26, $0x0;
	v31 =	vld [tilespmem:$0xD0];
	v17 =	vadd.f32 $-1.000000000e+00, v17;
	v44 =	vmul.f32 $1.111111120e-01, v41  }
0x116: {  	v56 =	vadd.f32 $1.000000000e+00, v19;
	v59 =	vcvt.s32.f32 v58;
	v11 =	vadd.f32 $1.428571490e-01, v38  }
0x117: {  	v51 =	vsel vm14, $0x1E3CE508, v16;
	v42 =	vadd.f32 $2.000000000e+00, v17;
	v23 =	vadd.f32 $1.428571490e-01, v44  }
0x118: {  	v36 =	vadd.f32 $1.000000000e+00, v59;
	v25 =	vmul.f32 v11, v33;
	v11 =	vld [tilespmem:$0x1B0];
	vm8 =	vne.s32 v12, $0x0  }
0x119: {  	(erf) = vrcp.f32 v42;
	v48 =	vmul.f32 v23, v41;
	vm0 =	vmor vm8, vm7  }
0x11a: {  	v28 =	vld [tilespmem:$0x4B0];
	vm9 =	veq.s32 v31, $0x0;
	v45 =	vadd.f32 $2.000000030e-01, v25;
	v25 =	vor.u32 $0x3F800000, v47  }
0x11b: {  	vm8 =	veq.s32 v5, $0xFFFFFF9C;
	v49 =	vmul.f32 $5.000000000e-01, v25;
	v22 =	vadd.f32 $2.000000030e-01, v48  }
0x11c: {  	v46 =	vsel vm9, $0x1E3CE508, v43;
	vm13 =	vge.f32 v25, $1.414213540e+00;
	v18 =	vmul.f32 v45, v33  }
0x11d: {  	v23 =	vsel vm13, v49, v25;
	vm15 =	vne.s32 v11, $0x0;
	v22 =	vmul.f32 v22, v41  }
0x11e: {  	v27 =	vadd.f32 $3.333333430e-01, v18;
	v25 =	vadd.f32 $-1.000000000e+00, v23;
	v18 =	vsel vm3, v50, v13  }
0x11f: {  	vm2 =	vmor vm15, vm14;
	v13 =	vadd.f32 v51, v28;
	v22 =	vadd.f32 $3.333333430e-01, v22  }
0x120: {  	v34 =	vld [tilespmem:$0xE0];
	v18 =	vmul.f32 $6.931471820e-01, v18;
	v20 =	vmul.f32 v27, v33;
	v53 =	vadd.f32 $2.000000000e+00, v25  }
0x121: {  	v13 =	vsel vm2, v13, v16;
	v27 =	vsel vm10, v56, v19;
	v33 =	vld [tilespmem:$0x5E0];
	v54 =	vmul.f32 v22, v41  }
0x122: {  	v62 =	vshra.s32 v13, $0x17;
	v13 =	vand.u32 $0x7FFFFF, v13;
	v22 =	vsel vm13, v36, v59  }
0x123: {  	v60 =	vld [tilespmem:$0x5C0];
	v27 =	vmul.f32 $6.931471820e-01, v27;
	v52 =	vpop (erf);
	v20 =	vadd.f32 $1.000000000e+00, v20;
	(erf) = vrcp.f32 v53  }
0x124: {  	v29 =	vor.u32 $0x3F800000, v13;
	v13 =	vld [tilespmem:$0x1D0];
	v22 =	vmul.f32 $6.931471820e-01, v22;
	v17 =	vmul.f32 v52, v17  }
0x125: {  	vm13 =	veq.s32 v34, $0x0;
	v53 =	vld [tilespmem:$0xF0];
	v39 =	vmul.f32 $5.000000000e-01, v29;
	v14 =	vmul.f32 v20, v14  }
0x126: {  	vm6 =	vge.f32 v29, $1.414213540e+00;
	v20 =	vadd.f32 $1.000000000e+00, v54;
	v33 =	vadd.f32 $9.999999680e-21, v33  }
0x127: {  	v23 =	vmul.f32 v17, v17;
	v17 =	vadd.f32 v17, v17;
	v16 =	vadd.f32 v14, v21  }
0x128: {  	v37 =	vld [tilespmem:$0x4C0];
	v24 =	vmul.f32 v20, v15;
	v20 =	vadd.s32 $0xFFFFFF81, v62;
	v15 =	vadd.f32 $9.999999680e-21, v60  }
0x129: {  	v14 =	vsel vm6, v39, v29;
	v55 =	vmul.f32 $1.111111120e-01, v23;
	v20 =	vcvt.s32.f32 v20  }
0x12a: {  	v41 =	vld [tilespmem:$0x4D0];
	v29 =	vadd.f32 $-1.000000000e+00, v14;
	vm10 =	vne.s32 v13, $0x0;
	vm15 =	veq.s32 v53, $0x0  }
0x12b: {  	v42 =	vsel vm7, $0x1E3CE508, v15;
	v18 =	vadd.f32 v24, v18;
	v16 =	vsub.f32 $0.0e+00, v16  }
0x12c: {  	vm7 =	veq.s32 v8, $0xFFFFFF9C;
	v57 =	vadd.f32 $1.428571490e-01, v55;
	v40 =	vadd.f32 $1.000000000e+00, v20  }
0x12d: {  	v14 =	vadd.f32 v42, v37;
	v45 =	vadd.f32 $2.000000000e+00, v29;
	v55 =	vsel vm13, $0x1E3CE508, v33  }
0x12e: {  	v16 =	vsel vm7, $0x0, v16;
	v18 =	vsub.f32 $0.0e+00, v18;
	v61 =	vmul.f32 v57, v23  }
0x12f: {  	v19 =	vsel vm6, v40, v20;
	v14 =	vsel vm0, v14, v15;
	v15 =	vadd.f32 v46, v41  }
0x130: {  	v38 =	vpop (erf);
	vm0 =	vmor vm10, vm9;
	(erf) = vrcp.f32 v45;
	vm9 =	veq.s32 v7, $0xFFFFFF9C  }
0x131: {  	vm10 =	veq.s32 v10, $0xFFFFFF9C;
	v25 =	vmul.f32 v38, v25;
	v47 =	vshra.s32 v14, $0x17  }
0x132: {  	v49 =	vand.u32 $0x7FFFFF, v14;
	v14 =	vld [tilespmem:$0x1E0];
	v28 =	vadd.f32 $2.000000030e-01, v61;
	v15 =	vsel vm0, v15, v43  }
0x133: {  	v38 =	vld [tilespmem:$0x5F0];
	v48 =	vadd.s32 $0xFFFFFF81, v47;
	v31 =	vor.u32 $0x3F800000, v49;
	v51 =	vshra.s32 v15, $0x17  }
0x134: {  	v36 =	vld [tilespmem:$0x4E0];
	v32 =	vmul.f32 v25, v25;
	v21 =	vcvt.s32.f32 v48;
	v30 =	vadd.s32 $0xFFFFFF81, v51  }
0x135: {  	v54 =	vld [tilespmem:$0x4F0];
	v50 =	vmul.f32 $5.000000000e-01, v31;
	v15 =	vand.u32 $0x7FFFFF, v15;
	v30 =	vcvt.s32.f32 v30  }
0x136: {  	vm11 =	vge.f32 v31, $1.414213540e+00;
	v37 =	vor.u32 $0x3F800000, v15;
	v15 =	vld [tilespmem:$0x1F0];
	v28 =	vmul.f32 v28, v23  }
0x137: {  	v44 =	vmul.f32 $1.111111120e-01, v32;
	v35 =	vadd.f32 $1.000000000e+00, v21;
	v39 =	vadd.f32 $1.000000000e+00, v30  }
0x138: {  	vm12 =	vge.f32 v37, $1.414213540e+00;
	vm14 =	vne.s32 v14, $0x0;
	v56 =	vadd.f32 $9.999999680e-21, v38  }
0x139: {  	v20 =	vsel vm11, v35, v21;
	v21 =	vsel vm12, v39, v30;
	v30 =	vadd.f32 v55, v36  }
0x13a: {  	v31 =	vsel vm11, v50, v31;
	vm0 =	vmor vm14, vm13;
	v58 =	vsel vm15, $0x1E3CE508, v56  }
0x13b: {  	vm4 =	vne.s32 v15, $0x0;
	v30 =	vsel vm0, v30, v33;
	v33 =	vadd.f32 v58, v54  }
0x13c: {  	v52 =	vmul.f32 $5.000000000e-01, v37;
	v31 =	vadd.f32 $-1.000000000e+00, v31;
	vm0 =	vmor vm4, vm15  }
0x13d: {  	v28 =	vadd.f32 $3.333333430e-01, v28;
	v61 =	vand.u32 $0x7FFFFF, v30;
	v33 =	vsel vm0, v33, v56  }
0x13e: {  	v37 =	vsel vm12, v52, v37;
	v35 =	vor.u32 $0x3F800000, v61;
	v36 =	vand.u32 $0x7FFFFF, v33  }
0x13f: {  	v37 =	vadd.f32 $-1.000000000e+00, v37;
	v62 =	vmul.f32 $5.000000000e-01, v35;
	v36 =	vor.u32 $0x3F800000, v36  }
0x140: {  	v57 =	vadd.f32 $2.000000000e+00, v31;
	vm5 =	vge.f32 v35, $1.414213540e+00;
	v63 =	vmul.f32 $5.000000000e-01, v36  }
0x141: {  	v60 =	vadd.f32 $2.000000000e+00, v37;
	v41 =	vsel vm5, v62, v35;
	vm6 =	vge.f32 v36, $1.414213540e+00  }
0x142: {  	(erf) = vrcp.f32 v57;
	v34 =	vadd.f32 $-1.000000000e+00, v41;
	v36 =	vsel vm6, v63, v36  }
0x143: {  	v26 =	vadd.f32 $1.428571490e-01, v44;
	v59 =	vpop (erf);
	(erf) = vrcp.f32 v60;
	v36 =	vadd.f32 $-1.000000000e+00, v36  }
0x144: {  	v19 =	vmul.f32 $6.931471820e-01, v19;
	v29 =	vmul.f32 v59, v29;
	v44 =	vadd.f32 $2.000000000e+00, v34  }
0x145: {  	v23 =	vmul.f32 v28, v23;
	v26 =	vmul.f32 v26, v32;
	v45 =	vadd.f32 $2.000000000e+00, v36  }
0x146: {  	v25 =	vadd.f32 v25, v25;
	v43 =	vmul.f32 v29, v29;
	(erf) = vrcp.f32 v44  }
0x147: {  	vm11 =	veq.s32 v11, $0xFFFFFF9C;
	v23 =	vadd.f32 $1.000000000e+00, v23;
	(erf) = vrcp.f32 v45  }
0x148: {  	v26 =	vadd.f32 $2.000000030e-01, v26;
	v30 =	vshra.s32 v30, $0x17;
	v46 =	vmul.f32 $1.111111120e-01, v43  }
0x149: {  	vm13 =	veq.s32 v13, $0xFFFFFF9C;
	v54 =	vmul.f32 v23, v17;
	v30 =	vadd.s32 $0xFFFFFF81, v30  }
0x14a: {  	v26 =	vmul.f32 v26, v32;
	v47 =	vshra.s32 v33, $0x17;
	v8 =	vadd.f32 $1.428571490e-01, v46  }
0x14b: {  	v29 =	vadd.f32 v29, v29;
	v30 =	vcvt.s32.f32 v30;
	v28 =	vadd.s32 $0xFFFFFF81, v47;
	v48 =	vpop (erf)  }
0x14c: {  	v26 =	vadd.f32 $3.333333430e-01, v26;
	v49 =	vcvt.s32.f32 v28;
	v8 =	vmul.f32 v8, v43;
	v50 =	vpop (erf)  }
0x14d: {  	v5 =	vadd.f32 v54, v27;
	v31 =	vmul.f32 v48, v31;
	v28 =	vmul.f32 v50, v37  }
0x14e: {  	v42 =	vadd.f32 $1.000000000e+00, v30;
	v26 =	vmul.f32 v26, v32;
	v8 =	vadd.f32 $2.000000030e-01, v8  }
0x14f: {  	v5 =	vsub.f32 $0.0e+00, v5;
	v52 =	vmul.f32 v31, v31;
	v53 =	vmul.f32 v28, v28;
	v56 =	vpop (erf)  }
0x150: {  	v26 =	vadd.f32 $1.000000000e+00, v26;
	v8 =	vmul.f32 v8, v43;
	v23 =	vmul.f32 v56, v34;
	v58 =	vpop (erf)  }
0x151: {  	v51 =	vadd.f32 $1.000000000e+00, v49;
	v57 =	vmul.f32 $1.111111120e-01, v53;
	v34 =	vmul.f32 v58, v36  }
0x152: {  	v25 =	vmul.f32 v26, v25;
	v8 =	vadd.f32 $3.333333430e-01, v8;
	v59 =	vmul.f32 v23, v23  }
0x153: {  	v55 =	vmul.f32 $1.111111120e-01, v52;
	v26 =	vadd.f32 $1.428571490e-01, v57;
	v61 =	vmul.f32 v34, v34  }
0x154: {  	v22 =	vadd.f32 v25, v22;
	v8 =	vmul.f32 v8, v43;
	v62 =	vmul.f32 $1.111111120e-01, v59  }
0x155: {  	v17 =	vadd.f32 $1.428571490e-01, v55;
	v60 =	vmul.f32 v26, v53;
	v63 =	vmul.f32 $1.111111120e-01, v61  }
0x156: {  	v30 =	vsel vm5, v42, v30;
	v8 =	vadd.f32 $1.000000000e+00, v8;
	v37 =	vadd.f32 $1.428571490e-01, v62  }
0x157: {  	v17 =	vmul.f32 v17, v52;
	v25 =	vadd.f32 $2.000000030e-01, v60;
	v38 =	vadd.f32 $1.428571490e-01, v63  }
0x158: {  	v5 =	vsel vm9, $0x0, v5;
	v8 =	vmul.f32 v8, v29;
	v29 =	vmul.f32 v37, v59  }
0x159: {  	v17 =	vadd.f32 $2.000000030e-01, v17;
	v25 =	vmul.f32 v25, v53;
	v35 =	vmul.f32 v38, v61  }
0x15a: {  	v24 =	vsel vm6, v51, v49;
	v44 =	vsel vm8, $0x0, v18;
	v40 =	vadd.f32 $2.000000030e-01, v29  }
0x15b: {  	v17 =	vmul.f32 v17, v52;
	v25 =	vadd.f32 $3.333333430e-01, v25;
	v42 =	vadd.f32 $2.000000030e-01, v35  }
0x15c: {  	v45 =	vadd.f32 v28, v28;
	v39 =	vadd.f32 v8, v19;
	v8 =	vmul.f32 v40, v59  }
0x15d: {  	[tilespmem:$0x600] =	vst v0;
	v17 =	vadd.f32 $3.333333430e-01, v17;
	v41 =	vmul.f32 v25, v53;
	v25 =	vmul.f32 v42, v61  }
0x15e: {  	[tilespmem:$0x610] =	vst v1;
	v50 =	vmul.f32 $6.931471820e-01, v20;
	v43 =	vadd.f32 v31, v31;
	v8 =	vadd.f32 $3.333333430e-01, v8  }
0x15f: {  	[tilespmem:$0x620] =	vst v3;
	v55 =	vsub.f32 $0.0e+00, v22;
	v17 =	vmul.f32 v17, v52;
	v47 =	vadd.f32 $3.333333430e-01, v25  }
0x160: {  	[tilespmem:$0x630] =	vst v2;
	v56 =	vmul.f32 $6.931471820e-01, v30;
	v46 =	vadd.f32 $1.000000000e+00, v41;
	v8 =	vmul.f32 v8, v59  }
0x161: {  	[tilespmem:$0x640] =	vst v4;
	v51 =	vadd.f32 v23, v23;
	v17 =	vadd.f32 $1.000000000e+00, v17;
	v49 =	vmul.f32 v47, v61  }
0x162: {  	[tilespmem:$0x650] =	vst v6;
	v52 =	vmul.f32 $6.931471820e-01, v21;
	v1 =	vmul.f32 v46, v45;
	v8 =	vadd.f32 $1.000000000e+00, v8  }
0x163: {  	[tilespmem:$0x660] =	vst v9;
	v53 =	vadd.f32 v34, v34;
	v48 =	vmul.f32 v17, v43;
	v2 =	vadd.f32 $1.000000000e+00, v49  }
0x164: {  	[tilespmem:$0x670] =	vst v16;
	v58 =	vmul.f32 $6.931471820e-01, v24;
	v1 =	vadd.f32 v1, v52;
	v54 =	vmul.f32 v8, v51  }
0x165: {  	[tilespmem:$0x690] =	vst v5;
	v7 =	vsub.f32 $0.0e+00, v39;
	v3 =	vadd.f32 v48, v50;
	v2 =	vmul.f32 v2, v53  }
0x166: {  	[tilespmem:$0x680] =	vst v44;
	v57 =	vsel vm10, $0x0, v55;
	v1 =	vsub.f32 $0.0e+00, v1;
	v4 =	vadd.f32 v54, v56  }
0x167: {  	[tilespmem:$0x6A0] =	vst v57;
	v60 =	vsel vm11, $0x0, v7;
	v3 =	vsub.f32 $0.0e+00, v3;
	v59 =	vadd.f32 v2, v58  }
0x168: {  	vm12 =	veq.s32 v12, $0xFFFFFF9C;
	[tilespmem:$0x6B0] =	vst v60;
	v1 =	vsel vm13, $0x0, v1;
	v62 =	vsub.f32 $0.0e+00, v4  }
0x169: {  	vm14 =	veq.s32 v14, $0xFFFFFF9C;
	v61 =	vsel vm12, $0x0, v3;
	[tilespmem:$0x6D0] =	vst v1;
	v0 =	vsub.f32 $0.0e+00, v59  }
0x16a: {  	vm15 =	veq.s32 v15, $0xFFFFFF9C;
	[tilespmem:$0x6C0] =	vst v61;
	v63 =	vsel vm14, $0x0, v62  }
0x16b: {  	[tilespmem:$0x6E0] =	vst v63;
	v0 =	vsel vm15, $0x0, v0  }
0x16c: {  	s3 =	sadd.s32 s3, s4;
	s31 =	simm.s32 $0x3;
	s30 =	simm.s32 $0x600;
	[tilespmem:$0x6F0] =	vst v0  }
0x16d: {  	[hbm4b:s3+s2] =	stream.linear.scatter [tilespmem:s30], [sflag:$0x3], $0x100, $0x38;
	[tilespmem:$0x700] =	vst v63  }
0x16e: {  	_ =	swait.ge [sflag:s31], $0x100  }
0x16f: {  	[sflag:s31] =	ssyncset.done $0x0  }
0x170: {  	[sflag:s31] =	ssyncadd.s32 $0xFFFFFF00  }
0x171: {  	_ =	sfence.sel $0x180000  }
0x172: {  	[bflag:$0x0] =	sbarrier.arrive $0xFFFF  }
0x173: {  	p0 =	sne.s32 s1, $0x0;
	_ =	strace $0x90000047  }
0x174: {  	s0 =	sadd.s32 @!p0 $0x100000, s0;
	[bflag:$0x2] =	sbarrier.arrive $0xFFFF  }
0x175: {  	[sflag:s0] =	ssyncadd.tile.s32 @!p0 $0x1;
	_ =	shalt  }
.Lfunc_end2:
_tile_overlayer_lowered:
.L_overlay_start_2:
0x176: {  	(tag) =	ssettag $0x2  }
0x177: {  	s0 =	rddreg [dreg:$0x0];
	s2 =	stileid.u32  }
0x178: {  	s1 =	rddreg [dreg:$0x1];
	p0 =	sne.s32 s2, $0x0  }
0x179: {  	s3 =	rddreg [dreg:$0x2];
	[bflag:$0x3] =	sbarrier.arrive $0xFFFF;
	s2 =	simm.s32 @!p0 $0x1C03  }
0x17a: {  	[timem:s3], [sflag:s2] =	dma.local @!p0 [hbm:s0], s1  }
0x17b: {  	s0 =	simm.s32 @!p0 $0x3  }
0x17c: {  	_ =	swait.ge @!p0 [sflag:s0], s1  }
0x17d: {  	s1 =	ssub.s32 @!p0 $0x0, s1;
	[sflag:s0] =	ssyncset.done @!p0 $0x0  }
0x17e: {  	[sflag:s0] =	ssyncadd.s32 @!p0 s1  }
0x17f: {  	[bflag:$0x3] =	sbarrier.arrive $0xFFFF  }
0x180: {  	_ =	shalt  }

</sc_bundles>
